<compile_context>
chip_gen: v7x
topology: tpu7x:2x2x1
jax: 0.10.2.dev20260603
libtpu: 0.0.44.dev20260713+nightly
codegen_flags: <defaults>
</compile_context>

<pallas_src>
import functools

import jax
import jax.numpy as jnp
from jax import lax
from jax.experimental import pallas as pl
from jax.experimental.pallas import tpu as pltpu
from jax.experimental.pallas import tpu_sc as plsc

B, S = 16384, 50
NUM_IDX = B * S
D = 32
NC = 2
NS = 16
NW = NC * NS
ROWS_PER_W = B // NW
CI = 32
CHUNK = CI * S
N_CHUNKS = ROWS_PER_W // CI
FH = D // 8
IH = B // 128
STAGE_BYTES = S * FH * 8 * CI * 4

_mesh = plsc.VectorSubcoreMesh(core_axis_name="c", subcore_axis_name="s")


@functools.partial(
    pl.kernel,
    mesh=_mesh,
    out_type=jax.ShapeDtypeStruct((S, FH, IH, 8, 128), jnp.float32),
    scratch_types=[
        pltpu.VMEM((CHUNK,), jnp.int32),
        pltpu.VMEM((CHUNK, D), jnp.float32),
        pltpu.VMEM((S, FH, 8, CI), jnp.float32),
        pltpu.SemaphoreType.DMA,
        pltpu.SemaphoreType.DMA,
    ],
    compiler_params=pltpu.CompilerParams(
        use_tc_tiling_on_sc=False, needs_layout_passes=False
    ),
)
def _embed_sc(idx_hbm, table_hbm, out_hbm, idx_v, rows_v, stage_v, gsem, wsem):
    wid = lax.axis_index("s") * NC + lax.axis_index("c")
    iota16 = lax.iota(jnp.int32, 16)
    row_lo = iota16 * S
    row_hi = row_lo + 16 * S

    def drain_stage():
        pltpu.make_async_copy(
            out_hbm.at[:, :, 0, :, pl.ds(0, CI)], stage_v, wsem
        ).wait()

    def body(c, _):
        i0 = wid * ROWS_PER_W + c * CI
        ih = 4 * wid + c // 4
        il0 = (c % 4) * CI
        pltpu.sync_copy(idx_hbm.at[pl.ds(i0 * S, CHUNK)], idx_v)
        pltpu.async_copy(table_hbm.at[idx_v], rows_v, gsem).wait()

        @pl.when(c > 0)
        def _():
            drain_stage()

        for f in range(D):
            rot = (iota16 + f) & (D - 1)
            fh_i = rot >> 3
            fl_i = rot & 7

            def transpose_j(j, _, rot=rot, fh_i=fh_i, fl_i=fl_i):
                jv = jnp.full((16,), 0, jnp.int32) + j
                v0 = plsc.load_gather(rows_v, [row_lo + j, rot])
                v1 = plsc.load_gather(rows_v, [row_hi + j, rot])
                plsc.store_scatter(stage_v, [jv, fh_i, fl_i, iota16], v0)
                plsc.store_scatter(stage_v, [jv, fh_i, fl_i, iota16 + 16], v1)
                return ()

            lax.fori_loop(0, S, transpose_j, ())

        def wb_j(j, _):
            pltpu.async_copy(
                stage_v.at[j],
                out_hbm.at[j, :, ih, :, pl.ds(il0, CI)],
                wsem,
            )
            return ()

        lax.fori_loop(0, S, wb_j, ())
        return ()

    lax.fori_loop(0, N_CHUNKS, body, ())
    drain_stage()


def kernel(x, embedding):
    idx = x.astype(jnp.int32).reshape(NUM_IDX)
    out5 = _embed_sc(idx, embedding)
    return jnp.transpose(out5, (2, 4, 0, 1, 3)).reshape(B, S, D)

# --- scband reference (transcript-rebuilt; emitter-appended) ---
"""Pipeline reference for scband-learnable-embed-9972914061824 (READ-ONLY COPY).

The authoritative reference and input builder live on the scoring server;
editing this copy changes nothing except your own understanding.
"""

import jax, jax.numpy as jnp
import numpy as np

OUTPUT_SIZE = 32
NUM_EMBEDDINGS = 1000000
# zero_emtpy_feature = False -> table has NUM_EMBEDDINGS + 1 rows
TABLE_ROWS = NUM_EMBEDDINGS + 1


def setup_inputs(seed: int = 0) -> dict:
    key = jax.random.key(seed)
    k1, k2 = jax.random.split(key)
    x = jax.random.randint(k1, (16384, 50), 0, NUM_EMBEDDINGS)
    embedding = jax.random.normal(k2, (TABLE_ROWS, OUTPUT_SIZE), dtype=jnp.float32) * 0.02
    return {"x": x, "embedding": embedding}


def reference(x, embedding):
    # Faithful translation of LearnableEmbed.__call__ with zero_emtpy_feature=False:
    #   embed = nn.Embed(num_embeddings + 1, features)(x.astype(int))
    #   return embed
    idx = x.astype(jnp.int32)
    return jnp.take(embedding, idx, axis=0)

if __name__ == "__main__":
    import jax
    _d = setup_inputs()
    print(jax.jit(kernel)(*tuple(_d.values())))

</pallas_src>

<mosaic_0001>
#map = affine_map<(d0, d1) -> (0)>
#map1 = affine_map<(d0, d1) -> (0, 0)>
#map2 = affine_map<(d0, d1) -> (0, 0, 0, 0, 0)>
module attributes {stable_mosaic.version = 14 : i64} {
  func.func @_embed_sc(%arg0: i32, %arg1: i32, %arg2: memref<819200xi32, #tpu.memory_space<hbm>>, %arg3: memref<1000001x32xf32, #tpu.memory_space<hbm>>, %arg4: memref<50x4x128x8x128xf32, #tpu.memory_space<hbm>>, %arg5: memref<1600xi32, #tpu.memory_space<vmem>>, %arg6: memref<1600x32xf32, #tpu.memory_space<vmem>>, %arg7: memref<50x4x8x32xf32, #tpu.memory_space<vmem>>, %arg8: memref<!tpu.dma_semaphore, #tpu.memory_space<semaphore_mem>>, %arg9: memref<!tpu.dma_semaphore, #tpu.memory_space<semaphore_mem>>) attributes {dimension_semantics = [#tpu.dimension_semantics<core_parallel>, #tpu.dimension_semantics<subcore_parallel>], iteration_bounds = array<i64: 2, 16>, scalar_prefetch = 0 : i64, scratch_operands = 5 : i64, tpu.core_type = #tpu.core_type<sc_vector_subcore>, window_params = [{transform_indices = #map}, {transform_indices = #map1}, {transform_indices = #map2}]} {
    %mul3A = arith.constant 2 : i32
    %mul3A_0 = arith.muli %arg1, %mul3A : i32
    %add3A = arith.addi %mul3A_0, %arg0 : i32
    %iota3A = tpu.iota {dimensions = array<i32: 0>} : vector<16xi32>
    %mul3A_1 = arith.constant 50 : i32
    %mul3A_2 = vector.broadcast %mul3A_1 : i32 to vector<16xi32>
    %mul3A_3 = arith.muli %iota3A, %mul3A_2 : vector<16xi32>
    %add3A_4 = arith.constant 800 : i32
    %add3A_5 = vector.broadcast %add3A_4 : i32 to vector<16xi32>
    %add3A_6 = arith.addi %mul3A_3, %add3A_5 : vector<16xi32>
    %scan3A = arith.constant 0 : i32
    %scan3A_7 = arith.constant 16 : i32
    %scan3A_8 = arith.addi %scan3A, %scan3A_7 : i32
    %scan3A_9 = arith.constant 1 : i32
    scf.for %scan3A_23 = %scan3A to %scan3A_8 step %scan3A_9  : i32 {
      %mul3A_24 = arith.constant 512 : i32
      %mul3A_25 = arith.muli %add3A, %mul3A_24 : i32
      %mul3A_26 = arith.constant 32 : i32
      %mul3A_27 = arith.muli %scan3A_23, %mul3A_26 : i32
      %add3A_28 = arith.addi %mul3A_25, %mul3A_27 : i32
      %mul3A_29 = arith.constant 4 : i32
      %mul3A_30 = arith.muli %mul3A_29, %add3A : i32
      %jit3A = arith.constant 4 : i32
      %div3A = arith.divsi %scan3A_23, %jit3A : i32
      %sign3A = arith.constant 0 : i32
      %sign3A_31 = arith.cmpi sgt, %scan3A_23, %sign3A : i32
      %sign3A_32 = arith.extui %sign3A_31 : i1 to i32
      %sign3A_33 = arith.constant 0 : i32
      %sign3A_34 = arith.cmpi slt, %scan3A_23, %sign3A_33 : i32
      %sign3A_35 = arith.extui %sign3A_34 : i1 to i32
      %sign3A_36 = arith.subi %sign3A_32, %sign3A_35 : i32
      %sign3A_37 = arith.constant 0 : i32
      %sign3A_38 = arith.cmpi sgt, %jit3A, %sign3A_37 : i32
      %sign3A_39 = arith.extui %sign3A_38 : i1 to i32
      %sign3A_40 = arith.constant 0 : i32
      %sign3A_41 = arith.cmpi slt, %jit3A, %sign3A_40 : i32
      %sign3A_42 = arith.extui %sign3A_41 : i1 to i32
      %sign3A_43 = arith.subi %sign3A_39, %sign3A_42 : i32
      %ne3A = arith.cmpi ne, %sign3A_36, %sign3A_43 : i32
      %rem3A = arith.remsi %scan3A_23, %jit3A : i32
      %ne3A_44 = arith.constant 0 : i32
      %ne3A_45 = arith.cmpi ne, %rem3A, %ne3A_44 : i32
      %and3A = arith.andi %ne3A, %ne3A_45 : i1
      %sub3A = arith.constant 1 : i32
      %sub3A_46 = arith.subi %div3A, %sub3A : i32
      %select_n3A = arith.select %and3A, %sub3A_46, %div3A : i32
      %add3A_47 = arith.addi %mul3A_30, %select_n3A : i32
      %jit3A_48 = arith.constant 4 : i32
      %eq3A = arith.constant 0 : i32
      %eq3A_49 = arith.cmpi eq, %jit3A_48, %eq3A : i32
      %jit3A_50 = arith.constant 1 : i32
      %select_n3A_51 = arith.select %eq3A_49, %jit3A_50, %jit3A_48 : i32
      %rem3A_52 = arith.remsi %scan3A_23, %select_n3A_51 : i32
      %ne3A_53 = arith.constant 0 : i32
      %ne3A_54 = arith.cmpi ne, %rem3A_52, %ne3A_53 : i32
      %lt3A = arith.constant 0 : i32
      %lt3A_55 = arith.cmpi slt, %rem3A_52, %lt3A : i32
      %lt3A_56 = arith.constant 0 : i32
      %lt3A_57 = arith.cmpi slt, %select_n3A_51, %lt3A_56 : i32
      %ne3A_58 = arith.xori %lt3A_55, %lt3A_57 : i1
      %and3A_59 = arith.andi %ne3A_58, %ne3A_54 : i1
      %add3A_60 = arith.addi %rem3A_52, %select_n3A_51 : i32
      %select_n3A_61 = arith.select %and3A_59, %add3A_60, %rem3A_52 : i32
      %mul3A_62 = arith.constant 32 : i32
      %mul3A_63 = arith.muli %select_n3A_61, %mul3A_62 : i32
      %mul3A_64 = arith.constant 50 : i32
      %mul3A_65 = arith.muli %add3A_28, %mul3A_64 : i32
      "tpu.region"() ({
        %run_scoped3A = tpu.sem_alloc : memref<!tpu.dma_semaphore, #tpu.memory_space<semaphore_mem>>
        %dma_start3A_621 = tpu.memref_slice %arg2[%mul3A_65] : memref<819200xi32, #tpu.memory_space<hbm>> -> memref<1600xi32, #tpu.memory_space<hbm>>
        %dma_start3A_622 = tpu.memref_slice %arg2[%mul3A_65] : memref<819200xi32, #tpu.memory_space<hbm>> -> memref<1600xi32, #tpu.memory_space<hbm>>
        tpu.enqueue_dma source(%dma_start3A_622 : memref<1600xi32, #tpu.memory_space<hbm>>) target(%arg5 : memref<1600xi32, #tpu.memory_space<vmem>>) target_semaphore(%run_scoped3A : memref<!tpu.dma_semaphore, #tpu.memory_space<semaphore_mem>>)
        %dma_wait3A_623 = tpu.memref_slice %arg2[%mul3A_65] : memref<819200xi32, #tpu.memory_space<hbm>> -> memref<1600xi32, #tpu.memory_space<hbm>>
        %dma_wait3A_624 = tpu.memref_slice %arg2[%mul3A_65] : memref<819200xi32, #tpu.memory_space<hbm>> -> memref<1600xi32, #tpu.memory_space<hbm>>
        tpu.wait_dma2 semaphore(%run_scoped3A : memref<!tpu.dma_semaphore, #tpu.memory_space<semaphore_mem>>) src(%dma_wait3A_624 : memref<1600xi32, #tpu.memory_space<hbm>>) dst(%arg5 : memref<1600xi32, #tpu.memory_space<vmem>>)
        tpu.yield
      }) : () -> ()
      %dma_start3A = arith.constant 0 : i32
      %dma_start3A_66 = arith.constant 0 : i32
      %dma_start3A_67 = tpu.memref_slice %arg3[%dma_start3A, %dma_start3A_66] : memref<1000001x32xf32, #tpu.memory_space<hbm>> -> memref<1000001x32xf32, #tpu.memory_space<hbm>>
      tpu.enqueue_indirect_dma source(%dma_start3A_67 : memref<1000001x32xf32, #tpu.memory_space<hbm>>) target(%arg6 : memref<1600x32xf32, #tpu.memory_space<vmem>>) offsets(%arg5 : memref<1600xi32, #tpu.memory_space<vmem>>) semaphore(%arg8 : memref<!tpu.dma_semaphore, #tpu.memory_space<semaphore_mem>>)
      %dma_wait3A_68 = arith.constant 0 : i32
      %dma_wait3A_69 = arith.constant 0 : i32
      %dma_wait3A_70 = tpu.memref_slice %arg3[%dma_wait3A_68, %dma_wait3A_69] : memref<1000001x32xf32, #tpu.memory_space<hbm>> -> memref<1000001x32xf32, #tpu.memory_space<hbm>>
      tpu.wait_indirect_dma semaphore(%arg8 : memref<!tpu.dma_semaphore, #tpu.memory_space<semaphore_mem>>) src(%dma_wait3A_70 : memref<1000001x32xf32, #tpu.memory_space<hbm>>) dst(%arg6 : memref<1600x32xf32, #tpu.memory_space<vmem>>)
      %gt3A = arith.constant 0 : i32
      %gt3A_71 = arith.cmpi sgt, %scan3A_23, %gt3A : i32
      %convert_element_type3A = arith.extui %gt3A_71 : i1 to i32
      %cond3A = arith.constant 0 : i32
      %cond3A_72 = arith.cmpi ne, %convert_element_type3A, %cond3A : i32
      scf.if %cond3A_72 {
        %dma_wait3A_621 = arith.constant 0 : i32
        %dma_wait3A_622 = arith.constant 0 : i32
        %dma_wait3A_623 = arith.constant 0 : i32
        %dma_wait3A_624 = arith.constant 0 : i32
        %dma_wait3A_625 = arith.constant 0 : i32
        %dma_wait3A_626 = tpu.memref_slice %arg4[%dma_wait3A_622, %dma_wait3A_623, %dma_wait3A_621, %dma_wait3A_624, %dma_wait3A_625] : memref<50x4x128x8x128xf32, #tpu.memory_space<hbm>> -> memref<50x4x1x8x32xf32, #tpu.memory_space<hbm>>
        %dma_wait3A_627 = tpu.memref_squeeze %dma_wait3A_626 : memref<50x4x1x8x32xf32, #tpu.memory_space<hbm>> -> memref<50x4x8x32xf32, #tpu.memory_space<hbm>>
        %dma_wait3A_628 = arith.constant 0 : i32
        %dma_wait3A_629 = arith.constant 0 : i32
        %dma_wait3A_630 = arith.constant 0 : i32
        %dma_wait3A_631 = arith.constant 0 : i32
        %dma_wait3A_632 = tpu.memref_slice %arg4[%dma_wait3A_628, %dma_wait3A_629, %dma_wait3A_621, %dma_wait3A_630, %dma_wait3A_631] : memref<50x4x128x8x128xf32, #tpu.memory_space<hbm>> -> memref<50x4x1x8x32xf32, #tpu.memory_space<hbm>>
        %dma_wait3A_633 = tpu.memref_squeeze %dma_wait3A_632 : memref<50x4x1x8x32xf32, #tpu.memory_space<hbm>> -> memref<50x4x8x32xf32, #tpu.memory_space<hbm>>
        tpu.wait_dma2 semaphore(%arg9 : memref<!tpu.dma_semaphore, #tpu.memory_space<semaphore_mem>>) src(%dma_wait3A_633 : memref<50x4x8x32xf32, #tpu.memory_space<hbm>>) dst(%arg7 : memref<50x4x8x32xf32, #tpu.memory_space<vmem>>)
      } else {
      }
      %add3A_73 = arith.constant 0 : i32
      %add3A_74 = vector.broadcast %add3A_73 : i32 to vector<16xi32>
      %add3A_75 = arith.addi %iota3A, %add3A_74 : vector<16xi32>
      %and3A_76 = arith.constant 31 : i32
      %and3A_77 = vector.broadcast %and3A_76 : i32 to vector<16xi32>
      %and3A_78 = arith.andi %add3A_75, %and3A_77 : vector<16xi32>
      %shift_right_arithmetic3A = arith.constant 3 : i32
      %shift_right_arithmetic3A_79 = vector.broadcast %shift_right_arithmetic3A : i32 to vector<16xi32>
      %shift_right_arithmetic3A_80 = arith.shrsi %and3A_78, %shift_right_arithmetic3A_79 : vector<16xi32>
      %and3A_81 = arith.constant 7 : i32
      %and3A_82 = vector.broadcast %and3A_81 : i32 to vector<16xi32>
      %and3A_83 = arith.andi %and3A_78, %and3A_82 : vector<16xi32>
      %scan3A_84 = arith.constant 0 : i32
      %scan3A_85 = arith.constant 50 : i32
      %scan3A_86 = arith.addi %scan3A_84, %scan3A_85 : i32
      %scan3A_87 = arith.constant 1 : i32
      scf.for %scan3A_621 = %scan3A_84 to %scan3A_86 step %scan3A_87  : i32 {
        %broadcast_in_dim3A = arith.constant 0 : i32
        %broadcast_in_dim3A_622 = vector.broadcast %broadcast_in_dim3A : i32 to vector<16xi32>
        %add3A_623 = vector.broadcast %scan3A_621 : i32 to vector<16xi32>
        %add3A_624 = arith.addi %broadcast_in_dim3A_622, %add3A_623 : vector<16xi32>
        %add3A_625 = vector.broadcast %scan3A_621 : i32 to vector<16xi32>
        %add3A_626 = arith.addi %mul3A_3, %add3A_625 : vector<16xi32>
        %gather3A = tpu.vector_load_idx %arg6[%add3A_626, %and3A_78] : memref<1600x32xf32, #tpu.memory_space<vmem>>[vector<16xi32>, vector<16xi32>], vector<16xf32>,
        %add3A_627 = vector.broadcast %scan3A_621 : i32 to vector<16xi32>
        %add3A_628 = arith.addi %add3A_6, %add3A_627 : vector<16xi32>
        %gather3A_629 = tpu.vector_load_idx %arg6[%add3A_628, %and3A_78] : memref<1600x32xf32, #tpu.memory_space<vmem>>[vector<16xi32>, vector<16xi32>], vector<16xf32>,
        tpu.vector_store_idx %arg7[%add3A_624, %shift_right_arithmetic3A_80, %and3A_83, %iota3A], %gather3A : memref<50x4x8x32xf32, #tpu.memory_space<vmem>>[vector<16xi32>, vector<16xi32>, vector<16xi32>, vector<16xi32>], vector<16xf32>,
        %add3A_630 = arith.constant 16 : i32
        %add3A_631 = vector.broadcast %add3A_630 : i32 to vector<16xi32>
        %add3A_632 = arith.addi %iota3A, %add3A_631 : vector<16xi32>
        tpu.vector_store_idx %arg7[%add3A_624, %shift_right_arithmetic3A_80, %and3A_83, %add3A_632], %gather3A_629 : memref<50x4x8x32xf32, #tpu.memory_space<vmem>>[vector<16xi32>, vector<16xi32>, vector<16xi32>, vector<16xi32>], vector<16xf32>,
      }
      %scan3A_88 = arith.constant 50 : i32
      %add3A_89 = arith.constant 1 : i32
      %add3A_90 = vector.broadcast %add3A_89 : i32 to vector<16xi32>
      %add3A_91 = arith.addi %iota3A, %add3A_90 : vector<16xi32>
      %and3A_92 = arith.constant 31 : i32
      %and3A_93 = vector.broadcast %and3A_92 : i32 to vector<16xi32>
      %and3A_94 = arith.andi %add3A_91, %and3A_93 : vector<16xi32>
      %shift_right_arithmetic3A_95 = arith.constant 3 : i32
      %shift_right_arithmetic3A_96 = vector.broadcast %shift_right_arithmetic3A_95 : i32 to vector<16xi32>
      %shift_right_arithmetic3A_97 = arith.shrsi %and3A_94, %shift_right_arithmetic3A_96 : vector<16xi32>
      %and3A_98 = arith.constant 7 : i32
      %and3A_99 = vector.broadcast %and3A_98 : i32 to vector<16xi32>
      %and3A_100 = arith.andi %and3A_94, %and3A_99 : vector<16xi32>
      %scan3A_101 = arith.constant 0 : i32
      %scan3A_102 = arith.constant 50 : i32
      %scan3A_103 = arith.addi %scan3A_101, %scan3A_102 : i32
      %scan3A_104 = arith.constant 1 : i32
      scf.for %scan3A_621 = %scan3A_101 to %scan3A_103 step %scan3A_104  : i32 {
        %broadcast_in_dim3A = arith.constant 0 : i32
        %broadcast_in_dim3A_622 = vector.broadcast %broadcast_in_dim3A : i32 to vector<16xi32>
        %add3A_623 = vector.broadcast %scan3A_621 : i32 to vector<16xi32>
        %add3A_624 = arith.addi %broadcast_in_dim3A_622, %add3A_623 : vector<16xi32>
        %add3A_625 = vector.broadcast %scan3A_621 : i32 to vector<16xi32>
        %add3A_626 = arith.addi %mul3A_3, %add3A_625 : vector<16xi32>
        %gather3A = tpu.vector_load_idx %arg6[%add3A_626, %and3A_94] : memref<1600x32xf32, #tpu.memory_space<vmem>>[vector<16xi32>, vector<16xi32>], vector<16xf32>,
        %add3A_627 = vector.broadcast %scan3A_621 : i32 to vector<16xi32>
        %add3A_628 = arith.addi %add3A_6, %add3A_627 : vector<16xi32>
        %gather3A_629 = tpu.vector_load_idx %arg6[%add3A_628, %and3A_94] : memref<1600x32xf32, #tpu.memory_space<vmem>>[vector<16xi32>, vector<16xi32>], vector<16xf32>,
        tpu.vector_store_idx %arg7[%add3A_624, %shift_right_arithmetic3A_97, %and3A_100, %iota3A], %gather3A : memref<50x4x8x32xf32, #tpu.memory_space<vmem>>[vector<16xi32>, vector<16xi32>, vector<16xi32>, vector<16xi32>], vector<16xf32>,
        %add3A_630 = arith.constant 16 : i32
        %add3A_631 = vector.broadcast %add3A_630 : i32 to vector<16xi32>
        %add3A_632 = arith.addi %iota3A, %add3A_631 : vector<16xi32>
        tpu.vector_store_idx %arg7[%add3A_624, %shift_right_arithmetic3A_97, %and3A_100, %add3A_632], %gather3A_629 : memref<50x4x8x32xf32, #tpu.memory_space<vmem>>[vector<16xi32>, vector<16xi32>, vector<16xi32>, vector<16xi32>], vector<16xf32>,
      }
      %scan3A_105 = arith.constant 50 : i32
      %add3A_106 = arith.constant 2 : i32
      %add3A_107 = vector.broadcast %add3A_106 : i32 to vector<16xi32>
      %add3A_108 = arith.addi %iota3A, %add3A_107 : vector<16xi32>
      %and3A_109 = arith.constant 31 : i32
      %and3A_110 = vector.broadcast %and3A_109 : i32 to vector<16xi32>
      %and3A_111 = arith.andi %add3A_108, %and3A_110 : vector<16xi32>
      %shift_right_arithmetic3A_112 = arith.constant 3 : i32
      %shift_right_arithmetic3A_113 = vector.broadcast %shift_right_arithmetic3A_112 : i32 to vector<16xi32>
      %shift_right_arithmetic3A_114 = arith.shrsi %and3A_111, %shift_right_arithmetic3A_113 : vector<16xi32>
      %and3A_115 = arith.constant 7 : i32
      %and3A_116 = vector.broadcast %and3A_115 : i32 to vector<16xi32>
      %and3A_117 = arith.andi %and3A_111, %and3A_116 : vector<16xi32>
      %scan3A_118 = arith.constant 0 : i32
      %scan3A_119 = arith.constant 50 : i32
      %scan3A_120 = arith.addi %scan3A_118, %scan3A_119 : i32
      %scan3A_121 = arith.constant 1 : i32
      scf.for %scan3A_621 = %scan3A_118 to %scan3A_120 step %scan3A_121  : i32 {
        %broadcast_in_dim3A = arith.constant 0 : i32
        %broadcast_in_dim3A_622 = vector.broadcast %broadcast_in_dim3A : i32 to vector<16xi32>
        %add3A_623 = vector.broadcast %scan3A_621 : i32 to vector<16xi32>
        %add3A_624 = arith.addi %broadcast_in_dim3A_622, %add3A_623 : vector<16xi32>
        %add3A_625 = vector.broadcast %scan3A_621 : i32 to vector<16xi32>
        %add3A_626 = arith.addi %mul3A_3, %add3A_625 : vector<16xi32>
        %gather3A = tpu.vector_load_idx %arg6[%add3A_626, %and3A_111] : memref<1600x32xf32, #tpu.memory_space<vmem>>[vector<16xi32>, vector<16xi32>], vector<16xf32>,
        %add3A_627 = vector.broadcast %scan3A_621 : i32 to vector<16xi32>
        %add3A_628 = arith.addi %add3A_6, %add3A_627 : vector<16xi32>
        %gather3A_629 = tpu.vector_load_idx %arg6[%add3A_628, %and3A_111] : memref<1600x32xf32, #tpu.memory_space<vmem>>[vector<16xi32>, vector<16xi32>], vector<16xf32>,
        tpu.vector_store_idx %arg7[%add3A_624, %shift_right_arithmetic3A_114, %and3A_117, %iota3A], %gather3A : memref<50x4x8x32xf32, #tpu.memory_space<vmem>>[vector<16xi32>, vector<16xi32>, vector<16xi32>, vector<16xi32>], vector<16xf32>,
        %add3A_630 = arith.constant 16 : i32
        %add3A_631 = vector.broadcast %add3A_630 : i32 to vector<16xi32>
        %add3A_632 = arith.addi %iota3A, %add3A_631 : vector<16xi32>
        tpu.vector_store_idx %arg7[%add3A_624, %shift_right_arithmetic3A_114, %and3A_117, %add3A_632], %gather3A_629 : memref<50x4x8x32xf32, #tpu.memory_space<vmem>>[vector<16xi32>, vector<16xi32>, vector<16xi32>, vector<16xi32>], vector<16xf32>,
      }
      %scan3A_122 = arith.constant 50 : i32
      %add3A_123 = arith.constant 3 : i32
      %add3A_124 = vector.broadcast %add3A_123 : i32 to vector<16xi32>
      %add3A_125 = arith.addi %iota3A, %add3A_124 : vector<16xi32>
      %and3A_126 = arith.constant 31 : i32
      %and3A_127 = vector.broadcast %and3A_126 : i32 to vector<16xi32>
      %and3A_128 = arith.andi %add3A_125, %and3A_127 : vector<16xi32>
      %shift_right_arithmetic3A_129 = arith.constant 3 : i32
      %shift_right_arithmetic3A_130 = vector.broadcast %shift_right_arithmetic3A_129 : i32 to vector<16xi32>
      %shift_right_arithmetic3A_131 = arith.shrsi %and3A_128, %shift_right_arithmetic3A_130 : vector<16xi32>
      %and3A_132 = arith.constant 7 : i32
      %and3A_133 = vector.broadcast %and3A_132 : i32 to vector<16xi32>
      %and3A_134 = arith.andi %and3A_128, %and3A_133 : vector<16xi32>
      %scan3A_135 = arith.constant 0 : i32
      %scan3A_136 = arith.constant 50 : i32
      %scan3A_137 = arith.addi %scan3A_135, %scan3A_136 : i32
      %scan3A_138 = arith.constant 1 : i32
      scf.for %scan3A_621 = %scan3A_135 to %scan3A_137 step %scan3A_138  : i32 {
        %broadcast_in_dim3A = arith.constant 0 : i32
        %broadcast_in_dim3A_622 = vector.broadcast %broadcast_in_dim3A : i32 to vector<16xi32>
        %add3A_623 = vector.broadcast %scan3A_621 : i32 to vector<16xi32>
        %add3A_624 = arith.addi %broadcast_in_dim3A_622, %add3A_623 : vector<16xi32>
        %add3A_625 = vector.broadcast %scan3A_621 : i32 to vector<16xi32>
        %add3A_626 = arith.addi %mul3A_3, %add3A_625 : vector<16xi32>
        %gather3A = tpu.vector_load_idx %arg6[%add3A_626, %and3A_128] : memref<1600x32xf32, #tpu.memory_space<vmem>>[vector<16xi32>, vector<16xi32>], vector<16xf32>,
        %add3A_627 = vector.broadcast %scan3A_621 : i32 to vector<16xi32>
        %add3A_628 = arith.addi %add3A_6, %add3A_627 : vector<16xi32>
        %gather3A_629 = tpu.vector_load_idx %arg6[%add3A_628, %and3A_128] : memref<1600x32xf32, #tpu.memory_space<vmem>>[vector<16xi32>, vector<16xi32>], vector<16xf32>,
        tpu.vector_store_idx %arg7[%add3A_624, %shift_right_arithmetic3A_131, %and3A_134, %iota3A], %gather3A : memref<50x4x8x32xf32, #tpu.memory_space<vmem>>[vector<16xi32>, vector<16xi32>, vector<16xi32>, vector<16xi32>], vector<16xf32>,
        %add3A_630 = arith.constant 16 : i32
        %add3A_631 = vector.broadcast %add3A_630 : i32 to vector<16xi32>
        %add3A_632 = arith.addi %iota3A, %add3A_631 : vector<16xi32>
        tpu.vector_store_idx %arg7[%add3A_624, %shift_right_arithmetic3A_131, %and3A_134, %add3A_632], %gather3A_629 : memref<50x4x8x32xf32, #tpu.memory_space<vmem>>[vector<16xi32>, vector<16xi32>, vector<16xi32>, vector<16xi32>], vector<16xf32>,
      }
      %scan3A_139 = arith.constant 50 : i32
      %add3A_140 = arith.constant 4 : i32
      %add3A_141 = vector.broadcast %add3A_140 : i32 to vector<16xi32>
      %add3A_142 = arith.addi %iota3A, %add3A_141 : vector<16xi32>
      %and3A_143 = arith.constant 31 : i32
      %and3A_144 = vector.broadcast %and3A_143 : i32 to vector<16xi32>
      %and3A_145 = arith.andi %add3A_142, %and3A_144 : vector<16xi32>
      %shift_right_arithmetic3A_146 = arith.constant 3 : i32
      %shift_right_arithmetic3A_147 = vector.broadcast %shift_right_arithmetic3A_146 : i32 to vector<16xi32>
      %shift_right_arithmetic3A_148 = arith.shrsi %and3A_145, %shift_right_arithmetic3A_147 : vector<16xi32>
      %and3A_149 = arith.constant 7 : i32
      %and3A_150 = vector.broadcast %and3A_149 : i32 to vector<16xi32>
      %and3A_151 = arith.andi %and3A_145, %and3A_150 : vector<16xi32>
      %scan3A_152 = arith.constant 0 : i32
      %scan3A_153 = arith.constant 50 : i32
      %scan3A_154 = arith.addi %scan3A_152, %scan3A_153 : i32
      %scan3A_155 = arith.constant 1 : i32
      scf.for %scan3A_621 = %scan3A_152 to %scan3A_154 step %scan3A_155  : i32 {
        %broadcast_in_dim3A = arith.constant 0 : i32
        %broadcast_in_dim3A_622 = vector.broadcast %broadcast_in_dim3A : i32 to vector<16xi32>
        %add3A_623 = vector.broadcast %scan3A_621 : i32 to vector<16xi32>
        %add3A_624 = arith.addi %broadcast_in_dim3A_622, %add3A_623 : vector<16xi32>
        %add3A_625 = vector.broadcast %scan3A_621 : i32 to vector<16xi32>
        %add3A_626 = arith.addi %mul3A_3, %add3A_625 : vector<16xi32>
        %gather3A = tpu.vector_load_idx %arg6[%add3A_626, %and3A_145] : memref<1600x32xf32, #tpu.memory_space<vmem>>[vector<16xi32>, vector<16xi32>], vector<16xf32>,
        %add3A_627 = vector.broadcast %scan3A_621 : i32 to vector<16xi32>
        %add3A_628 = arith.addi %add3A_6, %add3A_627 : vector<16xi32>
        %gather3A_629 = tpu.vector_load_idx %arg6[%add3A_628, %and3A_145] : memref<1600x32xf32, #tpu.memory_space<vmem>>[vector<16xi32>, vector<16xi32>], vector<16xf32>,
        tpu.vector_store_idx %arg7[%add3A_624, %shift_right_arithmetic3A_148, %and3A_151, %iota3A], %gather3A : memref<50x4x8x32xf32, #tpu.memory_space<vmem>>[vector<16xi32>, vector<16xi32>, vector<16xi32>, vector<16xi32>], vector<16xf32>,
        %add3A_630 = arith.constant 16 : i32
        %add3A_631 = vector.broadcast %add3A_630 : i32 to vector<16xi32>
        %add3A_632 = arith.addi %iota3A, %add3A_631 : vector<16xi32>
        tpu.vector_store_idx %arg7[%add3A_624, %shift_right_arithmetic3A_148, %and3A_151, %add3A_632], %gather3A_629 : memref<50x4x8x32xf32, #tpu.memory_space<vmem>>[vector<16xi32>, vector<16xi32>, vector<16xi32>, vector<16xi32>], vector<16xf32>,
      }
      %scan3A_156 = arith.constant 50 : i32
      %add3A_157 = arith.constant 5 : i32
      %add3A_158 = vector.broadcast %add3A_157 : i32 to vector<16xi32>
      %add3A_159 = arith.addi %iota3A, %add3A_158 : vector<16xi32>
      %and3A_160 = arith.constant 31 : i32
      %and3A_161 = vector.broadcast %and3A_160 : i32 to vector<16xi32>
      %and3A_162 = arith.andi %add3A_159, %and3A_161 : vector<16xi32>
      %shift_right_arithmetic3A_163 = arith.constant 3 : i32
      %shift_right_arithmetic3A_164 = vector.broadcast %shift_right_arithmetic3A_163 : i32 to vector<16xi32>
      %shift_right_arithmetic3A_165 = arith.shrsi %and3A_162, %shift_right_arithmetic3A_164 : vector<16xi32>
      %and3A_166 = arith.constant 7 : i32
      %and3A_167 = vector.broadcast %and3A_166 : i32 to vector<16xi32>
      %and3A_168 = arith.andi %and3A_162, %and3A_167 : vector<16xi32>
      %scan3A_169 = arith.constant 0 : i32
      %scan3A_170 = arith.constant 50 : i32
      %scan3A_171 = arith.addi %scan3A_169, %scan3A_170 : i32
      %scan3A_172 = arith.constant 1 : i32
      scf.for %scan3A_621 = %scan3A_169 to %scan3A_171 step %scan3A_172  : i32 {
        %broadcast_in_dim3A = arith.constant 0 : i32
        %broadcast_in_dim3A_622 = vector.broadcast %broadcast_in_dim3A : i32 to vector<16xi32>
        %add3A_623 = vector.broadcast %scan3A_621 : i32 to vector<16xi32>
        %add3A_624 = arith.addi %broadcast_in_dim3A_622, %add3A_623 : vector<16xi32>
        %add3A_625 = vector.broadcast %scan3A_621 : i32 to vector<16xi32>
        %add3A_626 = arith.addi %mul3A_3, %add3A_625 : vector<16xi32>
        %gather3A = tpu.vector_load_idx %arg6[%add3A_626, %and3A_162] : memref<1600x32xf32, #tpu.memory_space<vmem>>[vector<16xi32>, vector<16xi32>], vector<16xf32>,
        %add3A_627 = vector.broadcast %scan3A_621 : i32 to vector<16xi32>
        %add3A_628 = arith.addi %add3A_6, %add3A_627 : vector<16xi32>
        %gather3A_629 = tpu.vector_load_idx %arg6[%add3A_628, %and3A_162] : memref<1600x32xf32, #tpu.memory_space<vmem>>[vector<16xi32>, vector<16xi32>], vector<16xf32>,
        tpu.vector_store_idx %arg7[%add3A_624, %shift_right_arithmetic3A_165, %and3A_168, %iota3A], %gather3A : memref<50x4x8x32xf32, #tpu.memory_space<vmem>>[vector<16xi32>, vector<16xi32>, vector<16xi32>, vector<16xi32>], vector<16xf32>,
        %add3A_630 = arith.constant 16 : i32
        %add3A_631 = vector.broadcast %add3A_630 : i32 to vector<16xi32>
        %add3A_632 = arith.addi %iota3A, %add3A_631 : vector<16xi32>
        tpu.vector_store_idx %arg7[%add3A_624, %shift_right_arithmetic3A_165, %and3A_168, %add3A_632], %gather3A_629 : memref<50x4x8x32xf32, #tpu.memory_space<vmem>>[vector<16xi32>, vector<16xi32>, vector<16xi32>, vector<16xi32>], vector<16xf32>,
      }
      %scan3A_173 = arith.constant 50 : i32
      %add3A_174 = arith.constant 6 : i32
      %add3A_175 = vector.broadcast %add3A_174 : i32 to vector<16xi32>
      %add3A_176 = arith.addi %iota3A, %add3A_175 : vector<16xi32>
      %and3A_177 = arith.constant 31 : i32
      %and3A_178 = vector.broadcast %and3A_177 : i32 to vector<16xi32>
      %and3A_179 = arith.andi %add3A_176, %and3A_178 : vector<16xi32>
      %shift_right_arithmetic3A_180 = arith.constant 3 : i32
      %shift_right_arithmetic3A_181 = vector.broadcast %shift_right_arithmetic3A_180 : i32 to vector<16xi32>
      %shift_right_arithmetic3A_182 = arith.shrsi %and3A_179, %shift_right_arithmetic3A_181 : vector<16xi32>
      %and3A_183 = arith.constant 7 : i32
      %and3A_184 = vector.broadcast %and3A_183 : i32 to vector<16xi32>
      %and3A_185 = arith.andi %and3A_179, %and3A_184 : vector<16xi32>
      %scan3A_186 = arith.constant 0 : i32
      %scan3A_187 = arith.constant 50 : i32
      %scan3A_188 = arith.addi %scan3A_186, %scan3A_187 : i32
      %scan3A_189 = arith.constant 1 : i32
      scf.for %scan3A_621 = %scan3A_186 to %scan3A_188 step %scan3A_189  : i32 {
        %broadcast_in_dim3A = arith.constant 0 : i32
        %broadcast_in_dim3A_622 = vector.broadcast %broadcast_in_dim3A : i32 to vector<16xi32>
        %add3A_623 = vector.broadcast %scan3A_621 : i32 to vector<16xi32>
        %add3A_624 = arith.addi %broadcast_in_dim3A_622, %add3A_623 : vector<16xi32>
        %add3A_625 = vector.broadcast %scan3A_621 : i32 to vector<16xi32>
        %add3A_626 = arith.addi %mul3A_3, %add3A_625 : vector<16xi32>
        %gather3A = tpu.vector_load_idx %arg6[%add3A_626, %and3A_179] : memref<1600x32xf32, #tpu.memory_space<vmem>>[vector<16xi32>, vector<16xi32>], vector<16xf32>,
        %add3A_627 = vector.broadcast %scan3A_621 : i32 to vector<16xi32>
        %add3A_628 = arith.addi %add3A_6, %add3A_627 : vector<16xi32>
        %gather3A_629 = tpu.vector_load_idx %arg6[%add3A_628, %and3A_179] : memref<1600x32xf32, #tpu.memory_space<vmem>>[vector<16xi32>, vector<16xi32>], vector<16xf32>,
        tpu.vector_store_idx %arg7[%add3A_624, %shift_right_arithmetic3A_182, %and3A_185, %iota3A], %gather3A : memref<50x4x8x32xf32, #tpu.memory_space<vmem>>[vector<16xi32>, vector<16xi32>, vector<16xi32>, vector<16xi32>], vector<16xf32>,
        %add3A_630 = arith.constant 16 : i32
        %add3A_631 = vector.broadcast %add3A_630 : i32 to vector<16xi32>
        %add3A_632 = arith.addi %iota3A, %add3A_631 : vector<16xi32>
        tpu.vector_store_idx %arg7[%add3A_624, %shift_right_arithmetic3A_182, %and3A_185, %add3A_632], %gather3A_629 : memref<50x4x8x32xf32, #tpu.memory_space<vmem>>[vector<16xi32>, vector<16xi32>, vector<16xi32>, vector<16xi32>], vector<16xf32>,
      }
      %scan3A_190 = arith.constant 50 : i32
      %add3A_191 = arith.constant 7 : i32
      %add3A_192 = vector.broadcast %add3A_191 : i32 to vector<16xi32>
      %add3A_193 = arith.addi %iota3A, %add3A_192 : vector<16xi32>
      %and3A_194 = arith.constant 31 : i32
      %and3A_195 = vector.broadcast %and3A_194 : i32 to vector<16xi32>
      %and3A_196 = arith.andi %add3A_193, %and3A_195 : vector<16xi32>
      %shift_right_arithmetic3A_197 = arith.constant 3 : i32
      %shift_right_arithmetic3A_198 = vector.broadcast %shift_right_arithmetic3A_197 : i32 to vector<16xi32>
      %shift_right_arithmetic3A_199 = arith.shrsi %and3A_196, %shift_right_arithmetic3A_198 : vector<16xi32>
      %and3A_200 = arith.constant 7 : i32
      %and3A_201 = vector.broadcast %and3A_200 : i32 to vector<16xi32>
      %and3A_202 = arith.andi %and3A_196, %and3A_201 : vector<16xi32>
      %scan3A_203 = arith.constant 0 : i32
      %scan3A_204 = arith.constant 50 : i32
      %scan3A_205 = arith.addi %scan3A_203, %scan3A_204 : i32
      %scan3A_206 = arith.constant 1 : i32
      scf.for %scan3A_621 = %scan3A_203 to %scan3A_205 step %scan3A_206  : i32 {
        %broadcast_in_dim3A = arith.constant 0 : i32
        %broadcast_in_dim3A_622 = vector.broadcast %broadcast_in_dim3A : i32 to vector<16xi32>
        %add3A_623 = vector.broadcast %scan3A_621 : i32 to vector<16xi32>
        %add3A_624 = arith.addi %broadcast_in_dim3A_622, %add3A_623 : vector<16xi32>
        %add3A_625 = vector.broadcast %scan3A_621 : i32 to vector<16xi32>
        %add3A_626 = arith.addi %mul3A_3, %add3A_625 : vector<16xi32>
        %gather3A = tpu.vector_load_idx %arg6[%add3A_626, %and3A_196] : memref<1600x32xf32, #tpu.memory_space<vmem>>[vector<16xi32>, vector<16xi32>], vector<16xf32>,
        %add3A_627 = vector.broadcast %scan3A_621 : i32 to vector<16xi32>
        %add3A_628 = arith.addi %add3A_6, %add3A_627 : vector<16xi32>
        %gather3A_629 = tpu.vector_load_idx %arg6[%add3A_628, %and3A_196] : memref<1600x32xf32, #tpu.memory_space<vmem>>[vector<16xi32>, vector<16xi32>], vector<16xf32>,
        tpu.vector_store_idx %arg7[%add3A_624, %shift_right_arithmetic3A_199, %and3A_202, %iota3A], %gather3A : memref<50x4x8x32xf32, #tpu.memory_space<vmem>>[vector<16xi32>, vector<16xi32>, vector<16xi32>, vector<16xi32>], vector<16xf32>,
        %add3A_630 = arith.constant 16 : i32
        %add3A_631 = vector.broadcast %add3A_630 : i32 to vector<16xi32>
        %add3A_632 = arith.addi %iota3A, %add3A_631 : vector<16xi32>
        tpu.vector_store_idx %arg7[%add3A_624, %shift_right_arithmetic3A_199, %and3A_202, %add3A_632], %gather3A_629 : memref<50x4x8x32xf32, #tpu.memory_space<vmem>>[vector<16xi32>, vector<16xi32>, vector<16xi32>, vector<16xi32>], vector<16xf32>,
      }
      %scan3A_207 = arith.constant 50 : i32
      %add3A_208 = arith.constant 8 : i32
      %add3A_209 = vector.broadcast %add3A_208 : i32 to vector<16xi32>
      %add3A_210 = arith.addi %iota3A, %add3A_209 : vector<16xi32>
      %and3A_211 = arith.constant 31 : i32
      %and3A_212 = vector.broadcast %and3A_211 : i32 to vector<16xi32>
      %and3A_213 = arith.andi %add3A_210, %and3A_212 : vector<16xi32>
      %shift_right_arithmetic3A_214 = arith.constant 3 : i32
      %shift_right_arithmetic3A_215 = vector.broadcast %shift_right_arithmetic3A_214 : i32 to vector<16xi32>
      %shift_right_arithmetic3A_216 = arith.shrsi %and3A_213, %shift_right_arithmetic3A_215 : vector<16xi32>
      %and3A_217 = arith.constant 7 : i32
      %and3A_218 = vector.broadcast %and3A_217 : i32 to vector<16xi32>
      %and3A_219 = arith.andi %and3A_213, %and3A_218 : vector<16xi32>
      %scan3A_220 = arith.constant 0 : i32
      %scan3A_221 = arith.constant 50 : i32
      %scan3A_222 = arith.addi %scan3A_220, %scan3A_221 : i32
      %scan3A_223 = arith.constant 1 : i32
      scf.for %scan3A_621 = %scan3A_220 to %scan3A_222 step %scan3A_223  : i32 {
        %broadcast_in_dim3A = arith.constant 0 : i32
        %broadcast_in_dim3A_622 = vector.broadcast %broadcast_in_dim3A : i32 to vector<16xi32>
        %add3A_623 = vector.broadcast %scan3A_621 : i32 to vector<16xi32>
        %add3A_624 = arith.addi %broadcast_in_dim3A_622, %add3A_623 : vector<16xi32>
        %add3A_625 = vector.broadcast %scan3A_621 : i32 to vector<16xi32>
        %add3A_626 = arith.addi %mul3A_3, %add3A_625 : vector<16xi32>
        %gather3A = tpu.vector_load_idx %arg6[%add3A_626, %and3A_213] : memref<1600x32xf32, #tpu.memory_space<vmem>>[vector<16xi32>, vector<16xi32>], vector<16xf32>,
        %add3A_627 = vector.broadcast %scan3A_621 : i32 to vector<16xi32>
        %add3A_628 = arith.addi %add3A_6, %add3A_627 : vector<16xi32>
        %gather3A_629 = tpu.vector_load_idx %arg6[%add3A_628, %and3A_213] : memref<1600x32xf32, #tpu.memory_space<vmem>>[vector<16xi32>, vector<16xi32>], vector<16xf32>,
        tpu.vector_store_idx %arg7[%add3A_624, %shift_right_arithmetic3A_216, %and3A_219, %iota3A], %gather3A : memref<50x4x8x32xf32, #tpu.memory_space<vmem>>[vector<16xi32>, vector<16xi32>, vector<16xi32>, vector<16xi32>], vector<16xf32>,
        %add3A_630 = arith.constant 16 : i32
        %add3A_631 = vector.broadcast %add3A_630 : i32 to vector<16xi32>
        %add3A_632 = arith.addi %iota3A, %add3A_631 : vector<16xi32>
        tpu.vector_store_idx %arg7[%add3A_624, %shift_right_arithmetic3A_216, %and3A_219, %add3A_632], %gather3A_629 : memref<50x4x8x32xf32, #tpu.memory_space<vmem>>[vector<16xi32>, vector<16xi32>, vector<16xi32>, vector<16xi32>], vector<16xf32>,
      }
      %scan3A_224 = arith.constant 50 : i32
      %add3A_225 = arith.constant 9 : i32
      %add3A_226 = vector.broadcast %add3A_225 : i32 to vector<16xi32>
      %add3A_227 = arith.addi %iota3A, %add3A_226 : vector<16xi32>
      %and3A_228 = arith.constant 31 : i32
      %and3A_229 = vector.broadcast %and3A_228 : i32 to vector<16xi32>
      %and3A_230 = arith.andi %add3A_227, %and3A_229 : vector<16xi32>
      %shift_right_arithmetic3A_231 = arith.constant 3 : i32
      %shift_right_arithmetic3A_232 = vector.broadcast %shift_right_arithmetic3A_231 : i32 to vector<16xi32>
      %shift_right_arithmetic3A_233 = arith.shrsi %and3A_230, %shift_right_arithmetic3A_232 : vector<16xi32>
      %and3A_234 = arith.constant 7 : i32
      %and3A_235 = vector.broadcast %and3A_234 : i32 to vector<16xi32>
      %and3A_236 = arith.andi %and3A_230, %and3A_235 : vector<16xi32>
      %scan3A_237 = arith.constant 0 : i32
      %scan3A_238 = arith.constant 50 : i32
      %scan3A_239 = arith.addi %scan3A_237, %scan3A_238 : i32
      %scan3A_240 = arith.constant 1 : i32
      scf.for %scan3A_621 = %scan3A_237 to %scan3A_239 step %scan3A_240  : i32 {
        %broadcast_in_dim3A = arith.constant 0 : i32
        %broadcast_in_dim3A_622 = vector.broadcast %broadcast_in_dim3A : i32 to vector<16xi32>
        %add3A_623 = vector.broadcast %scan3A_621 : i32 to vector<16xi32>
        %add3A_624 = arith.addi %broadcast_in_dim3A_622, %add3A_623 : vector<16xi32>
        %add3A_625 = vector.broadcast %scan3A_621 : i32 to vector<16xi32>
        %add3A_626 = arith.addi %mul3A_3, %add3A_625 : vector<16xi32>
        %gather3A = tpu.vector_load_idx %arg6[%add3A_626, %and3A_230] : memref<1600x32xf32, #tpu.memory_space<vmem>>[vector<16xi32>, vector<16xi32>], vector<16xf32>,
        %add3A_627 = vector.broadcast %scan3A_621 : i32 to vector<16xi32>
        %add3A_628 = arith.addi %add3A_6, %add3A_627 : vector<16xi32>
        %gather3A_629 = tpu.vector_load_idx %arg6[%add3A_628, %and3A_230] : memref<1600x32xf32, #tpu.memory_space<vmem>>[vector<16xi32>, vector<16xi32>], vector<16xf32>,
        tpu.vector_store_idx %arg7[%add3A_624, %shift_right_arithmetic3A_233, %and3A_236, %iota3A], %gather3A : memref<50x4x8x32xf32, #tpu.memory_space<vmem>>[vector<16xi32>, vector<16xi32>, vector<16xi32>, vector<16xi32>], vector<16xf32>,
        %add3A_630 = arith.constant 16 : i32
        %add3A_631 = vector.broadcast %add3A_630 : i32 to vector<16xi32>
        %add3A_632 = arith.addi %iota3A, %add3A_631 : vector<16xi32>
        tpu.vector_store_idx %arg7[%add3A_624, %shift_right_arithmetic3A_233, %and3A_236, %add3A_632], %gather3A_629 : memref<50x4x8x32xf32, #tpu.memory_space<vmem>>[vector<16xi32>, vector<16xi32>, vector<16xi32>, vector<16xi32>], vector<16xf32>,
      }
      %scan3A_241 = arith.constant 50 : i32
      %add3A_242 = arith.constant 10 : i32
      %add3A_243 = vector.broadcast %add3A_242 : i32 to vector<16xi32>
      %add3A_244 = arith.addi %iota3A, %add3A_243 : vector<16xi32>
      %and3A_245 = arith.constant 31 : i32
      %and3A_246 = vector.broadcast %and3A_245 : i32 to vector<16xi32>
      %and3A_247 = arith.andi %add3A_244, %and3A_246 : vector<16xi32>
      %shift_right_arithmetic3A_248 = arith.constant 3 : i32
      %shift_right_arithmetic3A_249 = vector.broadcast %shift_right_arithmetic3A_248 : i32 to vector<16xi32>
      %shift_right_arithmetic3A_250 = arith.shrsi %and3A_247, %shift_right_arithmetic3A_249 : vector<16xi32>
      %and3A_251 = arith.constant 7 : i32
      %and3A_252 = vector.broadcast %and3A_251 : i32 to vector<16xi32>
      %and3A_253 = arith.andi %and3A_247, %and3A_252 : vector<16xi32>
      %scan3A_254 = arith.constant 0 : i32
      %scan3A_255 = arith.constant 50 : i32
      %scan3A_256 = arith.addi %scan3A_254, %scan3A_255 : i32
      %scan3A_257 = arith.constant 1 : i32
      scf.for %scan3A_621 = %scan3A_254 to %scan3A_256 step %scan3A_257  : i32 {
        %broadcast_in_dim3A = arith.constant 0 : i32
        %broadcast_in_dim3A_622 = vector.broadcast %broadcast_in_dim3A : i32 to vector<16xi32>
        %add3A_623 = vector.broadcast %scan3A_621 : i32 to vector<16xi32>
        %add3A_624 = arith.addi %broadcast_in_dim3A_622, %add3A_623 : vector<16xi32>
        %add3A_625 = vector.broadcast %scan3A_621 : i32 to vector<16xi32>
        %add3A_626 = arith.addi %mul3A_3, %add3A_625 : vector<16xi32>
        %gather3A = tpu.vector_load_idx %arg6[%add3A_626, %and3A_247] : memref<1600x32xf32, #tpu.memory_space<vmem>>[vector<16xi32>, vector<16xi32>], vector<16xf32>,
        %add3A_627 = vector.broadcast %scan3A_621 : i32 to vector<16xi32>
        %add3A_628 = arith.addi %add3A_6, %add3A_627 : vector<16xi32>
        %gather3A_629 = tpu.vector_load_idx %arg6[%add3A_628, %and3A_247] : memref<1600x32xf32, #tpu.memory_space<vmem>>[vector<16xi32>, vector<16xi32>], vector<16xf32>,
        tpu.vector_store_idx %arg7[%add3A_624, %shift_right_arithmetic3A_250, %and3A_253, %iota3A], %gather3A : memref<50x4x8x32xf32, #tpu.memory_space<vmem>>[vector<16xi32>, vector<16xi32>, vector<16xi32>, vector<16xi32>], vector<16xf32>,
        %add3A_630 = arith.constant 16 : i32
        %add3A_631 = vector.broadcast %add3A_630 : i32 to vector<16xi32>
        %add3A_632 = arith.addi %iota3A, %add3A_631 : vector<16xi32>
        tpu.vector_store_idx %arg7[%add3A_624, %shift_right_arithmetic3A_250, %and3A_253, %add3A_632], %gather3A_629 : memref<50x4x8x32xf32, #tpu.memory_space<vmem>>[vector<16xi32>, vector<16xi32>, vector<16xi32>, vector<16xi32>], vector<16xf32>,
      }
      %scan3A_258 = arith.constant 50 : i32
      %add3A_259 = arith.constant 11 : i32
      %add3A_260 = vector.broadcast %add3A_259 : i32 to vector<16xi32>
      %add3A_261 = arith.addi %iota3A, %add3A_260 : vector<16xi32>
      %and3A_262 = arith.constant 31 : i32
      %and3A_263 = vector.broadcast %and3A_262 : i32 to vector<16xi32>
      %and3A_264 = arith.andi %add3A_261, %and3A_263 : vector<16xi32>
      %shift_right_arithmetic3A_265 = arith.constant 3 : i32
      %shift_right_arithmetic3A_266 = vector.broadcast %shift_right_arithmetic3A_265 : i32 to vector<16xi32>
      %shift_right_arithmetic3A_267 = arith.shrsi %and3A_264, %shift_right_arithmetic3A_266 : vector<16xi32>
      %and3A_268 = arith.constant 7 : i32
      %and3A_269 = vector.broadcast %and3A_268 : i32 to vector<16xi32>
      %and3A_270 = arith.andi %and3A_264, %and3A_269 : vector<16xi32>
      %scan3A_271 = arith.constant 0 : i32
      %scan3A_272 = arith.constant 50 : i32
      %scan3A_273 = arith.addi %scan3A_271, %scan3A_272 : i32
      %scan3A_274 = arith.constant 1 : i32
      scf.for %scan3A_621 = %scan3A_271 to %scan3A_273 step %scan3A_274  : i32 {
        %broadcast_in_dim3A = arith.constant 0 : i32
        %broadcast_in_dim3A_622 = vector.broadcast %broadcast_in_dim3A : i32 to vector<16xi32>
        %add3A_623 = vector.broadcast %scan3A_621 : i32 to vector<16xi32>
        %add3A_624 = arith.addi %broadcast_in_dim3A_622, %add3A_623 : vector<16xi32>
        %add3A_625 = vector.broadcast %scan3A_621 : i32 to vector<16xi32>
        %add3A_626 = arith.addi %mul3A_3, %add3A_625 : vector<16xi32>
        %gather3A = tpu.vector_load_idx %arg6[%add3A_626, %and3A_264] : memref<1600x32xf32, #tpu.memory_space<vmem>>[vector<16xi32>, vector<16xi32>], vector<16xf32>,
        %add3A_627 = vector.broadcast %scan3A_621 : i32 to vector<16xi32>
        %add3A_628 = arith.addi %add3A_6, %add3A_627 : vector<16xi32>
        %gather3A_629 = tpu.vector_load_idx %arg6[%add3A_628, %and3A_264] : memref<1600x32xf32, #tpu.memory_space<vmem>>[vector<16xi32>, vector<16xi32>], vector<16xf32>,
        tpu.vector_store_idx %arg7[%add3A_624, %shift_right_arithmetic3A_267, %and3A_270, %iota3A], %gather3A : memref<50x4x8x32xf32, #tpu.memory_space<vmem>>[vector<16xi32>, vector<16xi32>, vector<16xi32>, vector<16xi32>], vector<16xf32>,
        %add3A_630 = arith.constant 16 : i32
        %add3A_631 = vector.broadcast %add3A_630 : i32 to vector<16xi32>
        %add3A_632 = arith.addi %iota3A, %add3A_631 : vector<16xi32>
        tpu.vector_store_idx %arg7[%add3A_624, %shift_right_arithmetic3A_267, %and3A_270, %add3A_632], %gather3A_629 : memref<50x4x8x32xf32, #tpu.memory_space<vmem>>[vector<16xi32>, vector<16xi32>, vector<16xi32>, vector<16xi32>], vector<16xf32>,
      }
      %scan3A_275 = arith.constant 50 : i32
      %add3A_276 = arith.constant 12 : i32
      %add3A_277 = vector.broadcast %add3A_276 : i32 to vector<16xi32>
      %add3A_278 = arith.addi %iota3A, %add3A_277 : vector<16xi32>
      %and3A_279 = arith.constant 31 : i32
      %and3A_280 = vector.broadcast %and3A_279 : i32 to vector<16xi32>
      %and3A_281 = arith.andi %add3A_278, %and3A_280 : vector<16xi32>
      %shift_right_arithmetic3A_282 = arith.constant 3 : i32
      %shift_right_arithmetic3A_283 = vector.broadcast %shift_right_arithmetic3A_282 : i32 to vector<16xi32>
      %shift_right_arithmetic3A_284 = arith.shrsi %and3A_281, %shift_right_arithmetic3A_283 : vector<16xi32>
      %and3A_285 = arith.constant 7 : i32
      %and3A_286 = vector.broadcast %and3A_285 : i32 to vector<16xi32>
      %and3A_287 = arith.andi %and3A_281, %and3A_286 : vector<16xi32>
      %scan3A_288 = arith.constant 0 : i32
      %scan3A_289 = arith.constant 50 : i32
      %scan3A_290 = arith.addi %scan3A_288, %scan3A_289 : i32
      %scan3A_291 = arith.constant 1 : i32
      scf.for %scan3A_621 = %scan3A_288 to %scan3A_290 step %scan3A_291  : i32 {
        %broadcast_in_dim3A = arith.constant 0 : i32
        %broadcast_in_dim3A_622 = vector.broadcast %broadcast_in_dim3A : i32 to vector<16xi32>
        %add3A_623 = vector.broadcast %scan3A_621 : i32 to vector<16xi32>
        %add3A_624 = arith.addi %broadcast_in_dim3A_622, %add3A_623 : vector<16xi32>
        %add3A_625 = vector.broadcast %scan3A_621 : i32 to vector<16xi32>
        %add3A_626 = arith.addi %mul3A_3, %add3A_625 : vector<16xi32>
        %gather3A = tpu.vector_load_idx %arg6[%add3A_626, %and3A_281] : memref<1600x32xf32, #tpu.memory_space<vmem>>[vector<16xi32>, vector<16xi32>], vector<16xf32>,
        %add3A_627 = vector.broadcast %scan3A_621 : i32 to vector<16xi32>
        %add3A_628 = arith.addi %add3A_6, %add3A_627 : vector<16xi32>
        %gather3A_629 = tpu.vector_load_idx %arg6[%add3A_628, %and3A_281] : memref<1600x32xf32, #tpu.memory_space<vmem>>[vector<16xi32>, vector<16xi32>], vector<16xf32>,
        tpu.vector_store_idx %arg7[%add3A_624, %shift_right_arithmetic3A_284, %and3A_287, %iota3A], %gather3A : memref<50x4x8x32xf32, #tpu.memory_space<vmem>>[vector<16xi32>, vector<16xi32>, vector<16xi32>, vector<16xi32>], vector<16xf32>,
        %add3A_630 = arith.constant 16 : i32
        %add3A_631 = vector.broadcast %add3A_630 : i32 to vector<16xi32>
        %add3A_632 = arith.addi %iota3A, %add3A_631 : vector<16xi32>
        tpu.vector_store_idx %arg7[%add3A_624, %shift_right_arithmetic3A_284, %and3A_287, %add3A_632], %gather3A_629 : memref<50x4x8x32xf32, #tpu.memory_space<vmem>>[vector<16xi32>, vector<16xi32>, vector<16xi32>, vector<16xi32>], vector<16xf32>,
      }
      %scan3A_292 = arith.constant 50 : i32
      %add3A_293 = arith.constant 13 : i32
      %add3A_294 = vector.broadcast %add3A_293 : i32 to vector<16xi32>
      %add3A_295 = arith.addi %iota3A, %add3A_294 : vector<16xi32>
      %and3A_296 = arith.constant 31 : i32
      %and3A_297 = vector.broadcast %and3A_296 : i32 to vector<16xi32>
      %and3A_298 = arith.andi %add3A_295, %and3A_297 : vector<16xi32>
      %shift_right_arithmetic3A_299 = arith.constant 3 : i32
      %shift_right_arithmetic3A_300 = vector.broadcast %shift_right_arithmetic3A_299 : i32 to vector<16xi32>
      %shift_right_arithmetic3A_301 = arith.shrsi %and3A_298, %shift_right_arithmetic3A_300 : vector<16xi32>
      %and3A_302 = arith.constant 7 : i32
      %and3A_303 = vector.broadcast %and3A_302 : i32 to vector<16xi32>
      %and3A_304 = arith.andi %and3A_298, %and3A_303 : vector<16xi32>
      %scan3A_305 = arith.constant 0 : i32
      %scan3A_306 = arith.constant 50 : i32
      %scan3A_307 = arith.addi %scan3A_305, %scan3A_306 : i32
      %scan3A_308 = arith.constant 1 : i32
      scf.for %scan3A_621 = %scan3A_305 to %scan3A_307 step %scan3A_308  : i32 {
        %broadcast_in_dim3A = arith.constant 0 : i32
        %broadcast_in_dim3A_622 = vector.broadcast %broadcast_in_dim3A : i32 to vector<16xi32>
        %add3A_623 = vector.broadcast %scan3A_621 : i32 to vector<16xi32>
        %add3A_624 = arith.addi %broadcast_in_dim3A_622, %add3A_623 : vector<16xi32>
        %add3A_625 = vector.broadcast %scan3A_621 : i32 to vector<16xi32>
        %add3A_626 = arith.addi %mul3A_3, %add3A_625 : vector<16xi32>
        %gather3A = tpu.vector_load_idx %arg6[%add3A_626, %and3A_298] : memref<1600x32xf32, #tpu.memory_space<vmem>>[vector<16xi32>, vector<16xi32>], vector<16xf32>,
        %add3A_627 = vector.broadcast %scan3A_621 : i32 to vector<16xi32>
        %add3A_628 = arith.addi %add3A_6, %add3A_627 : vector<16xi32>
        %gather3A_629 = tpu.vector_load_idx %arg6[%add3A_628, %and3A_298] : memref<1600x32xf32, #tpu.memory_space<vmem>>[vector<16xi32>, vector<16xi32>], vector<16xf32>,
        tpu.vector_store_idx %arg7[%add3A_624, %shift_right_arithmetic3A_301, %and3A_304, %iota3A], %gather3A : memref<50x4x8x32xf32, #tpu.memory_space<vmem>>[vector<16xi32>, vector<16xi32>, vector<16xi32>, vector<16xi32>], vector<16xf32>,
        %add3A_630 = arith.constant 16 : i32
        %add3A_631 = vector.broadcast %add3A_630 : i32 to vector<16xi32>
        %add3A_632 = arith.addi %iota3A, %add3A_631 : vector<16xi32>
        tpu.vector_store_idx %arg7[%add3A_624, %shift_right_arithmetic3A_301, %and3A_304, %add3A_632], %gather3A_629 : memref<50x4x8x32xf32, #tpu.memory_space<vmem>>[vector<16xi32>, vector<16xi32>, vector<16xi32>, vector<16xi32>], vector<16xf32>,
      }
      %scan3A_309 = arith.constant 50 : i32
      %add3A_310 = arith.constant 14 : i32
      %add3A_311 = vector.broadcast %add3A_310 : i32 to vector<16xi32>
      %add3A_312 = arith.addi %iota3A, %add3A_311 : vector<16xi32>
      %and3A_313 = arith.constant 31 : i32
      %and3A_314 = vector.broadcast %and3A_313 : i32 to vector<16xi32>
      %and3A_315 = arith.andi %add3A_312, %and3A_314 : vector<16xi32>
      %shift_right_arithmetic3A_316 = arith.constant 3 : i32
      %shift_right_arithmetic3A_317 = vector.broadcast %shift_right_arithmetic3A_316 : i32 to vector<16xi32>
      %shift_right_arithmetic3A_318 = arith.shrsi %and3A_315, %shift_right_arithmetic3A_317 : vector<16xi32>
      %and3A_319 = arith.constant 7 : i32
      %and3A_320 = vector.broadcast %and3A_319 : i32 to vector<16xi32>
      %and3A_321 = arith.andi %and3A_315, %and3A_320 : vector<16xi32>
      %scan3A_322 = arith.constant 0 : i32
      %scan3A_323 = arith.constant 50 : i32
      %scan3A_324 = arith.addi %scan3A_322, %scan3A_323 : i32
      %scan3A_325 = arith.constant 1 : i32
      scf.for %scan3A_621 = %scan3A_322 to %scan3A_324 step %scan3A_325  : i32 {
        %broadcast_in_dim3A = arith.constant 0 : i32
        %broadcast_in_dim3A_622 = vector.broadcast %broadcast_in_dim3A : i32 to vector<16xi32>
        %add3A_623 = vector.broadcast %scan3A_621 : i32 to vector<16xi32>
        %add3A_624 = arith.addi %broadcast_in_dim3A_622, %add3A_623 : vector<16xi32>
        %add3A_625 = vector.broadcast %scan3A_621 : i32 to vector<16xi32>
        %add3A_626 = arith.addi %mul3A_3, %add3A_625 : vector<16xi32>
        %gather3A = tpu.vector_load_idx %arg6[%add3A_626, %and3A_315] : memref<1600x32xf32, #tpu.memory_space<vmem>>[vector<16xi32>, vector<16xi32>], vector<16xf32>,
        %add3A_627 = vector.broadcast %scan3A_621 : i32 to vector<16xi32>
        %add3A_628 = arith.addi %add3A_6, %add3A_627 : vector<16xi32>
        %gather3A_629 = tpu.vector_load_idx %arg6[%add3A_628, %and3A_315] : memref<1600x32xf32, #tpu.memory_space<vmem>>[vector<16xi32>, vector<16xi32>], vector<16xf32>,
        tpu.vector_store_idx %arg7[%add3A_624, %shift_right_arithmetic3A_318, %and3A_321, %iota3A], %gather3A : memref<50x4x8x32xf32, #tpu.memory_space<vmem>>[vector<16xi32>, vector<16xi32>, vector<16xi32>, vector<16xi32>], vector<16xf32>,
        %add3A_630 = arith.constant 16 : i32
        %add3A_631 = vector.broadcast %add3A_630 : i32 to vector<16xi32>
        %add3A_632 = arith.addi %iota3A, %add3A_631 : vector<16xi32>
        tpu.vector_store_idx %arg7[%add3A_624, %shift_right_arithmetic3A_318, %and3A_321, %add3A_632], %gather3A_629 : memref<50x4x8x32xf32, #tpu.memory_space<vmem>>[vector<16xi32>, vector<16xi32>, vector<16xi32>, vector<16xi32>], vector<16xf32>,
      }
      %scan3A_326 = arith.constant 50 : i32
      %add3A_327 = arith.constant 15 : i32
      %add3A_328 = vector.broadcast %add3A_327 : i32 to vector<16xi32>
      %add3A_329 = arith.addi %iota3A, %add3A_328 : vector<16xi32>
      %and3A_330 = arith.constant 31 : i32
      %and3A_331 = vector.broadcast %and3A_330 : i32 to vector<16xi32>
      %and3A_332 = arith.andi %add3A_329, %and3A_331 : vector<16xi32>
      %shift_right_arithmetic3A_333 = arith.constant 3 : i32
      %shift_right_arithmetic3A_334 = vector.broadcast %shift_right_arithmetic3A_333 : i32 to vector<16xi32>
      %shift_right_arithmetic3A_335 = arith.shrsi %and3A_332, %shift_right_arithmetic3A_334 : vector<16xi32>
      %and3A_336 = arith.constant 7 : i32
      %and3A_337 = vector.broadcast %and3A_336 : i32 to vector<16xi32>
      %and3A_338 = arith.andi %and3A_332, %and3A_337 : vector<16xi32>
      %scan3A_339 = arith.constant 0 : i32
      %scan3A_340 = arith.constant 50 : i32
      %scan3A_341 = arith.addi %scan3A_339, %scan3A_340 : i32
      %scan3A_342 = arith.constant 1 : i32
      scf.for %scan3A_621 = %scan3A_339 to %scan3A_341 step %scan3A_342  : i32 {
        %broadcast_in_dim3A = arith.constant 0 : i32
        %broadcast_in_dim3A_622 = vector.broadcast %broadcast_in_dim3A : i32 to vector<16xi32>
        %add3A_623 = vector.broadcast %scan3A_621 : i32 to vector<16xi32>
        %add3A_624 = arith.addi %broadcast_in_dim3A_622, %add3A_623 : vector<16xi32>
        %add3A_625 = vector.broadcast %scan3A_621 : i32 to vector<16xi32>
        %add3A_626 = arith.addi %mul3A_3, %add3A_625 : vector<16xi32>
        %gather3A = tpu.vector_load_idx %arg6[%add3A_626, %and3A_332] : memref<1600x32xf32, #tpu.memory_space<vmem>>[vector<16xi32>, vector<16xi32>], vector<16xf32>,
        %add3A_627 = vector.broadcast %scan3A_621 : i32 to vector<16xi32>
        %add3A_628 = arith.addi %add3A_6, %add3A_627 : vector<16xi32>
        %gather3A_629 = tpu.vector_load_idx %arg6[%add3A_628, %and3A_332] : memref<1600x32xf32, #tpu.memory_space<vmem>>[vector<16xi32>, vector<16xi32>], vector<16xf32>,
        tpu.vector_store_idx %arg7[%add3A_624, %shift_right_arithmetic3A_335, %and3A_338, %iota3A], %gather3A : memref<50x4x8x32xf32, #tpu.memory_space<vmem>>[vector<16xi32>, vector<16xi32>, vector<16xi32>, vector<16xi32>], vector<16xf32>,
        %add3A_630 = arith.constant 16 : i32
        %add3A_631 = vector.broadcast %add3A_630 : i32 to vector<16xi32>
        %add3A_632 = arith.addi %iota3A, %add3A_631 : vector<16xi32>
        tpu.vector_store_idx %arg7[%add3A_624, %shift_right_arithmetic3A_335, %and3A_338, %add3A_632], %gather3A_629 : memref<50x4x8x32xf32, #tpu.memory_space<vmem>>[vector<16xi32>, vector<16xi32>, vector<16xi32>, vector<16xi32>], vector<16xf32>,
      }
      %scan3A_343 = arith.constant 50 : i32
      %add3A_344 = arith.constant 16 : i32
      %add3A_345 = vector.broadcast %add3A_344 : i32 to vector<16xi32>
      %add3A_346 = arith.addi %iota3A, %add3A_345 : vector<16xi32>
      %and3A_347 = arith.constant 31 : i32
      %and3A_348 = vector.broadcast %and3A_347 : i32 to vector<16xi32>
      %and3A_349 = arith.andi %add3A_346, %and3A_348 : vector<16xi32>
      %shift_right_arithmetic3A_350 = arith.constant 3 : i32
      %shift_right_arithmetic3A_351 = vector.broadcast %shift_right_arithmetic3A_350 : i32 to vector<16xi32>
      %shift_right_arithmetic3A_352 = arith.shrsi %and3A_349, %shift_right_arithmetic3A_351 : vector<16xi32>
      %and3A_353 = arith.constant 7 : i32
      %and3A_354 = vector.broadcast %and3A_353 : i32 to vector<16xi32>
      %and3A_355 = arith.andi %and3A_349, %and3A_354 : vector<16xi32>
      %scan3A_356 = arith.constant 0 : i32
      %scan3A_357 = arith.constant 50 : i32
      %scan3A_358 = arith.addi %scan3A_356, %scan3A_357 : i32
      %scan3A_359 = arith.constant 1 : i32
      scf.for %scan3A_621 = %scan3A_356 to %scan3A_358 step %scan3A_359  : i32 {
        %broadcast_in_dim3A = arith.constant 0 : i32
        %broadcast_in_dim3A_622 = vector.broadcast %broadcast_in_dim3A : i32 to vector<16xi32>
        %add3A_623 = vector.broadcast %scan3A_621 : i32 to vector<16xi32>
        %add3A_624 = arith.addi %broadcast_in_dim3A_622, %add3A_623 : vector<16xi32>
        %add3A_625 = vector.broadcast %scan3A_621 : i32 to vector<16xi32>
        %add3A_626 = arith.addi %mul3A_3, %add3A_625 : vector<16xi32>
        %gather3A = tpu.vector_load_idx %arg6[%add3A_626, %and3A_349] : memref<1600x32xf32, #tpu.memory_space<vmem>>[vector<16xi32>, vector<16xi32>], vector<16xf32>,
        %add3A_627 = vector.broadcast %scan3A_621 : i32 to vector<16xi32>
        %add3A_628 = arith.addi %add3A_6, %add3A_627 : vector<16xi32>
        %gather3A_629 = tpu.vector_load_idx %arg6[%add3A_628, %and3A_349] : memref<1600x32xf32, #tpu.memory_space<vmem>>[vector<16xi32>, vector<16xi32>], vector<16xf32>,
        tpu.vector_store_idx %arg7[%add3A_624, %shift_right_arithmetic3A_352, %and3A_355, %iota3A], %gather3A : memref<50x4x8x32xf32, #tpu.memory_space<vmem>>[vector<16xi32>, vector<16xi32>, vector<16xi32>, vector<16xi32>], vector<16xf32>,
        %add3A_630 = arith.constant 16 : i32
        %add3A_631 = vector.broadcast %add3A_630 : i32 to vector<16xi32>
        %add3A_632 = arith.addi %iota3A, %add3A_631 : vector<16xi32>
        tpu.vector_store_idx %arg7[%add3A_624, %shift_right_arithmetic3A_352, %and3A_355, %add3A_632], %gather3A_629 : memref<50x4x8x32xf32, #tpu.memory_space<vmem>>[vector<16xi32>, vector<16xi32>, vector<16xi32>, vector<16xi32>], vector<16xf32>,
      }
      %scan3A_360 = arith.constant 50 : i32
      %add3A_361 = arith.constant 17 : i32
      %add3A_362 = vector.broadcast %add3A_361 : i32 to vector<16xi32>
      %add3A_363 = arith.addi %iota3A, %add3A_362 : vector<16xi32>
      %and3A_364 = arith.constant 31 : i32
      %and3A_365 = vector.broadcast %and3A_364 : i32 to vector<16xi32>
      %and3A_366 = arith.andi %add3A_363, %and3A_365 : vector<16xi32>
      %shift_right_arithmetic3A_367 = arith.constant 3 : i32
      %shift_right_arithmetic3A_368 = vector.broadcast %shift_right_arithmetic3A_367 : i32 to vector<16xi32>
      %shift_right_arithmetic3A_369 = arith.shrsi %and3A_366, %shift_right_arithmetic3A_368 : vector<16xi32>
      %and3A_370 = arith.constant 7 : i32
      %and3A_371 = vector.broadcast %and3A_370 : i32 to vector<16xi32>
      %and3A_372 = arith.andi %and3A_366, %and3A_371 : vector<16xi32>
      %scan3A_373 = arith.constant 0 : i32
      %scan3A_374 = arith.constant 50 : i32
      %scan3A_375 = arith.addi %scan3A_373, %scan3A_374 : i32
      %scan3A_376 = arith.constant 1 : i32
      scf.for %scan3A_621 = %scan3A_373 to %scan3A_375 step %scan3A_376  : i32 {
        %broadcast_in_dim3A = arith.constant 0 : i32
        %broadcast_in_dim3A_622 = vector.broadcast %broadcast_in_dim3A : i32 to vector<16xi32>
        %add3A_623 = vector.broadcast %scan3A_621 : i32 to vector<16xi32>
        %add3A_624 = arith.addi %broadcast_in_dim3A_622, %add3A_623 : vector<16xi32>
        %add3A_625 = vector.broadcast %scan3A_621 : i32 to vector<16xi32>
        %add3A_626 = arith.addi %mul3A_3, %add3A_625 : vector<16xi32>
        %gather3A = tpu.vector_load_idx %arg6[%add3A_626, %and3A_366] : memref<1600x32xf32, #tpu.memory_space<vmem>>[vector<16xi32>, vector<16xi32>], vector<16xf32>,
        %add3A_627 = vector.broadcast %scan3A_621 : i32 to vector<16xi32>
        %add3A_628 = arith.addi %add3A_6, %add3A_627 : vector<16xi32>
        %gather3A_629 = tpu.vector_load_idx %arg6[%add3A_628, %and3A_366] : memref<1600x32xf32, #tpu.memory_space<vmem>>[vector<16xi32>, vector<16xi32>], vector<16xf32>,
        tpu.vector_store_idx %arg7[%add3A_624, %shift_right_arithmetic3A_369, %and3A_372, %iota3A], %gather3A : memref<50x4x8x32xf32, #tpu.memory_space<vmem>>[vector<16xi32>, vector<16xi32>, vector<16xi32>, vector<16xi32>], vector<16xf32>,
        %add3A_630 = arith.constant 16 : i32
        %add3A_631 = vector.broadcast %add3A_630 : i32 to vector<16xi32>
        %add3A_632 = arith.addi %iota3A, %add3A_631 : vector<16xi32>
        tpu.vector_store_idx %arg7[%add3A_624, %shift_right_arithmetic3A_369, %and3A_372, %add3A_632], %gather3A_629 : memref<50x4x8x32xf32, #tpu.memory_space<vmem>>[vector<16xi32>, vector<16xi32>, vector<16xi32>, vector<16xi32>], vector<16xf32>,
      }
      %scan3A_377 = arith.constant 50 : i32
      %add3A_378 = arith.constant 18 : i32
      %add3A_379 = vector.broadcast %add3A_378 : i32 to vector<16xi32>
      %add3A_380 = arith.addi %iota3A, %add3A_379 : vector<16xi32>
      %and3A_381 = arith.constant 31 : i32
      %and3A_382 = vector.broadcast %and3A_381 : i32 to vector<16xi32>
      %and3A_383 = arith.andi %add3A_380, %and3A_382 : vector<16xi32>
      %shift_right_arithmetic3A_384 = arith.constant 3 : i32
      %shift_right_arithmetic3A_385 = vector.broadcast %shift_right_arithmetic3A_384 : i32 to vector<16xi32>
      %shift_right_arithmetic3A_386 = arith.shrsi %and3A_383, %shift_right_arithmetic3A_385 : vector<16xi32>
      %and3A_387 = arith.constant 7 : i32
      %and3A_388 = vector.broadcast %and3A_387 : i32 to vector<16xi32>
      %and3A_389 = arith.andi %and3A_383, %and3A_388 : vector<16xi32>
      %scan3A_390 = arith.constant 0 : i32
      %scan3A_391 = arith.constant 50 : i32
      %scan3A_392 = arith.addi %scan3A_390, %scan3A_391 : i32
      %scan3A_393 = arith.constant 1 : i32
      scf.for %scan3A_621 = %scan3A_390 to %scan3A_392 step %scan3A_393  : i32 {
        %broadcast_in_dim3A = arith.constant 0 : i32
        %broadcast_in_dim3A_622 = vector.broadcast %broadcast_in_dim3A : i32 to vector<16xi32>
        %add3A_623 = vector.broadcast %scan3A_621 : i32 to vector<16xi32>
        %add3A_624 = arith.addi %broadcast_in_dim3A_622, %add3A_623 : vector<16xi32>
        %add3A_625 = vector.broadcast %scan3A_621 : i32 to vector<16xi32>
        %add3A_626 = arith.addi %mul3A_3, %add3A_625 : vector<16xi32>
        %gather3A = tpu.vector_load_idx %arg6[%add3A_626, %and3A_383] : memref<1600x32xf32, #tpu.memory_space<vmem>>[vector<16xi32>, vector<16xi32>], vector<16xf32>,
        %add3A_627 = vector.broadcast %scan3A_621 : i32 to vector<16xi32>
        %add3A_628 = arith.addi %add3A_6, %add3A_627 : vector<16xi32>
        %gather3A_629 = tpu.vector_load_idx %arg6[%add3A_628, %and3A_383] : memref<1600x32xf32, #tpu.memory_space<vmem>>[vector<16xi32>, vector<16xi32>], vector<16xf32>,
        tpu.vector_store_idx %arg7[%add3A_624, %shift_right_arithmetic3A_386, %and3A_389, %iota3A], %gather3A : memref<50x4x8x32xf32, #tpu.memory_space<vmem>>[vector<16xi32>, vector<16xi32>, vector<16xi32>, vector<16xi32>], vector<16xf32>,
        %add3A_630 = arith.constant 16 : i32
        %add3A_631 = vector.broadcast %add3A_630 : i32 to vector<16xi32>
        %add3A_632 = arith.addi %iota3A, %add3A_631 : vector<16xi32>
        tpu.vector_store_idx %arg7[%add3A_624, %shift_right_arithmetic3A_386, %and3A_389, %add3A_632], %gather3A_629 : memref<50x4x8x32xf32, #tpu.memory_space<vmem>>[vector<16xi32>, vector<16xi32>, vector<16xi32>, vector<16xi32>], vector<16xf32>,
      }
      %scan3A_394 = arith.constant 50 : i32
      %add3A_395 = arith.constant 19 : i32
      %add3A_396 = vector.broadcast %add3A_395 : i32 to vector<16xi32>
      %add3A_397 = arith.addi %iota3A, %add3A_396 : vector<16xi32>
      %and3A_398 = arith.constant 31 : i32
      %and3A_399 = vector.broadcast %and3A_398 : i32 to vector<16xi32>
      %and3A_400 = arith.andi %add3A_397, %and3A_399 : vector<16xi32>
      %shift_right_arithmetic3A_401 = arith.constant 3 : i32
      %shift_right_arithmetic3A_402 = vector.broadcast %shift_right_arithmetic3A_401 : i32 to vector<16xi32>
      %shift_right_arithmetic3A_403 = arith.shrsi %and3A_400, %shift_right_arithmetic3A_402 : vector<16xi32>
      %and3A_404 = arith.constant 7 : i32
      %and3A_405 = vector.broadcast %and3A_404 : i32 to vector<16xi32>
      %and3A_406 = arith.andi %and3A_400, %and3A_405 : vector<16xi32>
      %scan3A_407 = arith.constant 0 : i32
      %scan3A_408 = arith.constant 50 : i32
      %scan3A_409 = arith.addi %scan3A_407, %scan3A_408 : i32
      %scan3A_410 = arith.constant 1 : i32
      scf.for %scan3A_621 = %scan3A_407 to %scan3A_409 step %scan3A_410  : i32 {
        %broadcast_in_dim3A = arith.constant 0 : i32
        %broadcast_in_dim3A_622 = vector.broadcast %broadcast_in_dim3A : i32 to vector<16xi32>
        %add3A_623 = vector.broadcast %scan3A_621 : i32 to vector<16xi32>
        %add3A_624 = arith.addi %broadcast_in_dim3A_622, %add3A_623 : vector<16xi32>
        %add3A_625 = vector.broadcast %scan3A_621 : i32 to vector<16xi32>
        %add3A_626 = arith.addi %mul3A_3, %add3A_625 : vector<16xi32>
        %gather3A = tpu.vector_load_idx %arg6[%add3A_626, %and3A_400] : memref<1600x32xf32, #tpu.memory_space<vmem>>[vector<16xi32>, vector<16xi32>], vector<16xf32>,
        %add3A_627 = vector.broadcast %scan3A_621 : i32 to vector<16xi32>
        %add3A_628 = arith.addi %add3A_6, %add3A_627 : vector<16xi32>
        %gather3A_629 = tpu.vector_load_idx %arg6[%add3A_628, %and3A_400] : memref<1600x32xf32, #tpu.memory_space<vmem>>[vector<16xi32>, vector<16xi32>], vector<16xf32>,
        tpu.vector_store_idx %arg7[%add3A_624, %shift_right_arithmetic3A_403, %and3A_406, %iota3A], %gather3A : memref<50x4x8x32xf32, #tpu.memory_space<vmem>>[vector<16xi32>, vector<16xi32>, vector<16xi32>, vector<16xi32>], vector<16xf32>,
        %add3A_630 = arith.constant 16 : i32
        %add3A_631 = vector.broadcast %add3A_630 : i32 to vector<16xi32>
        %add3A_632 = arith.addi %iota3A, %add3A_631 : vector<16xi32>
        tpu.vector_store_idx %arg7[%add3A_624, %shift_right_arithmetic3A_403, %and3A_406, %add3A_632], %gather3A_629 : memref<50x4x8x32xf32, #tpu.memory_space<vmem>>[vector<16xi32>, vector<16xi32>, vector<16xi32>, vector<16xi32>], vector<16xf32>,
      }
      %scan3A_411 = arith.constant 50 : i32
      %add3A_412 = arith.constant 20 : i32
      %add3A_413 = vector.broadcast %add3A_412 : i32 to vector<16xi32>
      %add3A_414 = arith.addi %iota3A, %add3A_413 : vector<16xi32>
      %and3A_415 = arith.constant 31 : i32
      %and3A_416 = vector.broadcast %and3A_415 : i32 to vector<16xi32>
      %and3A_417 = arith.andi %add3A_414, %and3A_416 : vector<16xi32>
      %shift_right_arithmetic3A_418 = arith.constant 3 : i32
      %shift_right_arithmetic3A_419 = vector.broadcast %shift_right_arithmetic3A_418 : i32 to vector<16xi32>
      %shift_right_arithmetic3A_420 = arith.shrsi %and3A_417, %shift_right_arithmetic3A_419 : vector<16xi32>
      %and3A_421 = arith.constant 7 : i32
      %and3A_422 = vector.broadcast %and3A_421 : i32 to vector<16xi32>
      %and3A_423 = arith.andi %and3A_417, %and3A_422 : vector<16xi32>
      %scan3A_424 = arith.constant 0 : i32
      %scan3A_425 = arith.constant 50 : i32
      %scan3A_426 = arith.addi %scan3A_424, %scan3A_425 : i32
      %scan3A_427 = arith.constant 1 : i32
      scf.for %scan3A_621 = %scan3A_424 to %scan3A_426 step %scan3A_427  : i32 {
        %broadcast_in_dim3A = arith.constant 0 : i32
        %broadcast_in_dim3A_622 = vector.broadcast %broadcast_in_dim3A : i32 to vector<16xi32>
        %add3A_623 = vector.broadcast %scan3A_621 : i32 to vector<16xi32>
        %add3A_624 = arith.addi %broadcast_in_dim3A_622, %add3A_623 : vector<16xi32>
        %add3A_625 = vector.broadcast %scan3A_621 : i32 to vector<16xi32>
        %add3A_626 = arith.addi %mul3A_3, %add3A_625 : vector<16xi32>
        %gather3A = tpu.vector_load_idx %arg6[%add3A_626, %and3A_417] : memref<1600x32xf32, #tpu.memory_space<vmem>>[vector<16xi32>, vector<16xi32>], vector<16xf32>,
        %add3A_627 = vector.broadcast %scan3A_621 : i32 to vector<16xi32>
        %add3A_628 = arith.addi %add3A_6, %add3A_627 : vector<16xi32>
        %gather3A_629 = tpu.vector_load_idx %arg6[%add3A_628, %and3A_417] : memref<1600x32xf32, #tpu.memory_space<vmem>>[vector<16xi32>, vector<16xi32>], vector<16xf32>,
        tpu.vector_store_idx %arg7[%add3A_624, %shift_right_arithmetic3A_420, %and3A_423, %iota3A], %gather3A : memref<50x4x8x32xf32, #tpu.memory_space<vmem>>[vector<16xi32>, vector<16xi32>, vector<16xi32>, vector<16xi32>], vector<16xf32>,
        %add3A_630 = arith.constant 16 : i32
        %add3A_631 = vector.broadcast %add3A_630 : i32 to vector<16xi32>
        %add3A_632 = arith.addi %iota3A, %add3A_631 : vector<16xi32>
        tpu.vector_store_idx %arg7[%add3A_624, %shift_right_arithmetic3A_420, %and3A_423, %add3A_632], %gather3A_629 : memref<50x4x8x32xf32, #tpu.memory_space<vmem>>[vector<16xi32>, vector<16xi32>, vector<16xi32>, vector<16xi32>], vector<16xf32>,
      }
      %scan3A_428 = arith.constant 50 : i32
      %add3A_429 = arith.constant 21 : i32
      %add3A_430 = vector.broadcast %add3A_429 : i32 to vector<16xi32>
      %add3A_431 = arith.addi %iota3A, %add3A_430 : vector<16xi32>
      %and3A_432 = arith.constant 31 : i32
      %and3A_433 = vector.broadcast %and3A_432 : i32 to vector<16xi32>
      %and3A_434 = arith.andi %add3A_431, %and3A_433 : vector<16xi32>
      %shift_right_arithmetic3A_435 = arith.constant 3 : i32
      %shift_right_arithmetic3A_436 = vector.broadcast %shift_right_arithmetic3A_435 : i32 to vector<16xi32>
      %shift_right_arithmetic3A_437 = arith.shrsi %and3A_434, %shift_right_arithmetic3A_436 : vector<16xi32>
      %and3A_438 = arith.constant 7 : i32
      %and3A_439 = vector.broadcast %and3A_438 : i32 to vector<16xi32>
      %and3A_440 = arith.andi %and3A_434, %and3A_439 : vector<16xi32>
      %scan3A_441 = arith.constant 0 : i32
      %scan3A_442 = arith.constant 50 : i32
      %scan3A_443 = arith.addi %scan3A_441, %scan3A_442 : i32
      %scan3A_444 = arith.constant 1 : i32
      scf.for %scan3A_621 = %scan3A_441 to %scan3A_443 step %scan3A_444  : i32 {
        %broadcast_in_dim3A = arith.constant 0 : i32
        %broadcast_in_dim3A_622 = vector.broadcast %broadcast_in_dim3A : i32 to vector<16xi32>
        %add3A_623 = vector.broadcast %scan3A_621 : i32 to vector<16xi32>
        %add3A_624 = arith.addi %broadcast_in_dim3A_622, %add3A_623 : vector<16xi32>
        %add3A_625 = vector.broadcast %scan3A_621 : i32 to vector<16xi32>
        %add3A_626 = arith.addi %mul3A_3, %add3A_625 : vector<16xi32>
        %gather3A = tpu.vector_load_idx %arg6[%add3A_626, %and3A_434] : memref<1600x32xf32, #tpu.memory_space<vmem>>[vector<16xi32>, vector<16xi32>], vector<16xf32>,
        %add3A_627 = vector.broadcast %scan3A_621 : i32 to vector<16xi32>
        %add3A_628 = arith.addi %add3A_6, %add3A_627 : vector<16xi32>
        %gather3A_629 = tpu.vector_load_idx %arg6[%add3A_628, %and3A_434] : memref<1600x32xf32, #tpu.memory_space<vmem>>[vector<16xi32>, vector<16xi32>], vector<16xf32>,
        tpu.vector_store_idx %arg7[%add3A_624, %shift_right_arithmetic3A_437, %and3A_440, %iota3A], %gather3A : memref<50x4x8x32xf32, #tpu.memory_space<vmem>>[vector<16xi32>, vector<16xi32>, vector<16xi32>, vector<16xi32>], vector<16xf32>,
        %add3A_630 = arith.constant 16 : i32
        %add3A_631 = vector.broadcast %add3A_630 : i32 to vector<16xi32>
        %add3A_632 = arith.addi %iota3A, %add3A_631 : vector<16xi32>
        tpu.vector_store_idx %arg7[%add3A_624, %shift_right_arithmetic3A_437, %and3A_440, %add3A_632], %gather3A_629 : memref<50x4x8x32xf32, #tpu.memory_space<vmem>>[vector<16xi32>, vector<16xi32>, vector<16xi32>, vector<16xi32>], vector<16xf32>,
      }
      %scan3A_445 = arith.constant 50 : i32
      %add3A_446 = arith.constant 22 : i32
      %add3A_447 = vector.broadcast %add3A_446 : i32 to vector<16xi32>
      %add3A_448 = arith.addi %iota3A, %add3A_447 : vector<16xi32>
      %and3A_449 = arith.constant 31 : i32
      %and3A_450 = vector.broadcast %and3A_449 : i32 to vector<16xi32>
      %and3A_451 = arith.andi %add3A_448, %and3A_450 : vector<16xi32>
      %shift_right_arithmetic3A_452 = arith.constant 3 : i32
      %shift_right_arithmetic3A_453 = vector.broadcast %shift_right_arithmetic3A_452 : i32 to vector<16xi32>
      %shift_right_arithmetic3A_454 = arith.shrsi %and3A_451, %shift_right_arithmetic3A_453 : vector<16xi32>
      %and3A_455 = arith.constant 7 : i32
      %and3A_456 = vector.broadcast %and3A_455 : i32 to vector<16xi32>
      %and3A_457 = arith.andi %and3A_451, %and3A_456 : vector<16xi32>
      %scan3A_458 = arith.constant 0 : i32
      %scan3A_459 = arith.constant 50 : i32
      %scan3A_460 = arith.addi %scan3A_458, %scan3A_459 : i32
      %scan3A_461 = arith.constant 1 : i32
      scf.for %scan3A_621 = %scan3A_458 to %scan3A_460 step %scan3A_461  : i32 {
        %broadcast_in_dim3A = arith.constant 0 : i32
        %broadcast_in_dim3A_622 = vector.broadcast %broadcast_in_dim3A : i32 to vector<16xi32>
        %add3A_623 = vector.broadcast %scan3A_621 : i32 to vector<16xi32>
        %add3A_624 = arith.addi %broadcast_in_dim3A_622, %add3A_623 : vector<16xi32>
        %add3A_625 = vector.broadcast %scan3A_621 : i32 to vector<16xi32>
        %add3A_626 = arith.addi %mul3A_3, %add3A_625 : vector<16xi32>
        %gather3A = tpu.vector_load_idx %arg6[%add3A_626, %and3A_451] : memref<1600x32xf32, #tpu.memory_space<vmem>>[vector<16xi32>, vector<16xi32>], vector<16xf32>,
        %add3A_627 = vector.broadcast %scan3A_621 : i32 to vector<16xi32>
        %add3A_628 = arith.addi %add3A_6, %add3A_627 : vector<16xi32>
        %gather3A_629 = tpu.vector_load_idx %arg6[%add3A_628, %and3A_451] : memref<1600x32xf32, #tpu.memory_space<vmem>>[vector<16xi32>, vector<16xi32>], vector<16xf32>,
        tpu.vector_store_idx %arg7[%add3A_624, %shift_right_arithmetic3A_454, %and3A_457, %iota3A], %gather3A : memref<50x4x8x32xf32, #tpu.memory_space<vmem>>[vector<16xi32>, vector<16xi32>, vector<16xi32>, vector<16xi32>], vector<16xf32>,
        %add3A_630 = arith.constant 16 : i32
        %add3A_631 = vector.broadcast %add3A_630 : i32 to vector<16xi32>
        %add3A_632 = arith.addi %iota3A, %add3A_631 : vector<16xi32>
        tpu.vector_store_idx %arg7[%add3A_624, %shift_right_arithmetic3A_454, %and3A_457, %add3A_632], %gather3A_629 : memref<50x4x8x32xf32, #tpu.memory_space<vmem>>[vector<16xi32>, vector<16xi32>, vector<16xi32>, vector<16xi32>], vector<16xf32>,
      }
      %scan3A_462 = arith.constant 50 : i32
      %add3A_463 = arith.constant 23 : i32
      %add3A_464 = vector.broadcast %add3A_463 : i32 to vector<16xi32>
      %add3A_465 = arith.addi %iota3A, %add3A_464 : vector<16xi32>
      %and3A_466 = arith.constant 31 : i32
      %and3A_467 = vector.broadcast %and3A_466 : i32 to vector<16xi32>
      %and3A_468 = arith.andi %add3A_465, %and3A_467 : vector<16xi32>
      %shift_right_arithmetic3A_469 = arith.constant 3 : i32
      %shift_right_arithmetic3A_470 = vector.broadcast %shift_right_arithmetic3A_469 : i32 to vector<16xi32>
      %shift_right_arithmetic3A_471 = arith.shrsi %and3A_468, %shift_right_arithmetic3A_470 : vector<16xi32>
      %and3A_472 = arith.constant 7 : i32
      %and3A_473 = vector.broadcast %and3A_472 : i32 to vector<16xi32>
      %and3A_474 = arith.andi %and3A_468, %and3A_473 : vector<16xi32>
      %scan3A_475 = arith.constant 0 : i32
      %scan3A_476 = arith.constant 50 : i32
      %scan3A_477 = arith.addi %scan3A_475, %scan3A_476 : i32
      %scan3A_478 = arith.constant 1 : i32
      scf.for %scan3A_621 = %scan3A_475 to %scan3A_477 step %scan3A_478  : i32 {
        %broadcast_in_dim3A = arith.constant 0 : i32
        %broadcast_in_dim3A_622 = vector.broadcast %broadcast_in_dim3A : i32 to vector<16xi32>
        %add3A_623 = vector.broadcast %scan3A_621 : i32 to vector<16xi32>
        %add3A_624 = arith.addi %broadcast_in_dim3A_622, %add3A_623 : vector<16xi32>
        %add3A_625 = vector.broadcast %scan3A_621 : i32 to vector<16xi32>
        %add3A_626 = arith.addi %mul3A_3, %add3A_625 : vector<16xi32>
        %gather3A = tpu.vector_load_idx %arg6[%add3A_626, %and3A_468] : memref<1600x32xf32, #tpu.memory_space<vmem>>[vector<16xi32>, vector<16xi32>], vector<16xf32>,
        %add3A_627 = vector.broadcast %scan3A_621 : i32 to vector<16xi32>
        %add3A_628 = arith.addi %add3A_6, %add3A_627 : vector<16xi32>
        %gather3A_629 = tpu.vector_load_idx %arg6[%add3A_628, %and3A_468] : memref<1600x32xf32, #tpu.memory_space<vmem>>[vector<16xi32>, vector<16xi32>], vector<16xf32>,
        tpu.vector_store_idx %arg7[%add3A_624, %shift_right_arithmetic3A_471, %and3A_474, %iota3A], %gather3A : memref<50x4x8x32xf32, #tpu.memory_space<vmem>>[vector<16xi32>, vector<16xi32>, vector<16xi32>, vector<16xi32>], vector<16xf32>,
        %add3A_630 = arith.constant 16 : i32
        %add3A_631 = vector.broadcast %add3A_630 : i32 to vector<16xi32>
        %add3A_632 = arith.addi %iota3A, %add3A_631 : vector<16xi32>
        tpu.vector_store_idx %arg7[%add3A_624, %shift_right_arithmetic3A_471, %and3A_474, %add3A_632], %gather3A_629 : memref<50x4x8x32xf32, #tpu.memory_space<vmem>>[vector<16xi32>, vector<16xi32>, vector<16xi32>, vector<16xi32>], vector<16xf32>,
      }
      %scan3A_479 = arith.constant 50 : i32
      %add3A_480 = arith.constant 24 : i32
      %add3A_481 = vector.broadcast %add3A_480 : i32 to vector<16xi32>
      %add3A_482 = arith.addi %iota3A, %add3A_481 : vector<16xi32>
      %and3A_483 = arith.constant 31 : i32
      %and3A_484 = vector.broadcast %and3A_483 : i32 to vector<16xi32>
      %and3A_485 = arith.andi %add3A_482, %and3A_484 : vector<16xi32>
      %shift_right_arithmetic3A_486 = arith.constant 3 : i32
      %shift_right_arithmetic3A_487 = vector.broadcast %shift_right_arithmetic3A_486 : i32 to vector<16xi32>
      %shift_right_arithmetic3A_488 = arith.shrsi %and3A_485, %shift_right_arithmetic3A_487 : vector<16xi32>
      %and3A_489 = arith.constant 7 : i32
      %and3A_490 = vector.broadcast %and3A_489 : i32 to vector<16xi32>
      %and3A_491 = arith.andi %and3A_485, %and3A_490 : vector<16xi32>
      %scan3A_492 = arith.constant 0 : i32
      %scan3A_493 = arith.constant 50 : i32
      %scan3A_494 = arith.addi %scan3A_492, %scan3A_493 : i32
      %scan3A_495 = arith.constant 1 : i32
      scf.for %scan3A_621 = %scan3A_492 to %scan3A_494 step %scan3A_495  : i32 {
        %broadcast_in_dim3A = arith.constant 0 : i32
        %broadcast_in_dim3A_622 = vector.broadcast %broadcast_in_dim3A : i32 to vector<16xi32>
        %add3A_623 = vector.broadcast %scan3A_621 : i32 to vector<16xi32>
        %add3A_624 = arith.addi %broadcast_in_dim3A_622, %add3A_623 : vector<16xi32>
        %add3A_625 = vector.broadcast %scan3A_621 : i32 to vector<16xi32>
        %add3A_626 = arith.addi %mul3A_3, %add3A_625 : vector<16xi32>
        %gather3A = tpu.vector_load_idx %arg6[%add3A_626, %and3A_485] : memref<1600x32xf32, #tpu.memory_space<vmem>>[vector<16xi32>, vector<16xi32>], vector<16xf32>,
        %add3A_627 = vector.broadcast %scan3A_621 : i32 to vector<16xi32>
        %add3A_628 = arith.addi %add3A_6, %add3A_627 : vector<16xi32>
        %gather3A_629 = tpu.vector_load_idx %arg6[%add3A_628, %and3A_485] : memref<1600x32xf32, #tpu.memory_space<vmem>>[vector<16xi32>, vector<16xi32>], vector<16xf32>,
        tpu.vector_store_idx %arg7[%add3A_624, %shift_right_arithmetic3A_488, %and3A_491, %iota3A], %gather3A : memref<50x4x8x32xf32, #tpu.memory_space<vmem>>[vector<16xi32>, vector<16xi32>, vector<16xi32>, vector<16xi32>], vector<16xf32>,
        %add3A_630 = arith.constant 16 : i32
        %add3A_631 = vector.broadcast %add3A_630 : i32 to vector<16xi32>
        %add3A_632 = arith.addi %iota3A, %add3A_631 : vector<16xi32>
        tpu.vector_store_idx %arg7[%add3A_624, %shift_right_arithmetic3A_488, %and3A_491, %add3A_632], %gather3A_629 : memref<50x4x8x32xf32, #tpu.memory_space<vmem>>[vector<16xi32>, vector<16xi32>, vector<16xi32>, vector<16xi32>], vector<16xf32>,
      }
      %scan3A_496 = arith.constant 50 : i32
      %add3A_497 = arith.constant 25 : i32
      %add3A_498 = vector.broadcast %add3A_497 : i32 to vector<16xi32>
      %add3A_499 = arith.addi %iota3A, %add3A_498 : vector<16xi32>
      %and3A_500 = arith.constant 31 : i32
      %and3A_501 = vector.broadcast %and3A_500 : i32 to vector<16xi32>
      %and3A_502 = arith.andi %add3A_499, %and3A_501 : vector<16xi32>
      %shift_right_arithmetic3A_503 = arith.constant 3 : i32
      %shift_right_arithmetic3A_504 = vector.broadcast %shift_right_arithmetic3A_503 : i32 to vector<16xi32>
      %shift_right_arithmetic3A_505 = arith.shrsi %and3A_502, %shift_right_arithmetic3A_504 : vector<16xi32>
      %and3A_506 = arith.constant 7 : i32
      %and3A_507 = vector.broadcast %and3A_506 : i32 to vector<16xi32>
      %and3A_508 = arith.andi %and3A_502, %and3A_507 : vector<16xi32>
      %scan3A_509 = arith.constant 0 : i32
      %scan3A_510 = arith.constant 50 : i32
      %scan3A_511 = arith.addi %scan3A_509, %scan3A_510 : i32
      %scan3A_512 = arith.constant 1 : i32
      scf.for %scan3A_621 = %scan3A_509 to %scan3A_511 step %scan3A_512  : i32 {
        %broadcast_in_dim3A = arith.constant 0 : i32
        %broadcast_in_dim3A_622 = vector.broadcast %broadcast_in_dim3A : i32 to vector<16xi32>
        %add3A_623 = vector.broadcast %scan3A_621 : i32 to vector<16xi32>
        %add3A_624 = arith.addi %broadcast_in_dim3A_622, %add3A_623 : vector<16xi32>
        %add3A_625 = vector.broadcast %scan3A_621 : i32 to vector<16xi32>
        %add3A_626 = arith.addi %mul3A_3, %add3A_625 : vector<16xi32>
        %gather3A = tpu.vector_load_idx %arg6[%add3A_626, %and3A_502] : memref<1600x32xf32, #tpu.memory_space<vmem>>[vector<16xi32>, vector<16xi32>], vector<16xf32>,
        %add3A_627 = vector.broadcast %scan3A_621 : i32 to vector<16xi32>
        %add3A_628 = arith.addi %add3A_6, %add3A_627 : vector<16xi32>
        %gather3A_629 = tpu.vector_load_idx %arg6[%add3A_628, %and3A_502] : memref<1600x32xf32, #tpu.memory_space<vmem>>[vector<16xi32>, vector<16xi32>], vector<16xf32>,
        tpu.vector_store_idx %arg7[%add3A_624, %shift_right_arithmetic3A_505, %and3A_508, %iota3A], %gather3A : memref<50x4x8x32xf32, #tpu.memory_space<vmem>>[vector<16xi32>, vector<16xi32>, vector<16xi32>, vector<16xi32>], vector<16xf32>,
        %add3A_630 = arith.constant 16 : i32
        %add3A_631 = vector.broadcast %add3A_630 : i32 to vector<16xi32>
        %add3A_632 = arith.addi %iota3A, %add3A_631 : vector<16xi32>
        tpu.vector_store_idx %arg7[%add3A_624, %shift_right_arithmetic3A_505, %and3A_508, %add3A_632], %gather3A_629 : memref<50x4x8x32xf32, #tpu.memory_space<vmem>>[vector<16xi32>, vector<16xi32>, vector<16xi32>, vector<16xi32>], vector<16xf32>,
      }
      %scan3A_513 = arith.constant 50 : i32
      %add3A_514 = arith.constant 26 : i32
      %add3A_515 = vector.broadcast %add3A_514 : i32 to vector<16xi32>
      %add3A_516 = arith.addi %iota3A, %add3A_515 : vector<16xi32>
      %and3A_517 = arith.constant 31 : i32
      %and3A_518 = vector.broadcast %and3A_517 : i32 to vector<16xi32>
      %and3A_519 = arith.andi %add3A_516, %and3A_518 : vector<16xi32>
      %shift_right_arithmetic3A_520 = arith.constant 3 : i32
      %shift_right_arithmetic3A_521 = vector.broadcast %shift_right_arithmetic3A_520 : i32 to vector<16xi32>
      %shift_right_arithmetic3A_522 = arith.shrsi %and3A_519, %shift_right_arithmetic3A_521 : vector<16xi32>
      %and3A_523 = arith.constant 7 : i32
      %and3A_524 = vector.broadcast %and3A_523 : i32 to vector<16xi32>
      %and3A_525 = arith.andi %and3A_519, %and3A_524 : vector<16xi32>
      %scan3A_526 = arith.constant 0 : i32
      %scan3A_527 = arith.constant 50 : i32
      %scan3A_528 = arith.addi %scan3A_526, %scan3A_527 : i32
      %scan3A_529 = arith.constant 1 : i32
      scf.for %scan3A_621 = %scan3A_526 to %scan3A_528 step %scan3A_529  : i32 {
        %broadcast_in_dim3A = arith.constant 0 : i32
        %broadcast_in_dim3A_622 = vector.broadcast %broadcast_in_dim3A : i32 to vector<16xi32>
        %add3A_623 = vector.broadcast %scan3A_621 : i32 to vector<16xi32>
        %add3A_624 = arith.addi %broadcast_in_dim3A_622, %add3A_623 : vector<16xi32>
        %add3A_625 = vector.broadcast %scan3A_621 : i32 to vector<16xi32>
        %add3A_626 = arith.addi %mul3A_3, %add3A_625 : vector<16xi32>
        %gather3A = tpu.vector_load_idx %arg6[%add3A_626, %and3A_519] : memref<1600x32xf32, #tpu.memory_space<vmem>>[vector<16xi32>, vector<16xi32>], vector<16xf32>,
        %add3A_627 = vector.broadcast %scan3A_621 : i32 to vector<16xi32>
        %add3A_628 = arith.addi %add3A_6, %add3A_627 : vector<16xi32>
        %gather3A_629 = tpu.vector_load_idx %arg6[%add3A_628, %and3A_519] : memref<1600x32xf32, #tpu.memory_space<vmem>>[vector<16xi32>, vector<16xi32>], vector<16xf32>,
        tpu.vector_store_idx %arg7[%add3A_624, %shift_right_arithmetic3A_522, %and3A_525, %iota3A], %gather3A : memref<50x4x8x32xf32, #tpu.memory_space<vmem>>[vector<16xi32>, vector<16xi32>, vector<16xi32>, vector<16xi32>], vector<16xf32>,
        %add3A_630 = arith.constant 16 : i32
        %add3A_631 = vector.broadcast %add3A_630 : i32 to vector<16xi32>
        %add3A_632 = arith.addi %iota3A, %add3A_631 : vector<16xi32>
        tpu.vector_store_idx %arg7[%add3A_624, %shift_right_arithmetic3A_522, %and3A_525, %add3A_632], %gather3A_629 : memref<50x4x8x32xf32, #tpu.memory_space<vmem>>[vector<16xi32>, vector<16xi32>, vector<16xi32>, vector<16xi32>], vector<16xf32>,
      }
      %scan3A_530 = arith.constant 50 : i32
      %add3A_531 = arith.constant 27 : i32
      %add3A_532 = vector.broadcast %add3A_531 : i32 to vector<16xi32>
      %add3A_533 = arith.addi %iota3A, %add3A_532 : vector<16xi32>
      %and3A_534 = arith.constant 31 : i32
      %and3A_535 = vector.broadcast %and3A_534 : i32 to vector<16xi32>
      %and3A_536 = arith.andi %add3A_533, %and3A_535 : vector<16xi32>
      %shift_right_arithmetic3A_537 = arith.constant 3 : i32
      %shift_right_arithmetic3A_538 = vector.broadcast %shift_right_arithmetic3A_537 : i32 to vector<16xi32>
      %shift_right_arithmetic3A_539 = arith.shrsi %and3A_536, %shift_right_arithmetic3A_538 : vector<16xi32>
      %and3A_540 = arith.constant 7 : i32
      %and3A_541 = vector.broadcast %and3A_540 : i32 to vector<16xi32>
      %and3A_542 = arith.andi %and3A_536, %and3A_541 : vector<16xi32>
      %scan3A_543 = arith.constant 0 : i32
      %scan3A_544 = arith.constant 50 : i32
      %scan3A_545 = arith.addi %scan3A_543, %scan3A_544 : i32
      %scan3A_546 = arith.constant 1 : i32
      scf.for %scan3A_621 = %scan3A_543 to %scan3A_545 step %scan3A_546  : i32 {
        %broadcast_in_dim3A = arith.constant 0 : i32
        %broadcast_in_dim3A_622 = vector.broadcast %broadcast_in_dim3A : i32 to vector<16xi32>
        %add3A_623 = vector.broadcast %scan3A_621 : i32 to vector<16xi32>
        %add3A_624 = arith.addi %broadcast_in_dim3A_622, %add3A_623 : vector<16xi32>
        %add3A_625 = vector.broadcast %scan3A_621 : i32 to vector<16xi32>
        %add3A_626 = arith.addi %mul3A_3, %add3A_625 : vector<16xi32>
        %gather3A = tpu.vector_load_idx %arg6[%add3A_626, %and3A_536] : memref<1600x32xf32, #tpu.memory_space<vmem>>[vector<16xi32>, vector<16xi32>], vector<16xf32>,
        %add3A_627 = vector.broadcast %scan3A_621 : i32 to vector<16xi32>
        %add3A_628 = arith.addi %add3A_6, %add3A_627 : vector<16xi32>
        %gather3A_629 = tpu.vector_load_idx %arg6[%add3A_628, %and3A_536] : memref<1600x32xf32, #tpu.memory_space<vmem>>[vector<16xi32>, vector<16xi32>], vector<16xf32>,
        tpu.vector_store_idx %arg7[%add3A_624, %shift_right_arithmetic3A_539, %and3A_542, %iota3A], %gather3A : memref<50x4x8x32xf32, #tpu.memory_space<vmem>>[vector<16xi32>, vector<16xi32>, vector<16xi32>, vector<16xi32>], vector<16xf32>,
        %add3A_630 = arith.constant 16 : i32
        %add3A_631 = vector.broadcast %add3A_630 : i32 to vector<16xi32>
        %add3A_632 = arith.addi %iota3A, %add3A_631 : vector<16xi32>
        tpu.vector_store_idx %arg7[%add3A_624, %shift_right_arithmetic3A_539, %and3A_542, %add3A_632], %gather3A_629 : memref<50x4x8x32xf32, #tpu.memory_space<vmem>>[vector<16xi32>, vector<16xi32>, vector<16xi32>, vector<16xi32>], vector<16xf32>,
      }
      %scan3A_547 = arith.constant 50 : i32
      %add3A_548 = arith.constant 28 : i32
      %add3A_549 = vector.broadcast %add3A_548 : i32 to vector<16xi32>
      %add3A_550 = arith.addi %iota3A, %add3A_549 : vector<16xi32>
      %and3A_551 = arith.constant 31 : i32
      %and3A_552 = vector.broadcast %and3A_551 : i32 to vector<16xi32>
      %and3A_553 = arith.andi %add3A_550, %and3A_552 : vector<16xi32>
      %shift_right_arithmetic3A_554 = arith.constant 3 : i32
      %shift_right_arithmetic3A_555 = vector.broadcast %shift_right_arithmetic3A_554 : i32 to vector<16xi32>
      %shift_right_arithmetic3A_556 = arith.shrsi %and3A_553, %shift_right_arithmetic3A_555 : vector<16xi32>
      %and3A_557 = arith.constant 7 : i32
      %and3A_558 = vector.broadcast %and3A_557 : i32 to vector<16xi32>
      %and3A_559 = arith.andi %and3A_553, %and3A_558 : vector<16xi32>
      %scan3A_560 = arith.constant 0 : i32
      %scan3A_561 = arith.constant 50 : i32
      %scan3A_562 = arith.addi %scan3A_560, %scan3A_561 : i32
      %scan3A_563 = arith.constant 1 : i32
      scf.for %scan3A_621 = %scan3A_560 to %scan3A_562 step %scan3A_563  : i32 {
        %broadcast_in_dim3A = arith.constant 0 : i32
        %broadcast_in_dim3A_622 = vector.broadcast %broadcast_in_dim3A : i32 to vector<16xi32>
        %add3A_623 = vector.broadcast %scan3A_621 : i32 to vector<16xi32>
        %add3A_624 = arith.addi %broadcast_in_dim3A_622, %add3A_623 : vector<16xi32>
        %add3A_625 = vector.broadcast %scan3A_621 : i32 to vector<16xi32>
        %add3A_626 = arith.addi %mul3A_3, %add3A_625 : vector<16xi32>
        %gather3A = tpu.vector_load_idx %arg6[%add3A_626, %and3A_553] : memref<1600x32xf32, #tpu.memory_space<vmem>>[vector<16xi32>, vector<16xi32>], vector<16xf32>,
        %add3A_627 = vector.broadcast %scan3A_621 : i32 to vector<16xi32>
        %add3A_628 = arith.addi %add3A_6, %add3A_627 : vector<16xi32>
        %gather3A_629 = tpu.vector_load_idx %arg6[%add3A_628, %and3A_553] : memref<1600x32xf32, #tpu.memory_space<vmem>>[vector<16xi32>, vector<16xi32>], vector<16xf32>,
        tpu.vector_store_idx %arg7[%add3A_624, %shift_right_arithmetic3A_556, %and3A_559, %iota3A], %gather3A : memref<50x4x8x32xf32, #tpu.memory_space<vmem>>[vector<16xi32>, vector<16xi32>, vector<16xi32>, vector<16xi32>], vector<16xf32>,
        %add3A_630 = arith.constant 16 : i32
        %add3A_631 = vector.broadcast %add3A_630 : i32 to vector<16xi32>
        %add3A_632 = arith.addi %iota3A, %add3A_631 : vector<16xi32>
        tpu.vector_store_idx %arg7[%add3A_624, %shift_right_arithmetic3A_556, %and3A_559, %add3A_632], %gather3A_629 : memref<50x4x8x32xf32, #tpu.memory_space<vmem>>[vector<16xi32>, vector<16xi32>, vector<16xi32>, vector<16xi32>], vector<16xf32>,
      }
      %scan3A_564 = arith.constant 50 : i32
      %add3A_565 = arith.constant 29 : i32
      %add3A_566 = vector.broadcast %add3A_565 : i32 to vector<16xi32>
      %add3A_567 = arith.addi %iota3A, %add3A_566 : vector<16xi32>
      %and3A_568 = arith.constant 31 : i32
      %and3A_569 = vector.broadcast %and3A_568 : i32 to vector<16xi32>
      %and3A_570 = arith.andi %add3A_567, %and3A_569 : vector<16xi32>
      %shift_right_arithmetic3A_571 = arith.constant 3 : i32
      %shift_right_arithmetic3A_572 = vector.broadcast %shift_right_arithmetic3A_571 : i32 to vector<16xi32>
      %shift_right_arithmetic3A_573 = arith.shrsi %and3A_570, %shift_right_arithmetic3A_572 : vector<16xi32>
      %and3A_574 = arith.constant 7 : i32
      %and3A_575 = vector.broadcast %and3A_574 : i32 to vector<16xi32>
      %and3A_576 = arith.andi %and3A_570, %and3A_575 : vector<16xi32>
      %scan3A_577 = arith.constant 0 : i32
      %scan3A_578 = arith.constant 50 : i32
      %scan3A_579 = arith.addi %scan3A_577, %scan3A_578 : i32
      %scan3A_580 = arith.constant 1 : i32
      scf.for %scan3A_621 = %scan3A_577 to %scan3A_579 step %scan3A_580  : i32 {
        %broadcast_in_dim3A = arith.constant 0 : i32
        %broadcast_in_dim3A_622 = vector.broadcast %broadcast_in_dim3A : i32 to vector<16xi32>
        %add3A_623 = vector.broadcast %scan3A_621 : i32 to vector<16xi32>
        %add3A_624 = arith.addi %broadcast_in_dim3A_622, %add3A_623 : vector<16xi32>
        %add3A_625 = vector.broadcast %scan3A_621 : i32 to vector<16xi32>
        %add3A_626 = arith.addi %mul3A_3, %add3A_625 : vector<16xi32>
        %gather3A = tpu.vector_load_idx %arg6[%add3A_626, %and3A_570] : memref<1600x32xf32, #tpu.memory_space<vmem>>[vector<16xi32>, vector<16xi32>], vector<16xf32>,
        %add3A_627 = vector.broadcast %scan3A_621 : i32 to vector<16xi32>
        %add3A_628 = arith.addi %add3A_6, %add3A_627 : vector<16xi32>
        %gather3A_629 = tpu.vector_load_idx %arg6[%add3A_628, %and3A_570] : memref<1600x32xf32, #tpu.memory_space<vmem>>[vector<16xi32>, vector<16xi32>], vector<16xf32>,
        tpu.vector_store_idx %arg7[%add3A_624, %shift_right_arithmetic3A_573, %and3A_576, %iota3A], %gather3A : memref<50x4x8x32xf32, #tpu.memory_space<vmem>>[vector<16xi32>, vector<16xi32>, vector<16xi32>, vector<16xi32>], vector<16xf32>,
        %add3A_630 = arith.constant 16 : i32
        %add3A_631 = vector.broadcast %add3A_630 : i32 to vector<16xi32>
        %add3A_632 = arith.addi %iota3A, %add3A_631 : vector<16xi32>
        tpu.vector_store_idx %arg7[%add3A_624, %shift_right_arithmetic3A_573, %and3A_576, %add3A_632], %gather3A_629 : memref<50x4x8x32xf32, #tpu.memory_space<vmem>>[vector<16xi32>, vector<16xi32>, vector<16xi32>, vector<16xi32>], vector<16xf32>,
      }
      %scan3A_581 = arith.constant 50 : i32
      %add3A_582 = arith.constant 30 : i32
      %add3A_583 = vector.broadcast %add3A_582 : i32 to vector<16xi32>
      %add3A_584 = arith.addi %iota3A, %add3A_583 : vector<16xi32>
      %and3A_585 = arith.constant 31 : i32
      %and3A_586 = vector.broadcast %and3A_585 : i32 to vector<16xi32>
      %and3A_587 = arith.andi %add3A_584, %and3A_586 : vector<16xi32>
      %shift_right_arithmetic3A_588 = arith.constant 3 : i32
      %shift_right_arithmetic3A_589 = vector.broadcast %shift_right_arithmetic3A_588 : i32 to vector<16xi32>
      %shift_right_arithmetic3A_590 = arith.shrsi %and3A_587, %shift_right_arithmetic3A_589 : vector<16xi32>
      %and3A_591 = arith.constant 7 : i32
      %and3A_592 = vector.broadcast %and3A_591 : i32 to vector<16xi32>
      %and3A_593 = arith.andi %and3A_587, %and3A_592 : vector<16xi32>
      %scan3A_594 = arith.constant 0 : i32
      %scan3A_595 = arith.constant 50 : i32
      %scan3A_596 = arith.addi %scan3A_594, %scan3A_595 : i32
      %scan3A_597 = arith.constant 1 : i32
      scf.for %scan3A_621 = %scan3A_594 to %scan3A_596 step %scan3A_597  : i32 {
        %broadcast_in_dim3A = arith.constant 0 : i32
        %broadcast_in_dim3A_622 = vector.broadcast %broadcast_in_dim3A : i32 to vector<16xi32>
        %add3A_623 = vector.broadcast %scan3A_621 : i32 to vector<16xi32>
        %add3A_624 = arith.addi %broadcast_in_dim3A_622, %add3A_623 : vector<16xi32>
        %add3A_625 = vector.broadcast %scan3A_621 : i32 to vector<16xi32>
        %add3A_626 = arith.addi %mul3A_3, %add3A_625 : vector<16xi32>
        %gather3A = tpu.vector_load_idx %arg6[%add3A_626, %and3A_587] : memref<1600x32xf32, #tpu.memory_space<vmem>>[vector<16xi32>, vector<16xi32>], vector<16xf32>,
        %add3A_627 = vector.broadcast %scan3A_621 : i32 to vector<16xi32>
        %add3A_628 = arith.addi %add3A_6, %add3A_627 : vector<16xi32>
        %gather3A_629 = tpu.vector_load_idx %arg6[%add3A_628, %and3A_587] : memref<1600x32xf32, #tpu.memory_space<vmem>>[vector<16xi32>, vector<16xi32>], vector<16xf32>,
        tpu.vector_store_idx %arg7[%add3A_624, %shift_right_arithmetic3A_590, %and3A_593, %iota3A], %gather3A : memref<50x4x8x32xf32, #tpu.memory_space<vmem>>[vector<16xi32>, vector<16xi32>, vector<16xi32>, vector<16xi32>], vector<16xf32>,
        %add3A_630 = arith.constant 16 : i32
        %add3A_631 = vector.broadcast %add3A_630 : i32 to vector<16xi32>
        %add3A_632 = arith.addi %iota3A, %add3A_631 : vector<16xi32>
        tpu.vector_store_idx %arg7[%add3A_624, %shift_right_arithmetic3A_590, %and3A_593, %add3A_632], %gather3A_629 : memref<50x4x8x32xf32, #tpu.memory_space<vmem>>[vector<16xi32>, vector<16xi32>, vector<16xi32>, vector<16xi32>], vector<16xf32>,
      }
      %scan3A_598 = arith.constant 50 : i32
      %add3A_599 = arith.constant 31 : i32
      %add3A_600 = vector.broadcast %add3A_599 : i32 to vector<16xi32>
      %add3A_601 = arith.addi %iota3A, %add3A_600 : vector<16xi32>
      %and3A_602 = arith.constant 31 : i32
      %and3A_603 = vector.broadcast %and3A_602 : i32 to vector<16xi32>
      %and3A_604 = arith.andi %add3A_601, %and3A_603 : vector<16xi32>
      %shift_right_arithmetic3A_605 = arith.constant 3 : i32
      %shift_right_arithmetic3A_606 = vector.broadcast %shift_right_arithmetic3A_605 : i32 to vector<16xi32>
      %shift_right_arithmetic3A_607 = arith.shrsi %and3A_604, %shift_right_arithmetic3A_606 : vector<16xi32>
      %and3A_608 = arith.constant 7 : i32
      %and3A_609 = vector.broadcast %and3A_608 : i32 to vector<16xi32>
      %and3A_610 = arith.andi %and3A_604, %and3A_609 : vector<16xi32>
      %scan3A_611 = arith.constant 0 : i32
      %scan3A_612 = arith.constant 50 : i32
      %scan3A_613 = arith.addi %scan3A_611, %scan3A_612 : i32
      %scan3A_614 = arith.constant 1 : i32
      scf.for %scan3A_621 = %scan3A_611 to %scan3A_613 step %scan3A_614  : i32 {
        %broadcast_in_dim3A = arith.constant 0 : i32
        %broadcast_in_dim3A_622 = vector.broadcast %broadcast_in_dim3A : i32 to vector<16xi32>
        %add3A_623 = vector.broadcast %scan3A_621 : i32 to vector<16xi32>
        %add3A_624 = arith.addi %broadcast_in_dim3A_622, %add3A_623 : vector<16xi32>
        %add3A_625 = vector.broadcast %scan3A_621 : i32 to vector<16xi32>
        %add3A_626 = arith.addi %mul3A_3, %add3A_625 : vector<16xi32>
        %gather3A = tpu.vector_load_idx %arg6[%add3A_626, %and3A_604] : memref<1600x32xf32, #tpu.memory_space<vmem>>[vector<16xi32>, vector<16xi32>], vector<16xf32>,
        %add3A_627 = vector.broadcast %scan3A_621 : i32 to vector<16xi32>
        %add3A_628 = arith.addi %add3A_6, %add3A_627 : vector<16xi32>
        %gather3A_629 = tpu.vector_load_idx %arg6[%add3A_628, %and3A_604] : memref<1600x32xf32, #tpu.memory_space<vmem>>[vector<16xi32>, vector<16xi32>], vector<16xf32>,
        tpu.vector_store_idx %arg7[%add3A_624, %shift_right_arithmetic3A_607, %and3A_610, %iota3A], %gather3A : memref<50x4x8x32xf32, #tpu.memory_space<vmem>>[vector<16xi32>, vector<16xi32>, vector<16xi32>, vector<16xi32>], vector<16xf32>,
        %add3A_630 = arith.constant 16 : i32
        %add3A_631 = vector.broadcast %add3A_630 : i32 to vector<16xi32>
        %add3A_632 = arith.addi %iota3A, %add3A_631 : vector<16xi32>
        tpu.vector_store_idx %arg7[%add3A_624, %shift_right_arithmetic3A_607, %and3A_610, %add3A_632], %gather3A_629 : memref<50x4x8x32xf32, #tpu.memory_space<vmem>>[vector<16xi32>, vector<16xi32>, vector<16xi32>, vector<16xi32>], vector<16xf32>,
      }
      %scan3A_615 = arith.constant 50 : i32
      %scan3A_616 = arith.constant 0 : i32
      %scan3A_617 = arith.constant 50 : i32
      %scan3A_618 = arith.addi %scan3A_616, %scan3A_617 : i32
      %scan3A_619 = arith.constant 1 : i32
      scf.for %scan3A_621 = %scan3A_616 to %scan3A_618 step %scan3A_619  : i32 {
        %dma_start3A_622 = arith.constant 0 : i32
        %dma_start3A_623 = arith.constant 0 : i32
        %dma_start3A_624 = arith.constant 0 : i32
        %dma_start3A_625 = tpu.memref_slice %arg7[%scan3A_621, %dma_start3A_622, %dma_start3A_623, %dma_start3A_624] : memref<50x4x8x32xf32, #tpu.memory_space<vmem>> -> memref<1x4x8x32xf32, #tpu.memory_space<vmem>>
        %dma_start3A_626 = tpu.memref_squeeze %dma_start3A_625 : memref<1x4x8x32xf32, #tpu.memory_space<vmem>> -> memref<4x8x32xf32, #tpu.memory_space<vmem>>
        %dma_start3A_627 = arith.constant 0 : i32
        %dma_start3A_628 = arith.constant 0 : i32
        %dma_start3A_629 = tpu.memref_slice %arg4[%scan3A_621, %dma_start3A_627, %add3A_47, %dma_start3A_628, %mul3A_63] : memref<50x4x128x8x128xf32, #tpu.memory_space<hbm>> -> memref<1x4x1x8x32xf32, #tpu.memory_space<hbm>>
        %dma_start3A_630 = tpu.memref_squeeze %dma_start3A_629 : memref<1x4x1x8x32xf32, #tpu.memory_space<hbm>> -> memref<4x8x32xf32, #tpu.memory_space<hbm>>
        %dma_start3A_631 = arith.constant 0 : i32
        %dma_start3A_632 = arith.constant 0 : i32
        %dma_start3A_633 = tpu.memref_slice %arg4[%scan3A_621, %dma_start3A_631, %add3A_47, %dma_start3A_632, %mul3A_63] : memref<50x4x128x8x128xf32, #tpu.memory_space<hbm>> -> memref<1x4x1x8x32xf32, #tpu.memory_space<hbm>>
        %dma_start3A_634 = tpu.memref_squeeze %dma_start3A_633 : memref<1x4x1x8x32xf32, #tpu.memory_space<hbm>> -> memref<4x8x32xf32, #tpu.memory_space<hbm>>
        %dma_start3A_635 = arith.constant 0 : i32
        %dma_start3A_636 = arith.constant 0 : i32
        %dma_start3A_637 = arith.constant 0 : i32
        %dma_start3A_638 = tpu.memref_slice %arg7[%scan3A_621, %dma_start3A_635, %dma_start3A_636, %dma_start3A_637] : memref<50x4x8x32xf32, #tpu.memory_space<vmem>> -> memref<1x4x8x32xf32, #tpu.memory_space<vmem>>
        %dma_start3A_639 = tpu.memref_squeeze %dma_start3A_638 : memref<1x4x8x32xf32, #tpu.memory_space<vmem>> -> memref<4x8x32xf32, #tpu.memory_space<vmem>>
        tpu.enqueue_dma source(%dma_start3A_639 : memref<4x8x32xf32, #tpu.memory_space<vmem>>) target(%dma_start3A_634 : memref<4x8x32xf32, #tpu.memory_space<hbm>>) target_semaphore(%arg9 : memref<!tpu.dma_semaphore, #tpu.memory_space<semaphore_mem>>)
      }
      %scan3A_620 = arith.constant 50 : i32
    }
    %scan3A_10 = arith.constant 16 : i32
    %dma_wait3A = arith.constant 0 : i32
    %dma_wait3A_11 = arith.constant 0 : i32
    %dma_wait3A_12 = arith.constant 0 : i32
    %dma_wait3A_13 = arith.constant 0 : i32
    %dma_wait3A_14 = arith.constant 0 : i32
    %dma_wait3A_15 = tpu.memref_slice %arg4[%dma_wait3A_11, %dma_wait3A_12, %dma_wait3A, %dma_wait3A_13, %dma_wait3A_14] : memref<50x4x128x8x128xf32, #tpu.memory_space<hbm>> -> memref<50x4x1x8x32xf32, #tpu.memory_space<hbm>>
    %dma_wait3A_16 = tpu.memref_squeeze %dma_wait3A_15 : memref<50x4x1x8x32xf32, #tpu.memory_space<hbm>> -> memref<50x4x8x32xf32, #tpu.memory_space<hbm>>
    %dma_wait3A_17 = arith.constant 0 : i32
    %dma_wait3A_18 = arith.constant 0 : i32
    %dma_wait3A_19 = arith.constant 0 : i32
    %dma_wait3A_20 = arith.constant 0 : i32
    %dma_wait3A_21 = tpu.memref_slice %arg4[%dma_wait3A_17, %dma_wait3A_18, %dma_wait3A, %dma_wait3A_19, %dma_wait3A_20] : memref<50x4x128x8x128xf32, #tpu.memory_space<hbm>> -> memref<50x4x1x8x32xf32, #tpu.memory_space<hbm>>
    %dma_wait3A_22 = tpu.memref_squeeze %dma_wait3A_21 : memref<50x4x1x8x32xf32, #tpu.memory_space<hbm>> -> memref<50x4x8x32xf32, #tpu.memory_space<hbm>>
    tpu.wait_dma2 semaphore(%arg9 : memref<!tpu.dma_semaphore, #tpu.memory_space<semaphore_mem>>) src(%dma_wait3A_22 : memref<50x4x8x32xf32, #tpu.memory_space<hbm>>) dst(%arg7 : memref<50x4x8x32xf32, #tpu.memory_space<vmem>>)
    return
  }
}

</mosaic_0001>

<sc_bundles>
// kernel: kernel.3.cloned.1.call-start
scs
__scs_entry_jumppad:
0x0: {  	(pc) =	sbr.rel $0x88, $3  }
0x1: {  	(tag) =	ssettag $0x0;
	lr =	simm.s32 $0x1  }
0x2: {  	[smem:$0x3F9F] =	sst lr;
	_ =	strace $0xD0000000  }
0x3: {  	_ = 	snop  }
0x4: {  	_ = 	snop  }
0x5: {  	_ = 	snop  }
0x6: {  	_ = 	snop  }
0x7: {  	_ = 	snop  }
__scs_overlays_trampoline_lowered:
0x8: {  	[smem:$0x3FAE] =	sst s0  }
0x9: {  	[smem:$0x3FAF] =	sst s1  }
0xa: {  	[smem:$0x3FB0] =	sst s2  }
0xb: {  	[smem:$0x3FB1] =	sst s3  }
0xc: {  	[smem:$0x3FB2] =	sst s4  }
0xd: {  	[smem:$0x3FB3] =	sst s5  }
0xe: {  	[smem:$0x3FB4] =	sst s6  }
0xf: {  	[smem:$0x3FB5] =	sst s7  }
0x10: {  	[smem:$0x3FB6] =	sst s8  }
0x11: {  	[smem:$0x3FB7] =	sst s9;
	s0 =	simm.s32 @!p0 $0x0  }
0x12: {  	s1 =	sld [smem:$0x3F9D];
	s0 =	simm.s32 @p0 $0x1  }
0x13: {  	[smem:$0x3FB8] =	sst s0;
	s0 =	simm.s32 @!p1 $0x0  }
0x14: {  	s2 =	sld [smem:$0x3F9C];
	s0 =	simm.s32 @p1 $0x1  }
0x15: {  	[smem:$0x3FB9] =	sst s0;
	s0 =	simm.s32 @!p2 $0x0  }
0x16: {  	s3 =	sld [smem:$0x3FDB];
	s0 =	simm.s32 @p2 $0x1  }
0x17: {  	s4 =	simm.s32 $0x1BF5;
	[smem:$0x3FBB] =	sst s0  }
0x18: {  	s0 =	sld [smem:$0x3F9E];
	_ =	swait.ge [sflag:s4], $0x0  }
0x19: {  	s7 =	sld [smem:$0x3F9F]  }
0x1a: {  	s8 =	sadd.s32 $0xFFFFE003, lr  }
0x1b: {  	s9 =	sadd.s32 $0xFFFFFEF7, lr;
	s5 =	simm.s32 $0xFFFFFFFF;
	p2 =	slt.u32 s8, $0xFFFFF086  }
0x1c: {  	p1 =	slt.u32 s9, $0xF7A;
	s5 =	simm.s32 @!p2 $0x0  }
0x1d: {  	s5 =	simm.s32 @p1 $0x1;
	p0 =	seq.s32 s7, s2  }
0x1e: {  	s7 =	smul.u32 @!p0 $0xF7A, s2;
	p2 =	seq.s32 @!p0 s5, $0x0  }
0x1f: {  	s9 =	smul.u32 $0xF7A, s1;
	s8 =	simm.s32 @!p0 $0x1BF5;
	p2 =	por !p2, p0  }
0x20: {  	[sflag:s8] =	ssyncset.s32 @!p0 $0xFFFFF086;
	s6 =	sadd.s32 @!p0 s3, s7;
	s7 =	simm.s32 @!p0 $0x108  }
0x21: {  	s3 =	sadd.s32 s3, s9;
	s6 =	sadd.s32 @!p0 $0x88, s6;
	s7 =	simm.s32 @p2 $0x1082  }
0x22: {  	[simem:s7], [sflag:s8] =	dma.local @!p0 [hbm:s6], $0xF7A  }
0x23: {  	s9 =	sor.u32 $0xD0000000, s2;
	s6 =	simm.s32 $0x108;
	_ =	swait.ge @!p0 [sflag:s8], $0x0  }
0x24: {  	s3 =	sadd.s32 $0x88, s3;
	s6 =	simm.s32 @!p1 $0x1082;
	[sflag:s4] =	ssyncset.s32 $0xFFFFF086  }
0x25: {  	[simem:s6], [sflag:s4] =	dma.local [hbm:s3], $0xF7A  }
0x26: {  	[smem:$0x3F9F] =	sst s1;
	(tag) =	ssettag s2;
	_ =	strace s9  }
0x27: {  	s1 =	sld [smem:$0x3FAF]  }
0x28: {  	s2 =	sld [smem:$0x3FB0]  }
0x29: {  	s4 =	sld [smem:$0x3FB2]  }
0x2a: {  	p0 =	seq.s32 s5, $0x0;
	s5 =	sld [smem:$0x3FB3]  }
0x2b: {  	s6 =	sld [smem:$0x3FB4]  }
0x2c: {  	s7 =	sld [smem:$0x3FB5]  }
0x2d: {  	s3 =	simm.s32 $0x108;
	s8 =	sld [smem:$0x3FB6]  }
0x2e: {  	s3 =	simm.s32 @!p0 $0x1082;
	s9 =	sld [smem:$0x3FB7]  }
0x2f: {  	lr =	sadd.s32 s0, s3;
	s0 =	sld [smem:$0x3FAE]  }
0x30: {  	s3 =	sld [smem:$0x3FB1]  }
0x31: {  	[smem:$0x3FBA] =	sst s10  }
0x32: {  	s10 =	sld [smem:$0x3FB8];
	_ =	sdelay $0x3  }
0x33: {  	p0 =	seq.s32 s10, $0x1;
	s10 =	sld [smem:$0x3FBA];
	_ =	sdelay $0x3  }
0x34: {  	[smem:$0x3FBA] =	sst s10  }
0x35: {  	s10 =	sld [smem:$0x3FB9];
	_ =	sdelay $0x3  }
0x36: {  	p1 =	seq.s32 s10, $0x1;
	s10 =	sld [smem:$0x3FBA];
	_ =	sdelay $0x3  }
0x37: {  	[smem:$0x3FBA] =	sst s10  }
0x38: {  	s10 =	sld [smem:$0x3FBB]  }
0x39: {  	_ = 	snop;
	(pc) =	sbr.ind lr, $3  }
0x3a: {  	_ = 	snop  }
0x3b: {  	_ = 	snop  }
0x3c: {  	p2 =	seq.s32 s10, $0x1;
	s10 =	sld [smem:$0x3FBA]  }
0x3d: {  	_ =	shalt  }
0x3e: {  	_ =	shalt  }
0x3f: {  	_ =	shalt  }
0x40: {  	_ =	shalt  }
0x41: {  	_ =	shalt  }
0x42: {  	_ =	shalt  }
0x43: {  	_ =	shalt  }
0x44: {  	_ =	shalt  }
0x45: {  	_ =	shalt  }
0x46: {  	_ =	shalt  }
0x47: {  	_ =	shalt  }
0x48: {  	_ =	shalt  }
0x49: {  	_ =	shalt  }
0x4a: {  	_ =	shalt  }
0x4b: {  	_ =	shalt  }
0x4c: {  	_ =	shalt  }
0x4d: {  	_ =	shalt  }
0x4e: {  	_ =	shalt  }
0x4f: {  	_ =	shalt  }
0x50: {  	_ =	shalt  }
0x51: {  	_ =	shalt  }
0x52: {  	_ =	shalt  }
0x53: {  	_ =	shalt  }
0x54: {  	_ =	shalt  }
0x55: {  	_ =	shalt  }
0x56: {  	_ =	shalt  }
0x57: {  	_ =	shalt  }
0x58: {  	_ =	shalt  }
0x59: {  	_ =	shalt  }
0x5a: {  	_ =	shalt  }
0x5b: {  	_ =	shalt  }
0x5c: {  	_ =	shalt  }
0x5d: {  	_ =	shalt  }
0x5e: {  	_ =	shalt  }
0x5f: {  	_ =	shalt  }
0x60: {  	_ =	shalt  }
0x61: {  	_ =	shalt  }
0x62: {  	_ =	shalt  }
0x63: {  	_ =	shalt  }
0x64: {  	_ =	shalt  }
0x65: {  	_ =	shalt  }
0x66: {  	_ =	shalt  }
0x67: {  	_ =	shalt  }
0x68: {  	_ =	shalt  }
0x69: {  	_ =	shalt  }
0x6a: {  	_ =	shalt  }
0x6b: {  	_ =	shalt  }
0x6c: {  	_ =	shalt  }
0x6d: {  	_ =	shalt  }
0x6e: {  	_ =	shalt  }
0x6f: {  	_ =	shalt  }
0x70: {  	_ =	shalt  }
0x71: {  	_ =	shalt  }
0x72: {  	_ =	shalt  }
0x73: {  	_ =	shalt  }
0x74: {  	_ =	shalt  }
0x75: {  	_ =	shalt  }
0x76: {  	_ =	shalt  }
0x77: {  	_ =	shalt  }
0x78: {  	_ =	shalt  }
0x79: {  	_ =	shalt  }
0x7a: {  	_ =	shalt  }
0x7b: {  	_ =	shalt  }
0x7c: {  	_ =	shalt  }
0x7d: {  	_ =	shalt  }
0x7e: {  	_ =	shalt  }
0x7f: {  	_ =	shalt  }
0x80: {  	_ =	shalt  }
0x81: {  	_ =	shalt  }
0x82: {  	_ =	shalt  }
0x83: {  	_ =	shalt  }
0x84: {  	_ =	shalt  }
0x85: {  	_ =	shalt  }
0x86: {  	_ =	shalt  }
0x87: {  	_ =	shalt  }
.Lfunc_end0:
.L_simem_size_0:
called_computation_lowered:
.L_overlay_start_0:
0x88: {  	s2 =	sld [smem:$0x3FD9]  }
0x89: {  	s3 =	sld [smem:$0x3FFE];
	_ =	sdelay $0x1  }
0x8a: {  	s1 =	srdreg.scid  }
0x8b: {  	s0 =	sand.u32 $0x1, s1  }
0x8c: {  	s17 =	sshll.u32 s0, $0xA;
	s2 =	sadd.s32 s3, s2  }
0x8d: {  	s2 =	sadd.s32 s2, s17  }
0x8e: {  	[smem:$0x3FC6] =	sst s2  }
0x8f: {  	_ = 	snop  }
0x90: {  	s2 =	sld [smem:$0x3FD0];
	(tm) =	ssettm $0x1  }
0x91: {  	s18 =	sld [smem:$0x3FFB];
	_ =	sdelay $0x3  }
0x92: {  	_ =	strace s18  }
0x93: {  	s3 =	sld [smem:$0x3FFC];
	_ =	sdelay $0x3  }
0x94: {  	_ =	strace s3  }
0x95: {  	s3 =	sld [smem:$0x3FFD];
	_ =	sdelay $0x3  }
0x96: {  	_ =	strace s3  }
0x97: {  	_ =	strace $0x8FFFFFFF  }
0x98: {  	s19 =	sld [smem:$0x3FDB];
	_ =	sdelay $0x1  }
0x99: {  	s4 =	simm.s32 $_scs_section_size  }
0x9a: {  	s5 =	simm.s32 $_size__tile_overlayer_lowered;
	s6 =	simm.s32 $_tile_overlayer_lowered  }
0x9b: {  	s22 =	simm.s32 $0x1BFF;
	s21 =	sshll.u32 s6, $0x1;
	s3 =	sadd.s32 s4, s19  }
0x9c: {  	s7 =	simm.s32 $0x0;
	s20 =	sshll.u32 s5, $0x1;
	s5 =	sadd.s32 s21, s3  }
0x9d: {  	[timem:s7], [sflag:s22] =	dma.local [hbm:s5], s20  }
0x9e: {  	_ =	swait.ge [sflag:s22], s20  }
0x9f: {  	s4 =	ssub.s32 $0x0, s20;
	[sflag:s22] =	ssyncset.done $0x0  }
0xa0: {  	[sflag:s22] =	ssyncadd.s32 s4;
	_ =	sdelay $0x1  }
0xa1: {  	s23 =	simm.s32 $0x1B8B  }
0xa2: {  	_ =	swait.ge [sflag:s23], $0x1  }
0xa3: {  	[sflag:s23] =	ssyncset.done $0x0  }
0xa4: {  	s25 =	simm.s32 $0x1B8E;
	s24 =	sld [smem:$0x3FFE];
	[sflag:s23] =	ssyncadd.s32 $0xFFFFFFFF  }
0xa5: {  	s26 =	simm.s32 $execute0_lowered;
	[smem:$0x3FD2] =	sst s25  }
0xa6: {  	s5 =	sshll.u32 s26, $0x1;
	_ =	strace $0x80000046;
	[dreg:$0x1] =	wrdreg $0xFFFFFFFF  }
0xa7: {  	s28 =	simm.s32 $_size_execute0_lowered;
	s3 =	sadd.s32 s3, s5;
	[dreg:$0x0] =	wrdreg $0x0  }
0xa8: {  	s5 =	sshll.u32 s28, $0x1;
	[dreg:$0x2] =	wrdreg s3  }
0xa9: {  	[dreg:$0x3] =	wrdreg s5  }
0xaa: {  	[dreg:$0x4] =	wrdreg $0xC0  }
0xab: {  	_ =	task [dreg:s7], $0x5FFFF  }
0xac: {  	[dreg:$0x1] =	wrdreg $0xFFFFFFFF  }
0xad: {  	[dreg:$0x0] =	wrdreg $0x60  }
0xae: {  	[dreg:$0x2] =	wrdreg s24  }
0xaf: {  	[dreg:$0x3] =	wrdreg s2  }
0xb0: {  	[dreg:$0x4] =	wrdreg $0x9  }
0xb1: {  	_ =	task.clear_ibuf [dreg:s7], $0x5FFFF;
	_ =	strace $0x90000046  }
0xb2: {  	s29 =	simm.s32 $0x9;
	_ =	strace $0x80000048  }
0xb3: {  	_ =	swait.ge [sflag:s29], $0x1  }
0xb4: {  	[sflag:s29] =	ssyncadd.s32 $0xFFFFFFFF  }
0xb5: {  	_ =	strace $0x90000048  }
0xb6: {  	_ =	sfence  }
0xb7: {  	s30 =	sld [smem:$0x0];
	_ =	sdelay $0x2  }
0xb8: {  	s31 =	sshll.u32 s1, $0xD;
	s1 =	sshrl.u32 s1, $0x2  }
0xb9: {  	s3 =	sand.u32 $0x4000, s31;
	s1 =	sadd.s32 s1, s30  }
0xba: {  	s0 =	sor.u32 s3, s0;
	s1 =	sshll.u32 s1, $0x11  }
0xbb: {  	s0 =	sor.u32 s1, s0  }
0xbc: {  	s0 =	sadd.s32 $0x8F2B, s0  }
0xbd: {  	[sflag:s0] =	ssyncadd.remote.s32 $0x1  }
0xbe: {  	_ =	sfence.sel $0xFFFF  }
0xbf: {  	[dreg:$0x0] =	wrdreg $0xFFFFFFFF;
	(pc) =	sbr.abs _section_cstart, $3  }
0xc0: {  	[dreg:$0x1] =	wrdreg $0xFFFFFFFF  }
0xc1: {  	_ =	task.clear_ibuf [dreg:s7], $0x2FFFF;
	_ =	strace $0x9FFFFFFF  }
0xc2: {  	(tm) =	ssettm $0x7FFFFFFF  }
0xc3: {  	_ =	shalt  }
tec
execute0_lowered:
.L_overlay_start_1:
0x0: {  	(tag) =	ssettag $0x1  }
0x1: {  	v0 =	vimm.s32 $0xF;
	vm1 =	vcmask $0x300  }
0x2: {  	vm3 =	vcmask $0x704;
	vm4 =	vcmask $0xB08;
	vm5 =	vcmask $0xF0C  }
0x3: {  	vm0 =	vcmask $0x1310;
	vm7 =	vcmask $0x1714;
	vm8 =	vcmask $0x1B18  }
0x4: {  	vm9 =	vcmask $0x1F1C;
	v1 =	vimm.s32 $0x1F;
	vm6 =	vcmask $0x2320  }
0x5: {  	v3 =	vimm.s32 $0x368;
	v5 =	vimm.s32 $0x5F3E1D00;
	vm2 =	vcmask $0x1F14  }
0x6: {  	v7 =	vimm.s32 $0x2F;
	v8 =	vimm.s32 $0xAF;
	v19 =	vimm.s32 $0xB6E4D2C  }
0x7: {  	vm14 =	vcmask $0x3B2C;
	v22 =	vimm.s32 $0x177A5938;
	v23 =	vimm.s32 $0x9BFEDDBC  }
0x8: {  	vm15 =	vcmask $0x3728;
	vm10 =	vcmask $0x3324;
	v24 =	vimm.s32 $0x57361578  }
0x9: {  	v25 =	vimm.s32 $0xDBBA99FC;
	vm12 =	vcmask $0x2314;
	v26 =	vimm.s32 $0x77563514  }
0xa: {  	vm13 =	vcmask $0x2F20;
	v27 =	vimm.s32 $0x19F;
	v28 =	vimm.s32 $0x87EAC9A8  }
0xb: {  	v29 =	vimm.s32 $0x97FAD9B8;
	v30 =	vimm.s32 $0x33127554;
	v31 =	vimm.s32 $0x53321174  }
0xc: {  	v32 =	vimm.s32 $0x1DF;
	v33 =	vimm.s32 $0xD7B695F8;
	v57 =	vimm.s32 $0x18171615  }
0xd: {  	v58 =	vimm.s32 $0x1D1C1B1A;
	v0 =	vsel vm1, $0x220, v0;
	v1 =	vsel vm1, $0x230, v1  }
0xe: {  	v5 =	vunpack.c.0.s8.s32 v5;
	v8 =	vsel vm1, $0x2C0, v8;
	v19 =	vunpack.c.0.s8.s32 v19  }
0xf: {  	v22 =	vunpack.c.0.s8.s32 v22;
	v23 =	vunpack.c.0.s8.s32 v23;
	v24 =	vunpack.c.0.s8.s32 v24  }
0x10: {  	v25 =	vunpack.c.0.s8.s32 v25;
	v28 =	vunpack.c.0.s8.s32 v28;
	v0 =	vsel vm3, $0x241, v0  }
0x11: {  	v30 =	vunpack.c.0.s8.s32 v30;
	v8 =	vsel vm3, $0x2E1, v8;
	v0 =	vsel vm4, $0x262, v0  }
0x12: {  	v31 =	vunpack.c.0.s8.s32 v31;
	v8 =	vsel vm4, $0x302, v8;
	v0 =	vsel vm5, $0x283, v0  }
0x13: {  	v32 =	vsel vm1, $0x3F0, v32;
	v8 =	vsel vm5, $0x323, v8;
	v0 =	vsel vm0, $0x2A4, v0  }
0x14: {  	v33 =	vunpack.c.0.s8.s32 v33;
	v8 =	vsel vm0, $0x344, v8;
	v0 =	vsel vm7, $0x2C5, v0  }
0x15: {  	v1 =	vsel vm3, $0x251, v1;
	v8 =	vsel vm7, $0x365, v8;
	v0 =	vsel vm8, $0x2E6, v0  }
0x16: {  	v30 =	vand.u32 $0xFF, v30;
	v8 =	vsel vm8, $0x386, v8;
	v0 =	vsel vm9, $0x307, v0  }
0x17: {  	v2 =	vsel vm6, $0x328, v0;
	v0 =	vsel vm4, $0x272, v1;
	v1 =	vsel vm3, $0x389, v3  }
0x18: {  	v3 =	vimm.s32 $0x378;
	v0 =	vsel vm5, $0x293, v0;
	v1 =	vsel vm4, $0x3AA, v1  }
0x19: {  	v4 =	vsel vm0, $0x2B4, v0;
	v0 =	vsel vm5, $0x3CB, v1;
	v1 =	vsel vm3, $0x399, v3  }
0x1a: {  	v8 =	vsel vm9, $0x3A7, v8;
	v3 =	vimm.s32 $0x4F2E0D00;
	v1 =	vsel vm4, $0x3BA, v1  }
0x1b: {  	v16 =	vsel vm6, $0x3C8, v8;
	v3 =	vunpack.c.0.s8.s32 v3;
	v1 =	vsel vm5, $0x3DB, v1  }
0x1c: {  	v8 =	vimm.s32 $0xDF;
	v0 =	vsel vm0, $0x3EC, v0;
	v6 =	vsel vm0, $0x3FC, v1  }
0x1d: {  	v1 =	vsel vm2, v3, v0;
	v3 =	vsel vm7, $0x2D5, v4;
	v4 =	vsel vm1, $0x240, v7  }
0x1e: {  	v0 =	vsel vm2, v5, v6;
	v4 =	vsel vm3, $0x261, v4;
	v5 =	vimm.s32 $0x3F  }
0x1f: {  	v8 =	vsel vm1, $0x2F0, v8;
	v4 =	vsel vm4, $0x282, v4;
	v5 =	vsel vm1, $0x250, v5  }
0x20: {  	v8 =	vsel vm3, $0x311, v8;
	v4 =	vsel vm5, $0x2A3, v4;
	v5 =	vsel vm3, $0x271, v5  }
0x21: {  	v6 =	vimm.s32 $0x260;
	v4 =	vsel vm0, $0x2C4, v4;
	v5 =	vsel vm4, $0x292, v5  }
0x22: {  	v6 =	vsel vm3, $0x281, v6;
	v4 =	vsel vm7, $0x2E5, v4;
	v5 =	vsel vm5, $0x2B3, v5  }
0x23: {  	v6 =	vsel vm4, $0x2A2, v6;
	v4 =	vsel vm8, $0x306, v4;
	v5 =	vsel vm0, $0x2D4, v5  }
0x24: {  	v6 =	vsel vm5, $0x2C3, v6;
	v4 =	vsel vm9, $0x327, v4;
	v5 =	vsel vm7, $0x2F5, v5  }
0x25: {  	v9 =	vsel vm6, $0x348, v4;
	v4 =	vsel vm8, $0x316, v5;
	v5 =	vsel vm0, $0x2E4, v6  }
0x26: {  	v6 =	vimm.s32 $0x270;
	v4 =	vsel vm9, $0x337, v4;
	v5 =	vsel vm7, $0x305, v5  }
0x27: {  	v7 =	vsel vm3, $0x291, v6;
	v6 =	vimm.s32 $0x9F;
	v12 =	vsel vm6, $0x358, v4  }
0x28: {  	v4 =	vsel vm8, $0x326, v5;
	v5 =	vimm.s32 $0x8F;
	v6 =	vsel vm1, $0x2B0, v6  }
0x29: {  	v8 =	vsel vm4, $0x332, v8;
	v5 =	vsel vm1, $0x2A0, v5;
	v6 =	vsel vm3, $0x2D1, v6  }
0x2a: {  	v8 =	vsel vm5, $0x353, v8;
	v5 =	vsel vm3, $0x2C1, v5;
	v6 =	vsel vm4, $0x2F2, v6  }
0x2b: {  	v8 =	vsel vm0, $0x374, v8;
	v5 =	vsel vm4, $0x2E2, v5;
	v6 =	vsel vm5, $0x313, v6  }
0x2c: {  	vm2 =	vcmask $0x2724;
	v5 =	vsel vm5, $0x303, v5;
	v6 =	vsel vm0, $0x334, v6  }
0x2d: {  	v3 =	vsel vm8, $0x2F6, v3;
	v5 =	vsel vm0, $0x324, v5;
	v6 =	vsel vm7, $0x355, v6  }
0x2e: {  	v8 =	vsel vm7, $0x395, v8;
	v5 =	vsel vm7, $0x345, v5;
	v6 =	vsel vm8, $0x376, v6  }
0x2f: {  	v3 =	vsel vm9, $0x317, v3;
	v5 =	vsel vm8, $0x366, v5;
	v6 =	vsel vm9, $0x397, v6  }
0x30: {  	v5 =	vsel vm9, $0x387, v5;
	v15 =	vsel vm6, $0x3B8, v6;
	v6 =	vimm.s32 $0xCF  }
0x31: {  	v14 =	vsel vm6, $0x3A8, v5;
	v5 =	vimm.s32 $0xBF;
	v6 =	vsel vm1, $0x2E0, v6  }
0x32: {  	v8 =	vsel vm8, $0x3B6, v8;
	v5 =	vsel vm1, $0x2D0, v5;
	v6 =	vsel vm3, $0x301, v6  }
0x33: {  	v2 =	vsel vm2, $0x349, v2;
	v5 =	vsel vm3, $0x2F1, v5;
	v6 =	vsel vm4, $0x322, v6  }
0x34: {  	v3 =	vsel vm6, $0x338, v3;
	v5 =	vsel vm4, $0x312, v5;
	v6 =	vsel vm5, $0x343, v6  }
0x35: {  	v8 =	vsel vm9, $0x3D7, v8;
	v5 =	vsel vm5, $0x333, v5;
	v6 =	vsel vm0, $0x364, v6  }
0x36: {  	v3 =	vsel vm2, $0x359, v3;
	v5 =	vsel vm0, $0x354, v5;
	v6 =	vsel vm7, $0x385, v6  }
0x37: {  	v9 =	vsel vm2, $0x369, v9;
	v5 =	vsel vm7, $0x375, v5;
	v6 =	vsel vm8, $0x3A6, v6  }
0x38: {  	v12 =	vsel vm2, $0x379, v12;
	v5 =	vsel vm8, $0x396, v5;
	v6 =	vsel vm9, $0x3C7, v6  }
0x39: {  	v15 =	vsel vm2, $0x3D9, v15;
	v5 =	vsel vm9, $0x3B7, v5;
	v18 =	vsel vm6, $0x3E8, v6  }
0x3a: {  	v6 =	vsel vm9, $0x347, v4;
	v4 =	vsel vm4, $0x2B2, v7;
	v7 =	vimm.s32 $0x280  }
0x3b: {  	v17 =	vsel vm6, $0x3D8, v5;
	v5 =	vsel vm6, $0x3F8, v8;
	vm6 =	vcmask $0x2B28  }
0x3c: {  	v4 =	vsel vm5, $0x2D3, v4;
	v8 =	vimm.s32 $0x290;
	v7 =	vsel vm3, $0x2A1, v7  }
0x3d: {  	v4 =	vsel vm0, $0x2F4, v4;
	v8 =	vsel vm3, $0x2B1, v8;
	v7 =	vsel vm4, $0x2C2, v7  }
0x3e: {  	v15 =	vsel vm6, $0x3FA, v15;
	v4 =	vsel vm7, $0x315, v4;
	v8 =	vsel vm4, $0x2D2, v8  }
0x3f: {  	v7 =	vsel vm5, $0x2E3, v7;
	v4 =	vsel vm8, $0x336, v4;
	v10 =	vsel vm5, $0x2F3, v8  }
0x40: {  	v8 =	vsel vm9, $0x357, v4;
	v4 =	vsel vm0, $0x304, v7;
	v7 =	vsel vm0, $0x314, v10  }
0x41: {  	v10 =	vimm.s32 $0x388;
	v4 =	vsel vm7, $0x325, v4;
	v7 =	vsel vm7, $0x335, v7  }
0x42: {  	v13 =	vsel vm3, $0x3A9, v10;
	v4 =	vsel vm8, $0x346, v4;
	v7 =	vsel vm8, $0x356, v7  }
0x43: {  	v11 =	vsel vm9, $0x367, v4;
	v10 =	vsel vm9, $0x377, v7;
	v4 =	vimm.s32 $0x300  }
0x44: {  	v7 =	vsel vm2, $0x3C9, v14;
	v14 =	vimm.s32 $0x310;
	v4 =	vsel vm3, $0x321, v4  }
0x45: {  	v2 =	vsel vm6, $0x36A, v2;
	v14 =	vsel vm3, $0x331, v14;
	v4 =	vsel vm4, $0x342, v4  }
0x46: {  	v20 =	vsel vm6, $0x3EA, v7;
	v14 =	vsel vm4, $0x352, v14;
	v4 =	vsel vm5, $0x363, v4  }
0x47: {  	v7 =	vsel vm5, $0x373, v14;
	v14 =	vand.u32 $0xFF, v19;
	v19 =	vimm.s32 $0x1B7E5D3C  }
0x48: {  	v4 =	vsel vm0, $0x384, v4;
	v7 =	vsel vm0, $0x394, v7;
	v19 =	vunpack.c.0.s8.s32 v19  }
0x49: {  	v14 =	vsel vm14, v14, v20;
	v20 =	vimm.s32 $0x76A4928;
	v4 =	vsel vm7, $0x3A5, v4  }
0x4a: {  	v21 =	vsel vm7, $0x3B5, v7;
	v4 =	vsel vm8, $0x3C6, v4;
	v19 =	vand.u32 $0xFF, v19  }
0x4b: {  	v7 =	vsel vm9, $0x3E7, v4;
	v4 =	vsel vm8, $0x3D6, v21;
	v21 =	vimm.s32 $0x10F  }
0x4c: {  	v51 =	vsel vm14, v19, v15;
	v15 =	vsel vm2, $0x3E9, v16;
	v16 =	vimm.s32 $0x11F  }
0x4d: {  	[tilespmem:$0x1FC20] =	vst v14;
	v20 =	vunpack.c.0.s8.s32 v20;
	v14 =	vsel vm1, $0x320, v21;
	v16 =	vsel vm1, $0x330, v16  }
0x4e: {  	v19 =	vimm.s32 $0x2B0A6D4C;
	v14 =	vsel vm3, $0x341, v14;
	v16 =	vsel vm3, $0x351, v16  }
0x4f: {  	v20 =	vand.u32 $0xFF, v20;
	v14 =	vsel vm4, $0x362, v14;
	v16 =	vsel vm4, $0x372, v16  }
0x50: {  	v19 =	vunpack.c.0.s8.s32 v19;
	v14 =	vsel vm5, $0x383, v14;
	v16 =	vsel vm5, $0x393, v16  }
0x51: {  	v21 =	vimm.s32 $0x8BEECDAC;
	v14 =	vsel vm0, $0x3A4, v14;
	v16 =	vsel vm0, $0x3B4, v16  }
0x52: {  	v21 =	vunpack.c.0.s8.s32 v21;
	v14 =	vsel vm7, $0x3C5, v14;
	v16 =	vsel vm7, $0x3D5, v16  }
0x53: {  	v14 =	vsel vm8, $0x3E6, v14;
	v16 =	vsel vm8, $0x3F6, v16;
	vm8 =	vcmask $0x2B1C  }
0x54: {  	v19 =	vand.u32 $0xFF, v19;
	v14 =	vsel vm8, v20, v14;
	v20 =	vand.u32 $0xFF, v22  }
0x55: {  	v21 =	vand.u32 $0xFF, v21;
	v22 =	vimm.s32 $0x3B1A7D5C;
	v16 =	vsel vm8, v20, v16  }
0x56: {  	v20 =	vand.u32 $0xFF, v23;
	v14 =	vsel vm14, v21, v14;
	v23 =	vimm.s32 $0xBB9AFDDC  }
0x57: {  	[tilespmem:$0x1FC30] =	vst v14;
	v14 =	vsel vm14, v20, v16;
	v20 =	vimm.s32 $0x12F;
	v16 =	vsel vm15, v19, v15  }
0x58: {  	v15 =	vsel vm2, $0x3F9, v17;
	v19 =	vimm.s32 $0x4B2A096C;
	[tilespmem:$0x1FC40] =	vst v14;
	v14 =	vunpack.c.0.s8.s32 v22  }
0x59: {  	v23 =	vunpack.c.0.s8.s32 v23;
	v17 =	vsel vm1, $0x340, v20;
	v22 =	vimm.s32 $0x37167958  }
0x5a: {  	v20 =	vsel vm3, $0x361, v17;
	v22 =	vunpack.c.0.s8.s32 v22;
	v14 =	vand.u32 $0xFF, v14  }
0x5b: {  	v17 =	vsel vm15, v14, v15;
	v14 =	vunpack.c.0.s8.s32 v19;
	v15 =	vsel vm4, $0x382, v20  }
0x5c: {  	v19 =	vimm.s32 $0x27066948;
	v20 =	vimm.s32 $0x13F;
	v15 =	vsel vm5, $0x3A3, v15  }
0x5d: {  	v19 =	vunpack.c.0.s8.s32 v19;
	v20 =	vsel vm1, $0x350, v20;
	v15 =	vsel vm0, $0x3C4, v15  }
0x5e: {  	v21 =	vand.u32 $0xFF, v14;
	v14 =	vsel vm7, $0x3E5, v15;
	v15 =	vsel vm3, $0x371, v20  }
0x5f: {  	v21 =	vsel vm10, v21, v18;
	v18 =	vimm.s32 $0x5B3A197C;
	v15 =	vsel vm4, $0x392, v15  }
0x60: {  	v20 =	vimm.s32 $0xAB8AEDCC;
	v18 =	vunpack.c.0.s8.s32 v18;
	v15 =	vsel vm5, $0x3B3, v15  }
0x61: {  	v19 =	vand.u32 $0xFF, v19;
	v20 =	vunpack.c.0.s8.s32 v20;
	v15 =	vsel vm0, $0x3D4, v15  }
0x62: {  	v18 =	vand.u32 $0xFF, v18;
	v15 =	vsel vm7, $0x3F5, v15;
	vm7 =	vcmask $0x2718  }
0x63: {  	v14 =	vsel vm7, v19, v14;
	v19 =	vand.u32 $0xFF, v20;
	v20 =	vand.u32 $0xFF, v22  }
0x64: {  	v14 =	vsel vm15, v19, v14;
	v15 =	vsel vm7, v20, v15;
	v19 =	vand.u32 $0xFF, v23  }
0x65: {  	v22 =	vimm.s32 $0x15F;
	v15 =	vsel vm15, v19, v15;
	v19 =	vimm.s32 $0x14F  }
0x66: {  	v20 =	vimm.s32 $0x47260568;
	v22 =	vsel vm1, $0x370, v22;
	v19 =	vsel vm1, $0x360, v19  }
0x67: {  	v23 =	vimm.s32 $0xCBAA89EC;
	v20 =	vunpack.c.0.s8.s32 v20;
	v19 =	vsel vm3, $0x381, v19  }
0x68: {  	v22 =	vsel vm3, $0x391, v22;
	v23 =	vunpack.c.0.s8.s32 v23;
	v19 =	vsel vm4, $0x3A2, v19  }
0x69: {  	v22 =	vsel vm4, $0x3B2, v22;
	v20 =	vand.u32 $0xFF, v20;
	v19 =	vsel vm5, $0x3C3, v19  }
0x6a: {  	v22 =	vsel vm5, $0x3D3, v22;
	v23 =	vand.u32 $0xFF, v23;
	v19 =	vsel vm0, $0x3E4, v19  }
0x6b: {  	v22 =	vsel vm0, $0x3F4, v22;
	v19 =	vsel vm12, v20, v19;
	v20 =	vand.u32 $0xFF, v24  }
0x6c: {  	vm0 =	vcmask $0x1F10;
	v24 =	vand.u32 $0xFF, v25;
	v20 =	vsel vm12, v20, v22  }
0x6d: {  	v22 =	vsel vm10, v18, v5;
	v19 =	vsel vm10, v23, v19;
	v5 =	vsel vm4, $0x3CA, v13  }
0x6e: {  	v13 =	vimm.s32 $0x16F;
	v18 =	vsel vm10, v24, v20;
	v23 =	vsel vm5, $0x3EB, v5  }
0x6f: {  	v5 =	vimm.s32 $0x398;
	v13 =	vsel vm1, $0x380, v13;
	v20 =	vimm.s32 $0x67462504  }
0x70: {  	v24 =	vimm.s32 $0xEBCAA988;
	v5 =	vsel vm3, $0x3B9, v5;
	v13 =	vsel vm3, $0x3A1, v13  }
0x71: {  	v20 =	vunpack.c.0.s8.s32 v20;
	v5 =	vsel vm4, $0x3DA, v5;
	v13 =	vsel vm4, $0x3C2, v13  }
0x72: {  	v25 =	vsel vm5, $0x3FB, v5;
	v5 =	vsel vm5, $0x3E3, v13;
	v13 =	vimm.s32 $0x17F  }
0x73: {  	v24 =	vunpack.c.0.s8.s32 v24;
	v20 =	vand.u32 $0xFF, v20;
	v13 =	vsel vm1, $0x390, v13  }
0x74: {  	v5 =	vsel vm0, v20, v5;
	v20 =	vunpack.c.0.s8.s32 v26;
	v13 =	vsel vm3, $0x3B1, v13  }
0x75: {  	v24 =	vand.u32 $0xFF, v24;
	v26 =	vimm.s32 $0xFBDAB998;
	v13 =	vsel vm4, $0x3D2, v13  }
0x76: {  	v26 =	vunpack.c.0.s8.s32 v26;
	v20 =	vand.u32 $0xFF, v20;
	v13 =	vsel vm5, $0x3F3, v13  }
0x77: {  	v24 =	vsel vm13, v24, v5;
	v5 =	vsel vm0, v20, v13;
	v13 =	vimm.s32 $0x18F  }
0x78: {  	v20 =	vand.u32 $0xFF, v26;
	v26 =	vimm.s32 $0x3664524;
	v13 =	vsel vm1, $0x3A0, v13  }
0x79: {  	v26 =	vunpack.c.0.s8.s32 v26;
	v20 =	vsel vm13, v20, v5;
	v13 =	vsel vm3, $0x3C1, v13  }
0x7a: {  	v5 =	vsel vm4, $0x3E2, v13;
	v13 =	vsel vm1, $0x3B0, v27;
	v27 =	vimm.s32 $0x13765534  }
0x7b: {  	vm14 =	vcmask $0x1B0C;
	v26 =	vand.u32 $0xFF, v26;
	v27 =	vunpack.c.0.s8.s32 v27  }
0x7c: {  	v3 =	vsel vm6, $0x37A, v3;
	v13 =	vsel vm3, $0x3D1, v13;
	v5 =	vsel vm14, v26, v5  }
0x7d: {  	v13 =	vsel vm4, $0x3F2, v13;
	v26 =	vand.u32 $0xFF, v27;
	v27 =	vunpack.c.0.s8.s32 v29  }
0x7e: {  	v13 =	vsel vm14, v26, v13;
	v26 =	vand.u32 $0xFF, v28;
	v28 =	vimm.s32 $0x23026544  }
0x7f: {  	vm15 =	vcmask $0x1708;
	v29 =	vimm.s32 $0x1AF;
	v28 =	vunpack.c.0.s8.s32 v28  }
0x80: {  	v27 =	vand.u32 $0xFF, v27;
	v26 =	vsel vm8, v26, v5;
	v5 =	vsel vm1, $0x3C0, v29  }
0x81: {  	v13 =	vsel vm8, v27, v13;
	v27 =	vand.u32 $0xFF, v28;
	v28 =	vimm.s32 $0xA786E9C8  }
0x82: {  	v29 =	vimm.s32 $0x1BF;
	v5 =	vsel vm3, $0x3E1, v5;
	v28 =	vunpack.c.0.s8.s32 v28  }
0x83: {  	v29 =	vsel vm1, $0x3D0, v29;
	v5 =	vsel vm15, v27, v5;
	v27 =	vimm.s32 $0xB796F9D8  }
0x84: {  	v29 =	vsel vm3, $0x3F1, v29;
	v27 =	vunpack.c.0.s8.s32 v27;
	v28 =	vand.u32 $0xFF, v28  }
0x85: {  	v29 =	vsel vm15, v30, v29;
	v28 =	vsel vm7, v28, v5;
	v5 =	vimm.s32 $0x43220164  }
0x86: {  	v30 =	vimm.s32 $0x1CF;
	v27 =	vand.u32 $0xFF, v27;
	v5 =	vunpack.c.0.s8.s32 v5  }
0x87: {  	v27 =	vsel vm7, v27, v29;
	v29 =	vsel vm1, $0x3E0, v30;
	v30 =	vimm.s32 $0xC7A685E8  }
0x88: {  	v9 =	vsel vm6, $0x38A, v9;
	v12 =	vsel vm6, $0x39A, v12;
	v30 =	vunpack.c.0.s8.s32 v30  }
0x89: {  	vm1 =	vcmask $0x1304;
	v28 =	vsel vm6, $0x10A, v28;
	v5 =	vand.u32 $0xFF, v5  }
0x8a: {  	v5 =	vsel vm1, v5, v29;
	v29 =	vand.u32 $0xFF, v30;
	v30 =	vand.u32 $0xFF, v31  }
0x8b: {  	v27 =	vsel vm6, $0x11A, v27;
	v31 =	vimm.s32 $0x1C1B1A19;
	v30 =	vsel vm1, v30, v32  }
0x8c: {  	v29 =	vsel vm12, v29, v5;
	v5 =	vand.u32 $0xFF, v33;
	v56 =	vunpack.c.0.s8.s32 v31  }
0x8d: {  	v31 =	vimm.s32 $0x1F1E1D;
	vm1 =	vcmask $0x2F2C;
	v32 =	vunpack.c.0.s8.s32 v57  }
0x8e: {  	v30 =	vsel vm12, v5, v30;
	v34 =	vunpack.c.0.s8.s32 v31;
	v31 =	vimm.s32 $0x14131211  }
0x8f: {  	v29 =	vsel vm2, $0x109, v29;
	v2 =	vsel vm1, $0x38B, v2;
	v3 =	vsel vm1, $0x39B, v3  }
0x90: {  	v9 =	vsel vm1, $0x3AB, v9;
	v12 =	vsel vm1, $0x3BB, v12;
	v26 =	vsel vm1, $0x10B, v26  }
0x91: {  	v13 =	vsel vm1, $0x11B, v13;
	v28 =	vsel vm1, $0x12B, v28;
	v27 =	vsel vm1, $0x13B, v27  }
0x92: {  	v31 =	vunpack.c.0.s8.s32 v31;
	v30 =	vsel vm2, $0x119, v30;
	vm2 =	vcmask $0x3330  }
0x93: {  	v29 =	vsel vm6, $0x12A, v29;
	v30 =	vsel vm6, $0x13A, v30;
	v2 =	vsel vm2, $0x3AC, v2  }
0x94: {  	v29 =	vsel vm1, $0x14B, v29;
	v37 =	vsel vm0, v34, v56;
	v3 =	vsel vm2, $0x3BC, v3  }
0x95: {  	v9 =	vsel vm2, $0x3CC, v9;
	v12 =	vsel vm2, $0x3DC, v12;
	v59 =	vsel vm2, $0x10C, v24  }
0x96: {  	v60 =	vsel vm2, $0x11C, v20;
	v26 =	vsel vm2, $0x12C, v26;
	v35 =	vsel vm2, $0x13C, v13  }
0x97: {  	v28 =	vsel vm2, $0x14C, v28;
	v27 =	vsel vm2, $0x15C, v27;
	v13 =	vimm.s32 $0x1001F1E  }
0x98: {  	v20 =	vimm.s32 $0x15141312;
	v24 =	vimm.s32 $0x19181716;
	v30 =	vsel vm1, $0x15B, v30  }
0x99: {  	vm1 =	vcmask $0x3734;
	v31 =	vsel vm0, v32, v31;
	v36 =	vsel vm2, $0x16C, v29  }
0x9a: {  	v29 =	vunpack.c.0.s8.s32 v58;
	v61 =	vunpack.c.0.s8.s32 v13;
	v20 =	vunpack.c.0.s8.s32 v20  }
0x9b: {  	v24 =	vunpack.c.0.s8.s32 v24;
	v2 =	vsel vm1, $0x3CD, v2;
	v30 =	vsel vm2, $0x17C, v30  }
0x9c: {  	vm2 =	vcmask $0x3B38;
	v3 =	vsel vm1, $0x3DD, v3;
	v13 =	vcombine.low v31, v37  }
0x9d: {  	v9 =	vsel vm1, $0x3ED, v9;
	v12 =	vsel vm1, $0x3FD, v12;
	v2 =	vsel vm2, $0x3EE, v2;
	[tilespmem:$0x1FCB0] =	vst v29  }
0x9e: {  	v29 =	vsel vm0, v61, v29;
	[tilespmem:$0x1FC90] =	vst v2;
	v2 =	vsel vm2, $0x3FE, v3;
	v3 =	vimm.s32 $0x1E1D1C1B  }
0x9f: {  	[tilespmem:$0x1FCA0] =	vst v2;
	v2 =	vsel vm0, v24, v20;
	v31 =	vunpack.c.0.s8.s32 v3;
	v3 =	vimm.s32 $0x201001F  }
0xa0: {  	[tilespmem:$0x1FCD0] =	vst v24;
	v20 =	vimm.s32 $0x16151413;
	v24 =	vimm.s32 $0x1A191817;
	v63 =	vunpack.c.0.s8.s32 v3  }
0xa1: {  	v3 =	vunpack.c.0.s8.s32 v20;
	v20 =	vcombine.low v2, v29;
	v2 =	vsel vm2, $0xE, v9  }
0xa2: {  	v24 =	vunpack.c.0.s8.s32 v24;
	[tilespmem:$0x1FCF0] =	vst v2;
	v2 =	vsel vm2, $0x1E, v12  }
0xa3: {  	[tilespmem:$0x1FD00] =	vst v2  }
0xa4: {  	v1 =	vcombine.low v6, v1;
	v9 =	vsel vm0, v63, v31;
	[tilespmem:$0x1FD30] =	vst v24;
	v2 =	vsel vm0, v24, v3  }
0xa5: {  	v6 =	vimm.s32 $0x7F5E3D1C;
	[tilespmem:$0x1FD40] =	vst v9;
	v24 =	vcombine.low v2, v9;
	v9 =	vimm.s32 $0x1B1A1918  }
0xa6: {  	v0 =	vcombine.low v8, v0;
	[tilespmem:$0x1FCE0] =	vst v29;
	v29 =	vunpack.c.0.s8.s32 v9;
	v9 =	vimm.s32 $0x6F4E2D0C  }
0xa7: {  	[tilespmem:$0x1FD50] =	vst v1;
	v3 =	vimm.s32 $0x1F1E1D1C;
	v2 =	vimm.s32 $0x3020100;
	v1 =	vunpack.c.0.s8.s32 v9  }
0xa8: {  	v6 =	vunpack.c.0.s8.s32 v6;
	v12 =	vunpack.c.0.s8.s32 v3;
	v2 =	vunpack.c.0.s8.s32 v2  }
0xa9: {  	[tilespmem:$0x1FD80] =	vst v0;
	v0 =	vsel vm0, v1, v23  }
0xaa: {  	[tilespmem:$0x1FD60] =	vst v12;
	v2 =	vsel vm0, v2, v12;
	v12 =	vcombine.low v11, v0;
	v0 =	vsel vm0, v6, v25  }
0xab: {  	v0 =	vcombine.low v10, v0  }
0xac: {  	v1 =	vimm.s32 $0x4030201  }
0xad: {  	[tilespmem:$0x1FD90] =	vst v0;
	v0 =	vunpack.c.0.s8.s32 v1;
	_ =	sdelay $0x1  }
0xae: {  	[tilespmem:$0x1FDA0] =	vst v0;
	v0 =	vimm.s32 $0x5040302  }
0xaf: {  	v0 =	vunpack.c.0.s8.s32 v0;
	_ =	sdelay $0x1  }
0xb0: {  	v3 =	vimm.s32 $0x17161514;
	[tilespmem:$0x1FDB0] =	vst v0;
	v0 =	vsel vm2, $0x8E, v16  }
0xb1: {  	v3 =	vunpack.c.0.s8.s32 v3;
	[tilespmem:$0x1FDC0] =	vst v0;
	v0 =	vsel vm2, $0x9E, v17  }
0xb2: {  	[tilespmem:$0x1FDD0] =	vst v0;
	v0 =	vimm.s32 $0x6050403  }
0xb3: {  	v62 =	vlaneseq.u32;
	v3 =	vsel vm0, v29, v3;
	v0 =	vunpack.c.0.s8.s32 v0  }
0xb4: {  	[tilespmem:$0x1FD70] =	vst v29;
	v29 =	vcombine.low v3, v2;
	v3 =	vimm.s32 $0x76543210;
	v1 =	vsel vm1, $0x8D, v21  }
0xb5: {  	v2 =	vsel vm1, $0x9D, v22;
	v3 =	vunpack.c.l.s4.s8 v3;
	[tilespmem:$0x1FDE0] =	vst v0;
	v0 =	vsel vm2, $0xAE, v1  }
0xb6: {  	v8 =	vimm.s32 $0xEFCEAD8C;
	v6 =	vimm.s32 $0x6B4A2908;
	[tilespmem:$0x1FDF0] =	vst v0;
	v0 =	vsel vm2, $0xBE, v2  }
0xb7: {  	v8 =	vunpack.c.0.s8.s32 v8;
	v6 =	vunpack.c.0.s8.s32 v6;
	[tilespmem:$0x1FE00] =	vst v0;
	v0 =	vunpack.c.0.s8.s32 v3  }
0xb8: {  	v39 =	vadd.s32 $0x4, v62  }
0xb9: {  	v1 =	vand.u32 $0xFF, v8;
	v2 =	vimm.s32 $0xFFDEBD9C;
	[tilespmem:$0x1FE10] =	vst v0;
	v0 =	vand.u32 $0xFF, v6  }
0xba: {  	v2 =	vunpack.c.0.s8.s32 v2;
	v0 =	vsel vm0, v1, v0;
	v1 =	vimm.s32 $0x7B5A3918  }
0xbb: {  	v46 =	vadd.s32 $0x5, v62;
	v1 =	vunpack.c.0.s8.s32 v1;
	v0 =	vcombine.low v7, v0  }
0xbc: {  	v41 =	vadd.s32 $0xE, v62;
	[tilespmem:$0x1FC50] =	vst v56;
	v3 =	vimm.s32 $0x87654321;
	v2 =	vand.u32 $0xFF, v2  }
0xbd: {  	[tilespmem:$0x1FE20] =	vst v0;
	v0 =	vunpack.c.l.s4.s8 v3;
	v3 =	vimm.s32 $0x98765432;
	v1 =	vand.u32 $0xFF, v1  }
0xbe: {  	v4 =	vsel vm9, $0x3F7, v4;
	[tilespmem:$0x1FC70] =	vst v32;
	v3 =	vunpack.c.l.s4.s8 v3;
	v1 =	vsel vm0, v2, v1  }
0xbf: {  	v47 =	vadd.s32 $0xF, v62;
	[tilespmem:$0x1FC60] =	vst v34;
	v0 =	vunpack.c.0.s8.s32 v0;
	v1 =	vcombine.low v4, v1  }
0xc0: {  	v5 =	vmul.u32 $0x640, v62;
	[tilespmem:$0x1FC80] =	vst v37;
	v58 =	vmul.u32 $0x21, v62;
	v3 =	vunpack.c.0.s8.s32 v3  }
0xc1: {  	v32 =	vadd.s32 $0x3, v62;
	v2 =	vimm.s32 $0xA9876543;
	[tilespmem:$0x1FE30] =	vst v1;
	v0 =	vand.u32 $0xF, v0  }
0xc2: {  	v6 =	vimm.s32 $0x32107654;
	v2 =	vunpack.c.l.s4.s8 v2;
	[tilespmem:$0x1FE40] =	vst v0;
	v1 =	vand.u32 $0xF, v3  }
0xc3: {  	v37 =	vadd.s32 $0xD, v62;
	v0 =	vunpack.c.l.s4.s8 v6;
	[tilespmem:$0x1FE50] =	vst v1;
	v1 =	vsel vm2, $0x10E, v14  }
0xc4: {  	v33 =	vadd.s32 $0x60, v58;
	v42 =	vadd.s32 $0x80, v58;
	[tilespmem:$0x1FE60] =	vst v1;
	v1 =	vunpack.c.0.s8.s32 v2  }
0xc5: {  	[tilespmem:$0x1FCC0] =	vst v61;
	v43 =	vadd.s32 $0x90, v58;
	v2 =	vsel vm2, $0x11E, v15;
	v0 =	vunpack.c.0.s8.s32 v0  }
0xc6: {  	v49 =	vadd.s32 $0xA0, v58;
	v61 =	vadd.s32 $0x6, v62;
	[tilespmem:$0x1FE70] =	vst v2;
	v1 =	vand.u32 $0xF, v1  }
0xc7: {  	v34 =	vadd.s32 $0x180, v58;
	v2 =	vsel vm1, $0x10D, v19;
	v0 =	vand.u32 $0xF, v0;
	[tilespmem:$0x1FE80] =	vst v1  }
0xc8: {  	v38 =	vadd.s32 $0x1A0, v58;
	v1 =	vsel vm2, $0x12E, v2;
	[tilespmem:$0x1FEB0] =	vst v0;
	v0 =	vsel vm1, $0x12D, v59  }
0xc9: {  	v9 =	vimm.s32 $0x43218765;
	v2 =	vsel vm1, $0x14D, v26;
	[tilespmem:$0x1FE90] =	vst v1;
	v0 =	vsel vm2, $0x14E, v0  }
0xca: {  	v11 =	vimm.s32 $0x54329876;
	v1 =	vsel vm1, $0x11D, v18;
	v2 =	vsel vm2, $0x16E, v2;
	[tilespmem:$0x1FEC0] =	vst v0  }
0xcb: {  	v3 =	vsel vm1, $0x15D, v35;
	v1 =	vsel vm2, $0x13E, v1;
	v0 =	vunpack.c.l.s4.s8 v11;
	[tilespmem:$0x1FEE0] =	vst v2  }
0xcc: {  	v9 =	vunpack.c.l.s4.s8 v9;
	v2 =	vsel vm2, $0x17E, v3;
	[tilespmem:$0x1FEA0] =	vst v1;
	v1 =	vsel vm1, $0x13D, v60  }
0xcd: {  	v6 =	vsel vm1, $0x17D, v27;
	[tilespmem:$0x1FEF0] =	vst v2;
	v1 =	vsel vm2, $0x15E, v1;
	v0 =	vunpack.c.0.s8.s32 v0  }
0xce: {  	v40 =	vadd.s32 $0x1B0, v58;
	v2 =	vsel vm2, $0x19E, v6;
	[tilespmem:$0x1FED0] =	vst v1;
	v1 =	vunpack.c.0.s8.s32 v9  }
0xcf: {  	v44 =	vadd.s32 $0x1C0, v58;
	v45 =	vadd.s32 $0x1D0, v58;
	[tilespmem:$0x1FF00] =	vst v2;
	v0 =	vand.u32 $0xF, v0  }
0xd0: {  	v48 =	vadd.s32 $0x1E0, v58;
	v9 =	vimm.s32 $0xC0B0A09;
	v1 =	vand.u32 $0xF, v1;
	[tilespmem:$0x1FF30] =	vst v0  }
0xd1: {  	v2 =	vimm.s32 $0x6543A987;
	v0 =	vimm.s32 $0xD0C0B0A;
	[tilespmem:$0x1FF10] =	vst v1;
	v1 =	vunpack.c.0.s8.s32 v9  }
0xd2: {  	[tilespmem:$0x1FD10] =	vst v31;
	v31 =	vadd.s32 $0xC, v62;
	v2 =	vunpack.c.l.s4.s8 v2;
	v0 =	vunpack.c.0.s8.s32 v0  }
0xd3: {  	v22 =	vadd.s32 $0x150, v58;
	v25 =	vadd.s32 $0xF0, v58;
	v10 =	vimm.s32 $0xB0A0908;
	[tilespmem:$0x1FF20] =	vst v1  }
0xd4: {  	v8 =	vsel vm1, $0x19D, v30;
	v1 =	vunpack.c.0.s8.s32 v2;
	[tilespmem:$0x1FF40] =	vst v0;
	v0 =	vimm.s32 $0xE0D0C0B  }
0xd5: {  	[tilespmem:$0x1FD20] =	vst v63;
	v10 =	vunpack.c.0.s8.s32 v10;
	v23 =	vunpack.c.0.s8.s32 v0;
	v0 =	vadd.s32 $0x10, v58  }
0xd6: {  	s3 =	rddreg [dreg:$0x0];
	v21 =	vadd.s32 $0x140, v58;
	v30 =	vadd.s32 $0x170, v58;
	v1 =	vand.u32 $0xF, v1;
	[tilespmem:$0x1FF60] =	vst v0  }
0xd7: {  	s7 =	rddreg [dreg:$0x1];
	v50 =	vsel vm2, $0x1BE, v8;
	v8 =	vmovc v12;
	v12 =	vadd.s32 $0x1, v62;
	v0 =	vadd.s32 $0x20, v58;
	[tilespmem:$0x1FF50] =	vst v1  }
0xd8: {  	s0 =	rddreg [dreg:$0x2];
	s1 =	simm.s32 $0x0;
	v7 =	vsel vm1, $0x18D, v36;
	v36 =	vadd.s32 $0x70, v58;
	[tilespmem:$0x1FF70] =	vst v0;
	v0 =	vadd.s32 $0x30, v58  }
0xd9: {  	s2 =	srdreg.scid;
	s10 =	simm.s32 $0x1;
	s11 =	simm.s32 $0xCE40;
	v16 =	vsel vm2, $0x1AE, v7;
	v4 =	vsel vm1, $0x16D, v28;
	[tilespmem:$0x1FF80] =	vst v0;
	v0 =	vadd.s32 $0x40, v58  }
0xda: {  	s12 =	simm.s32 $0x20;
	s13 =	simm.s32 $0x80;
	[smem:$0x7FF] =	sst s1;
	v7 =	vadd.s32 $0xD0, v58;
	v28 =	vadd.s32 $0x160, v58;
	v63 =	vsel vm2, $0x18E, v4;
	[tilespmem:$0x1FF90] =	vst v0  }
0xdb: {  	s14 =	simm.s32 $0x2;
	s5 =	sand.u32 $0x1, s2;
	v4 =	vadd.s32 $0x120, v58;
	v27 =	vadd.s32 $0xB, v62;
	v35 =	vadd.s32 $0x190, v58;
	_ =	strace $0x80000047;
	[tilespmem:$0x1FFA0] =	vst v51  }
0xdc: {  	s2 =	sadd.s32 $0x600, s3;
	s4 =	sadd.s32 $0xF42C00, s3;
	s3 =	stileid.u32;
	v14 =	vadd.s32 $0x130, v58;
	v15 =	vadd.s32 $0xA, v62;
	v19 =	vadd.s32 $0x2, v62;
	[tilespmem:$0x1FFB0] =	vst v8  }
0xdd: {  	s15 =	simm.s32 $0x0;
	s6 =	ssub.s32 $0x2, s5;
	s31 =	sshll.u32 s3, $0xA;
	v26 =	vadd.s32 $0x50, v58;
	v59 =	vadd.s32 $0xB0, v58;
	v18 =	vadd.s32 $0xE0, v58;
	[tilespmem:$0x1FFC0] =	vst v10  }
0xde: {  	s9 =	sshll.u32 s5, $0x9;
	s8 =	sshrl.u32 s6, $0x1;
	s7 =	sadd.s32 s31, s7;
	v11 =	vadd.s32 $0x7, v62;
	v3 =	vadd.s32 $0x9, v62;
	vm1 =	vcmask $0x2F10;
	[tilespmem:$0x1FFD0] =	vst v63  }
0xdf: {  	s5 =	sor.u32 s9, s31;
	s6 =	ssub.s32 s6, s8;
	s7 =	sadd.s32 s9, s7;
	v6 =	vadd.s32 $0xC0, v58;
	vm2 =	vcmask $0x3F30;
	v9 =	vadd.s32 $0x6400, v5;
	[tilespmem:$0x1FFE0] =	vst v16  }
0xe0: {  	s8 =	simm.s32 $0x3;
	s9 =	simm.s32 $0x640;
	s6 =	smax.u32 s6, $0x1;
	v2 =	vadd.s32 $0x110, v58;
	v1 =	vadd.s32 $0x100, v58;
	v0 =	vadd.s32 $0x8, v62;
	[tilespmem:$0x1FFF0] =	vst v50  }
.LBB2_1:
0xe1: {  	s16 =	simm.s32 $0x0;
	s17 =	simm.s32 $0x0;
	s18 =	simm.s32 $0x0  }
.LBB2_2:
0xe2: {  	s19 =	sshll.u32 s18, $0x5  }
0xe3: {  	s19 =	sadd.s32 s5, s19  }
0xe4: {  	s19 =	smul.u32 $0x32, s19;
	_ =	sdelay $0x1  }
0xe5: {  	s19 =	sshrl.u32 s19, $0x3  }
0xe6: {  	s19 =	sadd.s32 s2, s19  }
0xe7: {  	[tilespmem:s1], [sflag:$0x3] =	stream.linear.gather [hbm4b:s19+s1], $0x640, $0x38;
	[tilespmem:$0x19640] =	vst v63  }
0xe8: {  	_ =	swait.ge [sflag:s8], $0x640  }
0xe9: {  	s29 =	simm.s32 $0x0;
	[sflag:s8] =	ssyncset.done $0x0  }
0xea: {  	v50 =	vmov s29;
	[sflag:s8] =	ssyncadd.s32 $0xFFFFF9C0  }
0xeb: {  	v51 =	vshll.u32 v50, $0x5;
	[tilespmem:s9], [sflag:$0x1] =	stream.indirect.gather [hbm4b:s4+s9], $0x20, s1, s9, $0xb8;
	[tilespmem:$0x19640] =	vst v63  }
0xec: {  	v17 =	vadd.s32 v5, v51;
	_ =	swait.ge [sflag:s10], $0xC800  }
0xed: {  	p0 =	seq.s32 s18, $0x0;
	v52 =	vor.u32 v62, v17;
	[sflag:s10] =	ssyncset.done $0x0;
	[tilespmem:$0x1FC00] =	vst v17;
	v17 =	vadd.s32 v9, v51  }
0xee: {  	s19 =	simm.s32 @!p0 $0x2;
	[sflag:s10] =	ssyncadd.s32 $0xFFFF3800;
	[tilespmem:$0x1FC10] =	vst v17  }
0xef: {  	v53 =	vor.u32 v62, v17;
	_ =	swait.ge @!p0 [sflag:s19], $0xC800  }
0xf0: {  	v60 =	vld [tilespmem:$0x1FF60]  }
0xf1: {  	s21 =	sand.u32 $0xFFFFFF80, s17;
	[sflag:s19] =	ssyncset.done @!p0 $0x0  }
0xf2: {  	s22 =	sand.u32 $0x3, s16;
	s20 =	simm.s32 $0x1;
	[sflag:s19] =	ssyncadd.s32 @!p0 $0xFFFF3800  }
0xf3: {  	s30 =	sadd.s32 s21, s7;
	s31 =	sshll.u32 s22, $0x2;
	v56 =	vshll.u32 v50, $0xA;
	v51 =	vmov s20;
	v52 =	vld.idx.msk [tilespmem:v52+s9+$0x0], $0xffff  }
0xf4: {  	s21 =	simm.s32 $0x2;
	v54 =	vor.u32 v58, v56;
	v55 =	vshll.u32 v51, $0x5;
	s19 =	sadd.s32 s31, s30;
	v53 =	vld.idx.msk [tilespmem:v53+s9+$0x0], $0xffff  }
.LBB2_3:
0xf5: {  	p0 =	sne.s32 s21, $0x31;
	v57 =	vadd.s32 v5, v55;
	v56 =	vor.u32 v60, v56  }
0xf6: {  	v55 =	vadd.s32 v9, v55;
	v57 =	vor.u32 v62, v57  }
0xf7: {  	v17 =	vmov v58;
	v58 =	vor.u32 v62, v55  }
.Ltmp0:
0xf8: {  	(pc) =	sbr.rel @p0 .LBB2_3-.Ltmp0, $4  }
0xf9: {  	[tilespmem:v54+s11+$0x0] =	vst.idx.msk $0xffff, v52  }
0xfa: {  	[tilespmem:v56+s11+$0x0] =	vst.idx.msk $0xffff, v53  }
0xfb: {  	v56 =	vshll.u32 v51, $0xA;
	v51 =	vmov s21;
	v52 =	vld.idx.msk [tilespmem:v57+s9+$0x0], $0xffff  }
0xfc: {  	s21 =	sadd.s32 $0x1, s21;
	v55 =	vshll.u32 v51, $0x5;
	v54 =	vor.u32 v17, v56;
	v53 =	vld.idx.msk [tilespmem:v58+s9+$0x0], $0xffff;
	v58 =	vmov v17  }
0xfd: {  	v56 =	vor.u32 v60, v56;
	_ =	sdelay $0x1  }
0xfe: {  	v57 =	vadd.s32 v5, v55  }
0xff: {  	v63 =	vadd.s32 v9, v55;
	v57 =	vor.u32 v62, v57  }
0x100: {  	v51 =	vshll.u32 v51, $0xA;
	v55 =	vor.u32 v62, v63;
	[tilespmem:v54+s11+$0x0] =	vst.idx.msk $0xffff, v52  }
0x101: {  	[tilespmem:v56+s11+$0x0] =	vst.idx.msk $0xffff, v53;
	v53 =	vor.u32 v58, v51;
	v51 =	vor.u32 v60, v51;
	v60 =	vld [tilespmem:$0x1FC00]  }
0x102: {  	v63 =	vld [tilespmem:$0x1FC10];
	_ =	sdelay $0x1  }
0x103: {  	v52 =	vld.idx.msk [tilespmem:v57+s9+$0x0], $0xffff  }
0x104: {  	v54 =	vld.idx.msk [tilespmem:v55+s9+$0x0], $0xffff  }
0x105: {  	v55 =	vor.u32 v12, v60  }
0x106: {  	v58 =	vld [tilespmem:$0x1FF70];
	v56 =	vor.u32 v12, v63  }
0x107: {  	v60 =	vld [tilespmem:$0x1FF80]  }
0x108: {  	[tilespmem:v53+s11+$0x0] =	vst.idx.msk $0xffff, v52  }
0x109: {  	[tilespmem:v51+s11+$0x0] =	vst.idx.msk $0xffff, v54  }
0x10a: {  	v51 =	vmov s20;
	v52 =	vld.idx.msk [tilespmem:v55+s9+$0x0], $0xffff;
	v55 =	vshll.u32 v50, $0xA  }
0x10b: {  	s20 =	simm.s32 $0x2;
	v54 =	vshll.u32 v51, $0x5;
	v50 =	vld.idx.msk [tilespmem:v56+s9+$0x0], $0xffff;
	v53 =	vor.u32 v58, v55  }
.LBB2_5:
0x10c: {  	p0 =	sne.s32 s20, $0x31;
	v56 =	vadd.s32 v5, v54;
	v55 =	vor.u32 v60, v55  }
0x10d: {  	v54 =	vadd.s32 v9, v54;
	v56 =	vor.u32 v12, v56  }
0x10e: {  	v57 =	vor.u32 v12, v54  }
.Ltmp1:
0x10f: {  	(pc) =	sbr.rel @p0 .LBB2_5-.Ltmp1, $4  }
0x110: {  	[tilespmem:v53+s11+$0x0] =	vst.idx.msk $0xffff, v52  }
0x111: {  	[tilespmem:v55+s11+$0x0] =	vst.idx.msk $0xffff, v50  }
0x112: {  	v55 =	vshll.u32 v51, $0xA;
	v51 =	vmov s20;
	v52 =	vld.idx.msk [tilespmem:v56+s9+$0x0], $0xffff  }
0x113: {  	s20 =	sadd.s32 $0x1, s20;
	v54 =	vshll.u32 v51, $0x5;
	v53 =	vor.u32 v58, v55;
	v50 =	vld.idx.msk [tilespmem:v57+s9+$0x0], $0xffff  }
0x114: {  	v56 =	vadd.s32 v5, v54;
	v55 =	vor.u32 v60, v55  }
0x115: {  	v57 =	vadd.s32 v9, v54;
	v56 =	vor.u32 v12, v56  }
0x116: {  	v54 =	vor.u32 v12, v57;
	_ =	sdelay $0x1  }
0x117: {  	s20 =	simm.s32 $0x0;
	[tilespmem:v53+s11+$0x0] =	vst.idx.msk $0xffff, v52  }
0x118: {  	v51 =	vshll.u32 v51, $0xA;
	[tilespmem:v55+s11+$0x0] =	vst.idx.msk $0xffff, v50;
	v50 =	vmov s20  }
0x119: {  	v53 =	vor.u32 v58, v51;
	v52 =	vld.idx.msk [tilespmem:v56+s9+$0x0], $0xffff;
	v55 =	vshll.u32 v50, $0x5  }
0x11a: {  	v51 =	vor.u32 v60, v51;
	v54 =	vld.idx.msk [tilespmem:v54+s9+$0x0], $0xffff;
	v63 =	vadd.s32 v5, v55  }
0x11b: {  	v55 =	vadd.s32 v9, v55;
	v56 =	vor.u32 v19, v63  }
0x11c: {  	v60 =	vld [tilespmem:$0x1FF90];
	v57 =	vor.u32 v19, v55;
	_ =	sdelay $0x1  }
0x11d: {  	[tilespmem:v53+s11+$0x0] =	vst.idx.msk $0xffff, v52  }
0x11e: {  	s20 =	simm.s32 $0x1;
	[tilespmem:v51+s11+$0x0] =	vst.idx.msk $0xffff, v54  }
0x11f: {  	[tilespmem:$0x1FBE0] =	vst v63;
	v51 =	vmov s20;
	v52 =	vld.idx.msk [tilespmem:v56+s9+$0x0], $0xffff;
	v56 =	vshll.u32 v50, $0xA  }
0x120: {  	s21 =	simm.s32 $0x2;
	[tilespmem:$0x1FBF0] =	vst v55;
	v55 =	vshll.u32 v51, $0x5;
	v53 =	vld.idx.msk [tilespmem:v57+s9+$0x0], $0xffff;
	v54 =	vor.u32 v60, v56  }
.LBB2_7:
0x121: {  	p0 =	sne.s32 s21, $0x31;
	v57 =	vadd.s32 v5, v55;
	v56 =	vor.u32 v26, v56  }
0x122: {  	v55 =	vadd.s32 v9, v55;
	v57 =	vor.u32 v19, v57  }
0x123: {  	v58 =	vor.u32 v19, v55  }
.Ltmp2:
0x124: {  	(pc) =	sbr.rel @p0 .LBB2_7-.Ltmp2, $4  }
0x125: {  	[tilespmem:v54+s11+$0x0] =	vst.idx.msk $0xffff, v52  }
0x126: {  	[tilespmem:v56+s11+$0x0] =	vst.idx.msk $0xffff, v53  }
0x127: {  	v56 =	vshll.u32 v51, $0xA;
	v51 =	vmov s21;
	v52 =	vld.idx.msk [tilespmem:v57+s9+$0x0], $0xffff  }
0x128: {  	s21 =	sadd.s32 $0x1, s21;
	v55 =	vshll.u32 v51, $0x5;
	v54 =	vor.u32 v60, v56;
	v53 =	vld.idx.msk [tilespmem:v58+s9+$0x0], $0xffff  }
0x129: {  	v56 =	vor.u32 v26, v56;
	_ =	sdelay $0x1  }
0x12a: {  	v57 =	vadd.s32 v5, v55  }
0x12b: {  	v58 =	vadd.s32 v9, v55;
	v57 =	vor.u32 v19, v57  }
0x12c: {  	v51 =	vshll.u32 v51, $0xA;
	v55 =	vor.u32 v19, v58;
	[tilespmem:v54+s11+$0x0] =	vst.idx.msk $0xffff, v52  }
0x12d: {  	[tilespmem:v56+s11+$0x0] =	vst.idx.msk $0xffff, v53;
	v53 =	vor.u32 v60, v51;
	v60 =	vld [tilespmem:$0x1FBE0]  }
0x12e: {  	v63 =	vld [tilespmem:$0x1FBF0];
	_ =	sdelay $0x1  }
0x12f: {  	v52 =	vld.idx.msk [tilespmem:v57+s9+$0x0], $0xffff  }
0x130: {  	v51 =	vor.u32 v26, v51;
	v54 =	vld.idx.msk [tilespmem:v55+s9+$0x0], $0xffff  }
0x131: {  	v55 =	vor.u32 v32, v60  }
0x132: {  	v56 =	vor.u32 v32, v63;
	_ =	sdelay $0x1  }
0x133: {  	[tilespmem:v53+s11+$0x0] =	vst.idx.msk $0xffff, v52  }
0x134: {  	[tilespmem:v51+s11+$0x0] =	vst.idx.msk $0xffff, v54  }
0x135: {  	v51 =	vmov s20;
	v52 =	vld.idx.msk [tilespmem:v55+s9+$0x0], $0xffff;
	v55 =	vshll.u32 v50, $0xA  }
0x136: {  	s20 =	simm.s32 $0x2;
	v54 =	vshll.u32 v51, $0x5;
	v50 =	vld.idx.msk [tilespmem:v56+s9+$0x0], $0xffff;
	v53 =	vor.u32 v33, v55  }
.LBB2_9:
0x137: {  	p0 =	sne.s32 s20, $0x31;
	v56 =	vadd.s32 v5, v54;
	v55 =	vor.u32 v36, v55  }
0x138: {  	v54 =	vadd.s32 v9, v54;
	v56 =	vor.u32 v32, v56  }
0x139: {  	v57 =	vor.u32 v32, v54  }
.Ltmp3:
0x13a: {  	(pc) =	sbr.rel @p0 .LBB2_9-.Ltmp3, $4  }
0x13b: {  	[tilespmem:v53+s11+$0x0] =	vst.idx.msk $0xffff, v52  }
0x13c: {  	[tilespmem:v55+s11+$0x0] =	vst.idx.msk $0xffff, v50  }
0x13d: {  	v55 =	vshll.u32 v51, $0xA;
	v51 =	vmov s20;
	v52 =	vld.idx.msk [tilespmem:v56+s9+$0x0], $0xffff  }
0x13e: {  	s20 =	sadd.s32 $0x1, s20;
	v54 =	vshll.u32 v51, $0x5;
	v53 =	vor.u32 v33, v55;
	v50 =	vld.idx.msk [tilespmem:v57+s9+$0x0], $0xffff  }
0x13f: {  	v56 =	vadd.s32 v5, v54;
	v55 =	vor.u32 v36, v55  }
0x140: {  	v60 =	vadd.s32 v9, v54;
	v56 =	vor.u32 v32, v56  }
0x141: {  	v54 =	vor.u32 v32, v60;
	_ =	sdelay $0x1  }
0x142: {  	s20 =	simm.s32 $0x0;
	[tilespmem:v53+s11+$0x0] =	vst.idx.msk $0xffff, v52  }
0x143: {  	v51 =	vshll.u32 v51, $0xA;
	[tilespmem:v55+s11+$0x0] =	vst.idx.msk $0xffff, v50;
	v50 =	vmov s20  }
0x144: {  	v53 =	vor.u32 v33, v51;
	v52 =	vld.idx.msk [tilespmem:v56+s9+$0x0], $0xffff;
	v55 =	vshll.u32 v50, $0x5  }
0x145: {  	v51 =	vor.u32 v36, v51;
	v54 =	vld.idx.msk [tilespmem:v54+s9+$0x0], $0xffff;
	v60 =	vadd.s32 v5, v55  }
0x146: {  	v55 =	vadd.s32 v9, v55;
	v63 =	vor.u32 v39, v60  }
0x147: {  	v57 =	vor.u32 v39, v55;
	_ =	sdelay $0x1  }
0x148: {  	[tilespmem:v53+s11+$0x0] =	vst.idx.msk $0xffff, v52  }
0x149: {  	s20 =	simm.s32 $0x1;
	[tilespmem:v51+s11+$0x0] =	vst.idx.msk $0xffff, v54  }
0x14a: {  	v56 =	vshll.u32 v50, $0xA;
	v51 =	vmov s20;
	v52 =	vld.idx.msk [tilespmem:v63+s9+$0x0], $0xffff  }
0x14b: {  	s21 =	simm.s32 $0x2;
	[tilespmem:$0x1FBD0] =	vst v55;
	v54 =	vor.u32 v42, v56;
	v55 =	vshll.u32 v51, $0x5;
	v53 =	vld.idx.msk [tilespmem:v57+s9+$0x0], $0xffff  }
.LBB2_11:
0x14c: {  	p0 =	sne.s32 s21, $0x31;
	v57 =	vadd.s32 v5, v55;
	v56 =	vor.u32 v43, v56  }
0x14d: {  	v55 =	vadd.s32 v9, v55;
	v57 =	vor.u32 v39, v57  }
0x14e: {  	v58 =	vor.u32 v39, v55  }
.Ltmp4:
0x14f: {  	(pc) =	sbr.rel @p0 .LBB2_11-.Ltmp4, $4  }
0x150: {  	[tilespmem:v54+s11+$0x0] =	vst.idx.msk $0xffff, v52  }
0x151: {  	[tilespmem:v56+s11+$0x0] =	vst.idx.msk $0xffff, v53  }
0x152: {  	v56 =	vshll.u32 v51, $0xA;
	v51 =	vmov s21;
	v52 =	vld.idx.msk [tilespmem:v57+s9+$0x0], $0xffff  }
0x153: {  	s21 =	sadd.s32 $0x1, s21;
	v55 =	vshll.u32 v51, $0x5;
	v54 =	vor.u32 v42, v56;
	v53 =	vld.idx.msk [tilespmem:v58+s9+$0x0], $0xffff  }
0x154: {  	v57 =	vadd.s32 v5, v55;
	v56 =	vor.u32 v43, v56  }
0x155: {  	v58 =	vadd.s32 v9, v55;
	v57 =	vor.u32 v39, v57  }
0x156: {  	v55 =	vor.u32 v39, v58;
	_ =	sdelay $0x1  }
0x157: {  	v63 =	vld [tilespmem:$0x1FBD0];
	[tilespmem:v54+s11+$0x0] =	vst.idx.msk $0xffff, v52  }
0x158: {  	v51 =	vshll.u32 v51, $0xA;
	[tilespmem:v56+s11+$0x0] =	vst.idx.msk $0xffff, v53  }
0x159: {  	v53 =	vor.u32 v42, v51;
	v52 =	vld.idx.msk [tilespmem:v57+s9+$0x0], $0xffff  }
0x15a: {  	v51 =	vor.u32 v43, v51;
	v54 =	vld.idx.msk [tilespmem:v55+s9+$0x0], $0xffff  }
0x15b: {  	v60 =	vor.u32 v46, v60  }
0x15c: {  	v56 =	vor.u32 v46, v63;
	_ =	sdelay $0x1  }
0x15d: {  	[tilespmem:v53+s11+$0x0] =	vst.idx.msk $0xffff, v52  }
0x15e: {  	[tilespmem:v51+s11+$0x0] =	vst.idx.msk $0xffff, v54  }
0x15f: {  	v55 =	vshll.u32 v50, $0xA;
	v51 =	vmov s20;
	v52 =	vld.idx.msk [tilespmem:v60+s9+$0x0], $0xffff  }
0x160: {  	v53 =	vor.u32 v49, v55;
	s20 =	simm.s32 $0x2;
	v54 =	vshll.u32 v51, $0x5;
	v50 =	vld.idx.msk [tilespmem:v56+s9+$0x0], $0xffff  }
.LBB2_13:
0x161: {  	p0 =	sne.s32 s20, $0x31;
	v56 =	vadd.s32 v5, v54;
	v55 =	vor.u32 v59, v55  }
0x162: {  	v54 =	vadd.s32 v9, v54;
	v56 =	vor.u32 v46, v56  }
0x163: {  	v57 =	vor.u32 v46, v54  }
.Ltmp5:
0x164: {  	(pc) =	sbr.rel @p0 .LBB2_13-.Ltmp5, $4  }
0x165: {  	[tilespmem:v53+s11+$0x0] =	vst.idx.msk $0xffff, v52  }
0x166: {  	[tilespmem:v55+s11+$0x0] =	vst.idx.msk $0xffff, v50  }
0x167: {  	v55 =	vshll.u32 v51, $0xA;
	v51 =	vmov s20;
	v52 =	vld.idx.msk [tilespmem:v56+s9+$0x0], $0xffff  }
0x168: {  	s20 =	sadd.s32 $0x1, s20;
	v54 =	vshll.u32 v51, $0x5;
	v53 =	vor.u32 v49, v55;
	v50 =	vld.idx.msk [tilespmem:v57+s9+$0x0], $0xffff  }
0x169: {  	v56 =	vadd.s32 v5, v54;
	v55 =	vor.u32 v59, v55  }
0x16a: {  	v60 =	vadd.s32 v9, v54;
	v56 =	vor.u32 v46, v56  }
0x16b: {  	v54 =	vor.u32 v46, v60;
	_ =	sdelay $0x1  }
0x16c: {  	s20 =	simm.s32 $0x0;
	[tilespmem:v53+s11+$0x0] =	vst.idx.msk $0xffff, v52  }
0x16d: {  	v51 =	vshll.u32 v51, $0xA;
	[tilespmem:v55+s11+$0x0] =	vst.idx.msk $0xffff, v50;
	v50 =	vmov s20  }
0x16e: {  	v53 =	vor.u32 v49, v51;
	v52 =	vld.idx.msk [tilespmem:v56+s9+$0x0], $0xffff;
	v55 =	vshll.u32 v50, $0x5  }
0x16f: {  	v51 =	vor.u32 v59, v51;
	v54 =	vld.idx.msk [tilespmem:v54+s9+$0x0], $0xffff;
	v60 =	vadd.s32 v5, v55  }
0x170: {  	v55 =	vadd.s32 v9, v55;
	v63 =	vor.u32 v61, v60  }
0x171: {  	v57 =	vor.u32 v61, v55;
	_ =	sdelay $0x1  }
0x172: {  	[tilespmem:v53+s11+$0x0] =	vst.idx.msk $0xffff, v52  }
0x173: {  	s20 =	simm.s32 $0x1;
	[tilespmem:v51+s11+$0x0] =	vst.idx.msk $0xffff, v54  }
0x174: {  	v56 =	vshll.u32 v50, $0xA;
	v51 =	vmov s20;
	v52 =	vld.idx.msk [tilespmem:v63+s9+$0x0], $0xffff  }
0x175: {  	s21 =	simm.s32 $0x2;
	[tilespmem:$0x1FBC0] =	vst v55;
	v54 =	vor.u32 v6, v56;
	v55 =	vshll.u32 v51, $0x5;
	v53 =	vld.idx.msk [tilespmem:v57+s9+$0x0], $0xffff  }
.LBB2_15:
0x176: {  	p0 =	sne.s32 s21, $0x31;
	v57 =	vadd.s32 v5, v55;
	v56 =	vor.u32 v7, v56  }
0x177: {  	v55 =	vadd.s32 v9, v55;
	v57 =	vor.u32 v61, v57  }
0x178: {  	v58 =	vor.u32 v61, v55  }
.Ltmp6:
0x179: {  	(pc) =	sbr.rel @p0 .LBB2_15-.Ltmp6, $4  }
0x17a: {  	[tilespmem:v54+s11+$0x0] =	vst.idx.msk $0xffff, v52  }
0x17b: {  	[tilespmem:v56+s11+$0x0] =	vst.idx.msk $0xffff, v53  }
0x17c: {  	v56 =	vshll.u32 v51, $0xA;
	v51 =	vmov s21;
	v52 =	vld.idx.msk [tilespmem:v57+s9+$0x0], $0xffff  }
0x17d: {  	s21 =	sadd.s32 $0x1, s21;
	v55 =	vshll.u32 v51, $0x5;
	v54 =	vor.u32 v6, v56;
	v53 =	vld.idx.msk [tilespmem:v58+s9+$0x0], $0xffff  }
0x17e: {  	v57 =	vadd.s32 v5, v55;
	v56 =	vor.u32 v7, v56  }
0x17f: {  	v58 =	vadd.s32 v9, v55;
	v57 =	vor.u32 v61, v57  }
0x180: {  	v55 =	vor.u32 v61, v58;
	_ =	sdelay $0x1  }
0x181: {  	v63 =	vld [tilespmem:$0x1FBC0];
	[tilespmem:v54+s11+$0x0] =	vst.idx.msk $0xffff, v52  }
0x182: {  	v51 =	vshll.u32 v51, $0xA;
	[tilespmem:v56+s11+$0x0] =	vst.idx.msk $0xffff, v53  }
0x183: {  	v53 =	vor.u32 v6, v51;
	v52 =	vld.idx.msk [tilespmem:v57+s9+$0x0], $0xffff  }
0x184: {  	v51 =	vor.u32 v7, v51;
	v54 =	vld.idx.msk [tilespmem:v55+s9+$0x0], $0xffff  }
0x185: {  	v60 =	vor.u32 v11, v60  }
0x186: {  	v56 =	vor.u32 v11, v63;
	_ =	sdelay $0x1  }
0x187: {  	[tilespmem:v53+s11+$0x0] =	vst.idx.msk $0xffff, v52  }
0x188: {  	[tilespmem:v51+s11+$0x0] =	vst.idx.msk $0xffff, v54  }
0x189: {  	v55 =	vshll.u32 v50, $0xA;
	v51 =	vmov s20;
	v52 =	vld.idx.msk [tilespmem:v60+s9+$0x0], $0xffff  }
0x18a: {  	v53 =	vor.u32 v18, v55;
	s20 =	simm.s32 $0x2;
	v54 =	vshll.u32 v51, $0x5;
	v50 =	vld.idx.msk [tilespmem:v56+s9+$0x0], $0xffff  }
.LBB2_17:
0x18b: {  	p0 =	sne.s32 s20, $0x31;
	v56 =	vadd.s32 v5, v54;
	v55 =	vor.u32 v25, v55  }
0x18c: {  	v54 =	vadd.s32 v9, v54;
	v56 =	vor.u32 v11, v56  }
0x18d: {  	v57 =	vor.u32 v11, v54  }
.Ltmp7:
0x18e: {  	(pc) =	sbr.rel @p0 .LBB2_17-.Ltmp7, $4  }
0x18f: {  	[tilespmem:v53+s11+$0x0] =	vst.idx.msk $0xffff, v52  }
0x190: {  	[tilespmem:v55+s11+$0x0] =	vst.idx.msk $0xffff, v50  }
0x191: {  	v55 =	vshll.u32 v51, $0xA;
	v51 =	vmov s20;
	v52 =	vld.idx.msk [tilespmem:v56+s9+$0x0], $0xffff  }
0x192: {  	s20 =	sadd.s32 $0x1, s20;
	v54 =	vshll.u32 v51, $0x5;
	v53 =	vor.u32 v18, v55;
	v50 =	vld.idx.msk [tilespmem:v57+s9+$0x0], $0xffff  }
0x193: {  	v56 =	vadd.s32 v5, v54;
	v55 =	vor.u32 v25, v55  }
0x194: {  	v60 =	vadd.s32 v9, v54;
	v56 =	vor.u32 v11, v56  }
0x195: {  	v54 =	vor.u32 v11, v60;
	_ =	sdelay $0x1  }
0x196: {  	s20 =	simm.s32 $0x0;
	[tilespmem:v53+s11+$0x0] =	vst.idx.msk $0xffff, v52  }
0x197: {  	v51 =	vshll.u32 v51, $0xA;
	[tilespmem:v55+s11+$0x0] =	vst.idx.msk $0xffff, v50;
	v50 =	vmov s20  }
0x198: {  	v53 =	vor.u32 v18, v51;
	v52 =	vld.idx.msk [tilespmem:v56+s9+$0x0], $0xffff;
	v55 =	vshll.u32 v50, $0x5  }
0x199: {  	v51 =	vor.u32 v25, v51;
	v54 =	vld.idx.msk [tilespmem:v54+s9+$0x0], $0xffff;
	v60 =	vadd.s32 v5, v55  }
0x19a: {  	v55 =	vadd.s32 v9, v55;
	v63 =	vor.u32 v0, v60  }
0x19b: {  	v57 =	vor.u32 v0, v55;
	_ =	sdelay $0x1  }
0x19c: {  	[tilespmem:v53+s11+$0x0] =	vst.idx.msk $0xffff, v52  }
0x19d: {  	s20 =	simm.s32 $0x1;
	[tilespmem:v51+s11+$0x0] =	vst.idx.msk $0xffff, v54  }
0x19e: {  	v56 =	vshll.u32 v50, $0xA;
	v51 =	vmov s20;
	v52 =	vld.idx.msk [tilespmem:v63+s9+$0x0], $0xffff  }
0x19f: {  	s21 =	simm.s32 $0x2;
	[tilespmem:$0x1FBB0] =	vst v55;
	v54 =	vor.u32 v1, v56;
	v55 =	vshll.u32 v51, $0x5;
	v53 =	vld.idx.msk [tilespmem:v57+s9+$0x0], $0xffff  }
.LBB2_19:
0x1a0: {  	p0 =	sne.s32 s21, $0x31;
	v57 =	vadd.s32 v5, v55;
	v56 =	vor.u32 v2, v56  }
0x1a1: {  	v55 =	vadd.s32 v9, v55;
	v57 =	vor.u32 v0, v57  }
0x1a2: {  	v58 =	vor.u32 v0, v55  }
.Ltmp8:
0x1a3: {  	(pc) =	sbr.rel @p0 .LBB2_19-.Ltmp8, $4  }
0x1a4: {  	[tilespmem:v54+s11+$0x0] =	vst.idx.msk $0xffff, v52  }
0x1a5: {  	[tilespmem:v56+s11+$0x0] =	vst.idx.msk $0xffff, v53  }
0x1a6: {  	v56 =	vshll.u32 v51, $0xA;
	v51 =	vmov s21;
	v52 =	vld.idx.msk [tilespmem:v57+s9+$0x0], $0xffff  }
0x1a7: {  	s21 =	sadd.s32 $0x1, s21;
	v55 =	vshll.u32 v51, $0x5;
	v54 =	vor.u32 v1, v56;
	v53 =	vld.idx.msk [tilespmem:v58+s9+$0x0], $0xffff  }
0x1a8: {  	v57 =	vadd.s32 v5, v55;
	v56 =	vor.u32 v2, v56  }
0x1a9: {  	v58 =	vadd.s32 v9, v55;
	v57 =	vor.u32 v0, v57  }
0x1aa: {  	v55 =	vor.u32 v0, v58;
	_ =	sdelay $0x1  }
0x1ab: {  	v63 =	vld [tilespmem:$0x1FBB0];
	[tilespmem:v54+s11+$0x0] =	vst.idx.msk $0xffff, v52  }
0x1ac: {  	v51 =	vshll.u32 v51, $0xA;
	[tilespmem:v56+s11+$0x0] =	vst.idx.msk $0xffff, v53  }
0x1ad: {  	v53 =	vor.u32 v1, v51;
	v52 =	vld.idx.msk [tilespmem:v57+s9+$0x0], $0xffff  }
0x1ae: {  	v51 =	vor.u32 v2, v51;
	v54 =	vld.idx.msk [tilespmem:v55+s9+$0x0], $0xffff  }
0x1af: {  	v60 =	vor.u32 v3, v60  }
0x1b0: {  	v56 =	vor.u32 v3, v63;
	_ =	sdelay $0x1  }
0x1b1: {  	[tilespmem:v53+s11+$0x0] =	vst.idx.msk $0xffff, v52  }
0x1b2: {  	[tilespmem:v51+s11+$0x0] =	vst.idx.msk $0xffff, v54  }
0x1b3: {  	v55 =	vshll.u32 v50, $0xA;
	v51 =	vmov s20;
	v52 =	vld.idx.msk [tilespmem:v60+s9+$0x0], $0xffff  }
0x1b4: {  	v53 =	vor.u32 v4, v55;
	s20 =	simm.s32 $0x2;
	v54 =	vshll.u32 v51, $0x5;
	v50 =	vld.idx.msk [tilespmem:v56+s9+$0x0], $0xffff  }
.LBB2_21:
0x1b5: {  	p0 =	sne.s32 s20, $0x31;
	v56 =	vadd.s32 v5, v54;
	v55 =	vor.u32 v14, v55  }
0x1b6: {  	v54 =	vadd.s32 v9, v54;
	v56 =	vor.u32 v3, v56  }
0x1b7: {  	v57 =	vor.u32 v3, v54  }
.Ltmp9:
0x1b8: {  	(pc) =	sbr.rel @p0 .LBB2_21-.Ltmp9, $4  }
0x1b9: {  	[tilespmem:v53+s11+$0x0] =	vst.idx.msk $0xffff, v52  }
0x1ba: {  	[tilespmem:v55+s11+$0x0] =	vst.idx.msk $0xffff, v50  }
0x1bb: {  	v55 =	vshll.u32 v51, $0xA;
	v51 =	vmov s20;
	v52 =	vld.idx.msk [tilespmem:v56+s9+$0x0], $0xffff  }
0x1bc: {  	s20 =	sadd.s32 $0x1, s20;
	v54 =	vshll.u32 v51, $0x5;
	v53 =	vor.u32 v4, v55;
	v50 =	vld.idx.msk [tilespmem:v57+s9+$0x0], $0xffff  }
0x1bd: {  	v56 =	vadd.s32 v5, v54;
	v55 =	vor.u32 v14, v55  }
0x1be: {  	v60 =	vadd.s32 v9, v54;
	v56 =	vor.u32 v3, v56  }
0x1bf: {  	v54 =	vor.u32 v3, v60;
	_ =	sdelay $0x1  }
0x1c0: {  	s20 =	simm.s32 $0x0;
	[tilespmem:v53+s11+$0x0] =	vst.idx.msk $0xffff, v52  }
0x1c1: {  	v51 =	vshll.u32 v51, $0xA;
	[tilespmem:v55+s11+$0x0] =	vst.idx.msk $0xffff, v50;
	v50 =	vmov s20  }
0x1c2: {  	v53 =	vor.u32 v4, v51;
	v52 =	vld.idx.msk [tilespmem:v56+s9+$0x0], $0xffff;
	v55 =	vshll.u32 v50, $0x5  }
0x1c3: {  	v51 =	vor.u32 v14, v51;
	v54 =	vld.idx.msk [tilespmem:v54+s9+$0x0], $0xffff;
	v60 =	vadd.s32 v5, v55  }
0x1c4: {  	v55 =	vadd.s32 v9, v55;
	v63 =	vor.u32 v15, v60  }
0x1c5: {  	v57 =	vor.u32 v15, v55;
	_ =	sdelay $0x1  }
0x1c6: {  	[tilespmem:v53+s11+$0x0] =	vst.idx.msk $0xffff, v52  }
0x1c7: {  	s20 =	simm.s32 $0x1;
	[tilespmem:v51+s11+$0x0] =	vst.idx.msk $0xffff, v54  }
0x1c8: {  	v56 =	vshll.u32 v50, $0xA;
	v51 =	vmov s20;
	v52 =	vld.idx.msk [tilespmem:v63+s9+$0x0], $0xffff  }
0x1c9: {  	s21 =	simm.s32 $0x2;
	[tilespmem:$0x1FBA0] =	vst v55;
	v54 =	vor.u32 v21, v56;
	v55 =	vshll.u32 v51, $0x5;
	v53 =	vld.idx.msk [tilespmem:v57+s9+$0x0], $0xffff  }
.LBB2_23:
0x1ca: {  	p0 =	sne.s32 s21, $0x31;
	v57 =	vadd.s32 v5, v55;
	v56 =	vor.u32 v22, v56  }
0x1cb: {  	v55 =	vadd.s32 v9, v55;
	v57 =	vor.u32 v15, v57  }
0x1cc: {  	v58 =	vor.u32 v15, v55  }
.Ltmp10:
0x1cd: {  	(pc) =	sbr.rel @p0 .LBB2_23-.Ltmp10, $4  }
0x1ce: {  	[tilespmem:v54+s11+$0x0] =	vst.idx.msk $0xffff, v52  }
0x1cf: {  	[tilespmem:v56+s11+$0x0] =	vst.idx.msk $0xffff, v53  }
0x1d0: {  	v56 =	vshll.u32 v51, $0xA;
	v51 =	vmov s21;
	v52 =	vld.idx.msk [tilespmem:v57+s9+$0x0], $0xffff  }
0x1d1: {  	s21 =	sadd.s32 $0x1, s21;
	v55 =	vshll.u32 v51, $0x5;
	v54 =	vor.u32 v21, v56;
	v53 =	vld.idx.msk [tilespmem:v58+s9+$0x0], $0xffff  }
0x1d2: {  	v57 =	vadd.s32 v5, v55;
	v56 =	vor.u32 v22, v56  }
0x1d3: {  	v58 =	vadd.s32 v9, v55;
	v57 =	vor.u32 v15, v57  }
0x1d4: {  	v55 =	vor.u32 v15, v58;
	_ =	sdelay $0x1  }
0x1d5: {  	v63 =	vld [tilespmem:$0x1FBA0];
	[tilespmem:v54+s11+$0x0] =	vst.idx.msk $0xffff, v52  }
0x1d6: {  	v51 =	vshll.u32 v51, $0xA;
	[tilespmem:v56+s11+$0x0] =	vst.idx.msk $0xffff, v53  }
0x1d7: {  	v53 =	vor.u32 v21, v51;
	v52 =	vld.idx.msk [tilespmem:v57+s9+$0x0], $0xffff  }
0x1d8: {  	v51 =	vor.u32 v22, v51;
	v54 =	vld.idx.msk [tilespmem:v55+s9+$0x0], $0xffff  }
0x1d9: {  	v60 =	vor.u32 v27, v60  }
0x1da: {  	v56 =	vor.u32 v27, v63;
	_ =	sdelay $0x1  }
0x1db: {  	[tilespmem:v53+s11+$0x0] =	vst.idx.msk $0xffff, v52  }
0x1dc: {  	[tilespmem:v51+s11+$0x0] =	vst.idx.msk $0xffff, v54  }
0x1dd: {  	v55 =	vshll.u32 v50, $0xA;
	v51 =	vmov s20;
	v52 =	vld.idx.msk [tilespmem:v60+s9+$0x0], $0xffff  }
0x1de: {  	v53 =	vor.u32 v28, v55;
	s20 =	simm.s32 $0x2;
	v54 =	vshll.u32 v51, $0x5;
	v50 =	vld.idx.msk [tilespmem:v56+s9+$0x0], $0xffff  }
.LBB2_25:
0x1df: {  	p0 =	sne.s32 s20, $0x31;
	v56 =	vadd.s32 v5, v54;
	v55 =	vor.u32 v30, v55  }
0x1e0: {  	v54 =	vadd.s32 v9, v54;
	v56 =	vor.u32 v27, v56  }
0x1e1: {  	v57 =	vor.u32 v27, v54  }
.Ltmp11:
0x1e2: {  	(pc) =	sbr.rel @p0 .LBB2_25-.Ltmp11, $4  }
0x1e3: {  	[tilespmem:v53+s11+$0x0] =	vst.idx.msk $0xffff, v52  }
0x1e4: {  	[tilespmem:v55+s11+$0x0] =	vst.idx.msk $0xffff, v50  }
0x1e5: {  	v55 =	vshll.u32 v51, $0xA;
	v51 =	vmov s20;
	v52 =	vld.idx.msk [tilespmem:v56+s9+$0x0], $0xffff  }
0x1e6: {  	s20 =	sadd.s32 $0x1, s20;
	v54 =	vshll.u32 v51, $0x5;
	v53 =	vor.u32 v28, v55;
	v50 =	vld.idx.msk [tilespmem:v57+s9+$0x0], $0xffff  }
0x1e7: {  	v56 =	vadd.s32 v5, v54;
	v55 =	vor.u32 v30, v55  }
0x1e8: {  	v60 =	vadd.s32 v9, v54;
	v56 =	vor.u32 v27, v56  }
0x1e9: {  	v54 =	vor.u32 v27, v60;
	_ =	sdelay $0x1  }
0x1ea: {  	s20 =	simm.s32 $0x0;
	[tilespmem:v53+s11+$0x0] =	vst.idx.msk $0xffff, v52  }
0x1eb: {  	v51 =	vshll.u32 v51, $0xA;
	[tilespmem:v55+s11+$0x0] =	vst.idx.msk $0xffff, v50;
	v50 =	vmov s20  }
0x1ec: {  	v53 =	vor.u32 v28, v51;
	v52 =	vld.idx.msk [tilespmem:v56+s9+$0x0], $0xffff;
	v55 =	vshll.u32 v50, $0x5  }
0x1ed: {  	v51 =	vor.u32 v30, v51;
	v54 =	vld.idx.msk [tilespmem:v54+s9+$0x0], $0xffff;
	v60 =	vadd.s32 v5, v55  }
0x1ee: {  	v55 =	vadd.s32 v9, v55;
	v63 =	vor.u32 v31, v60  }
0x1ef: {  	v57 =	vor.u32 v31, v55;
	_ =	sdelay $0x1  }
0x1f0: {  	[tilespmem:v53+s11+$0x0] =	vst.idx.msk $0xffff, v52  }
0x1f1: {  	s20 =	simm.s32 $0x1;
	[tilespmem:v51+s11+$0x0] =	vst.idx.msk $0xffff, v54  }
0x1f2: {  	v56 =	vshll.u32 v50, $0xA;
	v51 =	vmov s20;
	v52 =	vld.idx.msk [tilespmem:v63+s9+$0x0], $0xffff  }
0x1f3: {  	s21 =	simm.s32 $0x2;
	[tilespmem:$0x1FB90] =	vst v55;
	v54 =	vor.u32 v34, v56;
	v55 =	vshll.u32 v51, $0x5;
	v53 =	vld.idx.msk [tilespmem:v57+s9+$0x0], $0xffff  }
.LBB2_27:
0x1f4: {  	p0 =	sne.s32 s21, $0x31;
	v57 =	vadd.s32 v5, v55;
	v56 =	vor.u32 v35, v56  }
0x1f5: {  	v55 =	vadd.s32 v9, v55;
	v57 =	vor.u32 v31, v57  }
0x1f6: {  	v58 =	vor.u32 v31, v55  }
.Ltmp12:
0x1f7: {  	(pc) =	sbr.rel @p0 .LBB2_27-.Ltmp12, $4  }
0x1f8: {  	[tilespmem:v54+s11+$0x0] =	vst.idx.msk $0xffff, v52  }
0x1f9: {  	[tilespmem:v56+s11+$0x0] =	vst.idx.msk $0xffff, v53  }
0x1fa: {  	v56 =	vshll.u32 v51, $0xA;
	v51 =	vmov s21;
	v52 =	vld.idx.msk [tilespmem:v57+s9+$0x0], $0xffff  }
0x1fb: {  	s21 =	sadd.s32 $0x1, s21;
	v55 =	vshll.u32 v51, $0x5;
	v54 =	vor.u32 v34, v56;
	v53 =	vld.idx.msk [tilespmem:v58+s9+$0x0], $0xffff  }
0x1fc: {  	v57 =	vadd.s32 v5, v55;
	v56 =	vor.u32 v35, v56  }
0x1fd: {  	v58 =	vadd.s32 v9, v55;
	v57 =	vor.u32 v31, v57  }
0x1fe: {  	v55 =	vor.u32 v31, v58;
	_ =	sdelay $0x1  }
0x1ff: {  	v63 =	vld [tilespmem:$0x1FB90];
	[tilespmem:v54+s11+$0x0] =	vst.idx.msk $0xffff, v52  }
0x200: {  	v51 =	vshll.u32 v51, $0xA;
	[tilespmem:v56+s11+$0x0] =	vst.idx.msk $0xffff, v53  }
0x201: {  	v53 =	vor.u32 v34, v51;
	v52 =	vld.idx.msk [tilespmem:v57+s9+$0x0], $0xffff  }
0x202: {  	v51 =	vor.u32 v35, v51;
	v54 =	vld.idx.msk [tilespmem:v55+s9+$0x0], $0xffff  }
0x203: {  	v60 =	vor.u32 v37, v60  }
0x204: {  	v56 =	vor.u32 v37, v63;
	_ =	sdelay $0x1  }
0x205: {  	[tilespmem:v53+s11+$0x0] =	vst.idx.msk $0xffff, v52  }
0x206: {  	[tilespmem:v51+s11+$0x0] =	vst.idx.msk $0xffff, v54  }
0x207: {  	v55 =	vshll.u32 v50, $0xA;
	v51 =	vmov s20;
	v52 =	vld.idx.msk [tilespmem:v60+s9+$0x0], $0xffff  }
0x208: {  	v53 =	vor.u32 v38, v55;
	s20 =	simm.s32 $0x2;
	v54 =	vshll.u32 v51, $0x5;
	v50 =	vld.idx.msk [tilespmem:v56+s9+$0x0], $0xffff  }
.LBB2_29:
0x209: {  	p0 =	sne.s32 s20, $0x31;
	v56 =	vadd.s32 v5, v54;
	v55 =	vor.u32 v40, v55  }
0x20a: {  	v54 =	vadd.s32 v9, v54;
	v56 =	vor.u32 v37, v56  }
0x20b: {  	v57 =	vor.u32 v37, v54  }
.Ltmp13:
0x20c: {  	(pc) =	sbr.rel @p0 .LBB2_29-.Ltmp13, $4  }
0x20d: {  	[tilespmem:v53+s11+$0x0] =	vst.idx.msk $0xffff, v52  }
0x20e: {  	[tilespmem:v55+s11+$0x0] =	vst.idx.msk $0xffff, v50  }
0x20f: {  	v55 =	vshll.u32 v51, $0xA;
	v51 =	vmov s20;
	v52 =	vld.idx.msk [tilespmem:v56+s9+$0x0], $0xffff  }
0x210: {  	s20 =	sadd.s32 $0x1, s20;
	v54 =	vshll.u32 v51, $0x5;
	v53 =	vor.u32 v38, v55;
	v50 =	vld.idx.msk [tilespmem:v57+s9+$0x0], $0xffff  }
0x211: {  	v56 =	vadd.s32 v5, v54;
	v55 =	vor.u32 v40, v55  }
0x212: {  	v60 =	vadd.s32 v9, v54;
	v56 =	vor.u32 v37, v56  }
0x213: {  	v54 =	vor.u32 v37, v60;
	_ =	sdelay $0x1  }
0x214: {  	s20 =	simm.s32 $0x0;
	[tilespmem:v53+s11+$0x0] =	vst.idx.msk $0xffff, v52  }
0x215: {  	v51 =	vshll.u32 v51, $0xA;
	[tilespmem:v55+s11+$0x0] =	vst.idx.msk $0xffff, v50;
	v50 =	vmov s20  }
0x216: {  	v53 =	vor.u32 v38, v51;
	v52 =	vld.idx.msk [tilespmem:v56+s9+$0x0], $0xffff;
	v55 =	vshll.u32 v50, $0x5  }
0x217: {  	v51 =	vor.u32 v40, v51;
	v54 =	vld.idx.msk [tilespmem:v54+s9+$0x0], $0xffff;
	v60 =	vadd.s32 v5, v55  }
0x218: {  	v55 =	vadd.s32 v9, v55;
	v63 =	vor.u32 v41, v60  }
0x219: {  	v57 =	vor.u32 v41, v55;
	_ =	sdelay $0x1  }
0x21a: {  	[tilespmem:v53+s11+$0x0] =	vst.idx.msk $0xffff, v52  }
0x21b: {  	s20 =	simm.s32 $0x1;
	[tilespmem:v51+s11+$0x0] =	vst.idx.msk $0xffff, v54  }
0x21c: {  	v56 =	vshll.u32 v50, $0xA;
	v51 =	vmov s20;
	v52 =	vld.idx.msk [tilespmem:v63+s9+$0x0], $0xffff  }
0x21d: {  	s21 =	simm.s32 $0x2;
	[tilespmem:$0x1FB80] =	vst v55;
	v54 =	vor.u32 v44, v56;
	v55 =	vshll.u32 v51, $0x5;
	v53 =	vld.idx.msk [tilespmem:v57+s9+$0x0], $0xffff  }
.LBB2_31:
0x21e: {  	p0 =	sne.s32 s21, $0x31;
	v57 =	vadd.s32 v5, v55;
	v56 =	vor.u32 v45, v56  }
0x21f: {  	v55 =	vadd.s32 v9, v55;
	v57 =	vor.u32 v41, v57  }
0x220: {  	v58 =	vor.u32 v41, v55  }
.Ltmp14:
0x221: {  	(pc) =	sbr.rel @p0 .LBB2_31-.Ltmp14, $4  }
0x222: {  	[tilespmem:v54+s11+$0x0] =	vst.idx.msk $0xffff, v52  }
0x223: {  	[tilespmem:v56+s11+$0x0] =	vst.idx.msk $0xffff, v53  }
0x224: {  	v56 =	vshll.u32 v51, $0xA;
	v51 =	vmov s21;
	v52 =	vld.idx.msk [tilespmem:v57+s9+$0x0], $0xffff  }
0x225: {  	s21 =	sadd.s32 $0x1, s21;
	v55 =	vshll.u32 v51, $0x5;
	v54 =	vor.u32 v44, v56;
	v53 =	vld.idx.msk [tilespmem:v58+s9+$0x0], $0xffff  }
0x226: {  	v56 =	vor.u32 v45, v56;
	v58 =	vadd.s32 v9, v55  }
0x227: {  	v57 =	vadd.s32 v5, v55;
	v55 =	vor.u32 v41, v58;
	_ =	sdelay $0x2  }
0x228: {  	v57 =	vor.u32 v41, v57;
	[tilespmem:v54+s11+$0x0] =	vst.idx.msk $0xffff, v52  }
0x229: {  	[tilespmem:v56+s11+$0x0] =	vst.idx.msk $0xffff, v53  }
0x22a: {  	v54 =	vld.idx.msk [tilespmem:v55+s9+$0x0], $0xffff  }
0x22b: {  	v55 =	vor.u32 v47, v60;
	v60 =	vld [tilespmem:$0x1FB80]  }
0x22c: {  	v51 =	vshll.u32 v51, $0xA  }
0x22d: {  	v53 =	vor.u32 v44, v51;
	v52 =	vld.idx.msk [tilespmem:v57+s9+$0x0], $0xffff  }
0x22e: {  	v51 =	vor.u32 v45, v51;
	_ =	sdelay $0x1  }
0x22f: {  	v63 =	vor.u32 v47, v60;
	_ =	sdelay $0x1  }
0x230: {  	[tilespmem:v53+s11+$0x0] =	vst.idx.msk $0xffff, v52  }
0x231: {  	[tilespmem:v51+s11+$0x0] =	vst.idx.msk $0xffff, v54  }
0x232: {  	v56 =	vshll.u32 v50, $0xA;
	v51 =	vmov s20;
	v52 =	vld.idx.msk [tilespmem:v55+s9+$0x0], $0xffff  }
0x233: {  	v50 =	vadd.s32 $0x1F0, v17;
	s20 =	simm.s32 $0x2;
	v54 =	vor.u32 v48, v56;
	v55 =	vshll.u32 v51, $0x5;
	v53 =	vld.idx.msk [tilespmem:v63+s9+$0x0], $0xffff  }
.LBB2_33:
0x234: {  	p0 =	sne.s32 s20, $0x31;
	v57 =	vadd.s32 v5, v55;
	v56 =	vor.u32 v50, v56  }
0x235: {  	v55 =	vadd.s32 v9, v55;
	v57 =	vor.u32 v47, v57  }
0x236: {  	v58 =	vor.u32 v47, v55  }
.Ltmp15:
0x237: {  	(pc) =	sbr.rel @p0 .LBB2_33-.Ltmp15, $4  }
0x238: {  	[tilespmem:v54+s11+$0x0] =	vst.idx.msk $0xffff, v52  }
0x239: {  	[tilespmem:v56+s11+$0x0] =	vst.idx.msk $0xffff, v53  }
0x23a: {  	v56 =	vshll.u32 v51, $0xA;
	v51 =	vmov s20;
	v52 =	vld.idx.msk [tilespmem:v57+s9+$0x0], $0xffff  }
0x23b: {  	s20 =	sadd.s32 $0x1, s20;
	v55 =	vshll.u32 v51, $0x5;
	v54 =	vor.u32 v48, v56;
	v53 =	vld.idx.msk [tilespmem:v58+s9+$0x0], $0xffff  }
0x23c: {  	v57 =	vadd.s32 v5, v55;
	v56 =	vor.u32 v50, v56  }
0x23d: {  	v58 =	vadd.s32 v9, v55;
	v57 =	vor.u32 v47, v57  }
0x23e: {  	v55 =	vor.u32 v47, v58;
	_ =	sdelay $0x1  }
0x23f: {  	s20 =	simm.s32 $0x0;
	[tilespmem:v54+s11+$0x0] =	vst.idx.msk $0xffff, v52  }
0x240: {  	v51 =	vshll.u32 v51, $0xA;
	v58 =	vmov s20;
	[tilespmem:v56+s11+$0x0] =	vst.idx.msk $0xffff, v53  }
0x241: {  	v60 =	vshll.u32 v58, $0x5;
	v53 =	vor.u32 v48, v51;
	v52 =	vld.idx.msk [tilespmem:v57+s9+$0x0], $0xffff  }
0x242: {  	v50 =	vor.u32 v50, v51;
	v63 =	vadd.s32 v5, v60;
	v51 =	vor.u32 $0x10, v62;
	v55 =	vld.idx.msk [tilespmem:v55+s9+$0x0], $0xffff  }
0x243: {  	v54 =	vadd.s32 v9, v60;
	v56 =	vor.u32 v51, v63  }
0x244: {  	v60 =	vor.u32 v51, v54  }
0x245: {  	[tilespmem:$0x1FB70] =	vst v58  }
0x246: {  	[tilespmem:v53+s11+$0x0] =	vst.idx.msk $0xffff, v52  }
0x247: {  	s20 =	simm.s32 $0x1;
	[tilespmem:v50+s11+$0x0] =	vst.idx.msk $0xffff, v55  }
0x248: {  	v58 =	vshll.u32 v58, $0xA;
	[tilespmem:$0x1FB60] =	vst v54;
	v52 =	vmov s20;
	v50 =	vor.u32 $0x200, v17;
	v54 =	vld.idx.msk [tilespmem:v56+s9+$0x0], $0xffff  }
0x249: {  	s21 =	simm.s32 $0x2;
	[tilespmem:$0x1FB50] =	vst v63;
	v53 =	vadd.s32 $0x210, v17;
	v57 =	vshll.u32 v52, $0x5;
	v55 =	vld.idx.msk [tilespmem:v60+s9+$0x0], $0xffff;
	v56 =	vor.u32 v50, v58  }
.LBB2_35:
0x24a: {  	p0 =	sne.s32 s21, $0x31;
	v60 =	vadd.s32 v5, v57;
	v58 =	vor.u32 v53, v58  }
0x24b: {  	v57 =	vadd.s32 v9, v57;
	v60 =	vor.u32 v51, v60  }
0x24c: {  	v62 =	vor.u32 v51, v57  }
.Ltmp16:
0x24d: {  	(pc) =	sbr.rel @p0 .LBB2_35-.Ltmp16, $4  }
0x24e: {  	[tilespmem:v56+s11+$0x0] =	vst.idx.msk $0xffff, v54  }
0x24f: {  	[tilespmem:v58+s11+$0x0] =	vst.idx.msk $0xffff, v55  }
0x250: {  	v58 =	vshll.u32 v52, $0xA;
	v52 =	vmov s21;
	v54 =	vld.idx.msk [tilespmem:v60+s9+$0x0], $0xffff  }
0x251: {  	s21 =	sadd.s32 $0x1, s21;
	v57 =	vshll.u32 v52, $0x5;
	v56 =	vor.u32 v50, v58;
	v55 =	vld.idx.msk [tilespmem:v62+s9+$0x0], $0xffff  }
0x252: {  	v60 =	vadd.s32 v5, v57;
	v58 =	vor.u32 v53, v58  }
0x253: {  	v60 =	vor.u32 v51, v60;
	_ =	sdelay $0x2  }
0x254: {  	v63 =	vadd.s32 v9, v57;
	[tilespmem:v56+s11+$0x0] =	vst.idx.msk $0xffff, v54  }
0x255: {  	v57 =	vor.u32 v51, v63;
	[tilespmem:v58+s11+$0x0] =	vst.idx.msk $0xffff, v55;
	v58 =	vld [tilespmem:$0x1FB50]  }
0x256: {  	v54 =	vld.idx.msk [tilespmem:v60+s9+$0x0], $0xffff  }
0x257: {  	v60 =	vld [tilespmem:$0x1FB60]  }
0x258: {  	v52 =	vshll.u32 v52, $0xA  }
0x259: {  	v50 =	vor.u32 v50, v52  }
0x25a: {  	v52 =	vor.u32 v53, v52;
	v51 =	vld.idx.msk [tilespmem:v57+s9+$0x0], $0xffff  }
0x25b: {  	v63 =	vld [tilespmem:$0x1FB70];
	v53 =	vor.u32 v13, v58  }
0x25c: {  	v58 =	vld [tilespmem:$0x1FC90];
	v62 =	vor.u32 v13, v60  }
0x25d: {  	v60 =	vld [tilespmem:$0x1FCA0]  }
0x25e: {  	[tilespmem:v50+s11+$0x0] =	vst.idx.msk $0xffff, v54  }
0x25f: {  	[tilespmem:v52+s11+$0x0] =	vst.idx.msk $0xffff, v51  }
0x260: {  	v55 =	vshll.u32 v63, $0xA;
	v50 =	vmov s20;
	v51 =	vld.idx.msk [tilespmem:v53+s9+$0x0], $0xffff  }
0x261: {  	s20 =	simm.s32 $0x2;
	v54 =	vshll.u32 v50, $0x5;
	v53 =	vor.u32 v58, v55;
	v52 =	vld.idx.msk [tilespmem:v62+s9+$0x0], $0xffff  }
.LBB2_37:
0x262: {  	p0 =	sne.s32 s20, $0x31;
	v56 =	vadd.s32 v5, v54;
	v55 =	vor.u32 v60, v55  }
0x263: {  	v54 =	vadd.s32 v9, v54;
	v56 =	vor.u32 v13, v56  }
0x264: {  	v57 =	vor.u32 v13, v54  }
.Ltmp17:
0x265: {  	(pc) =	sbr.rel @p0 .LBB2_37-.Ltmp17, $4  }
0x266: {  	[tilespmem:v53+s11+$0x0] =	vst.idx.msk $0xffff, v51  }
0x267: {  	[tilespmem:v55+s11+$0x0] =	vst.idx.msk $0xffff, v52  }
0x268: {  	v55 =	vshll.u32 v50, $0xA;
	v50 =	vmov s20;
	v51 =	vld.idx.msk [tilespmem:v56+s9+$0x0], $0xffff  }
0x269: {  	s20 =	sadd.s32 $0x1, s20;
	v54 =	vshll.u32 v50, $0x5;
	v53 =	vor.u32 v58, v55;
	v52 =	vld.idx.msk [tilespmem:v57+s9+$0x0], $0xffff  }
0x26a: {  	v56 =	vadd.s32 v5, v54;
	v55 =	vor.u32 v60, v55  }
0x26b: {  	v57 =	vadd.s32 v9, v54;
	v56 =	vor.u32 v13, v56  }
0x26c: {  	v54 =	vor.u32 v13, v57;
	_ =	sdelay $0x1  }
0x26d: {  	s20 =	simm.s32 $0x0;
	[tilespmem:v53+s11+$0x0] =	vst.idx.msk $0xffff, v51  }
0x26e: {  	v62 =	vshll.u32 v50, $0xA;
	v8 =	vmov s20;
	[tilespmem:v55+s11+$0x0] =	vst.idx.msk $0xffff, v52  }
0x26f: {  	v63 =	vshll.u32 v8, $0x5;
	v53 =	vor.u32 v58, v62;
	v52 =	vld.idx.msk [tilespmem:v56+s9+$0x0], $0xffff  }
0x270: {  	v51 =	vor.u32 v60, v62;
	v58 =	vadd.s32 v5, v63;
	v54 =	vld.idx.msk [tilespmem:v54+s9+$0x0], $0xffff  }
0x271: {  	v60 =	vor.u32 v20, v58;
	_ =	sdelay $0x2  }
0x272: {  	v50 =	vld [tilespmem:$0x1FD00];
	[tilespmem:v53+s11+$0x0] =	vst.idx.msk $0xffff, v52  }
0x273: {  	v62 =	vadd.s32 v9, v63;
	v63 =	vld [tilespmem:$0x1FCF0];
	[tilespmem:v51+s11+$0x0] =	vst.idx.msk $0xffff, v54  }
0x274: {  	v57 =	vor.u32 v20, v62;
	v52 =	vld.idx.msk [tilespmem:v60+s9+$0x0], $0xffff  }
0x275: {  	v60 =	vld [tilespmem:$0x1FFA0];
	_ =	sdelay $0x1  }
0x276: {  	s20 =	simm.s32 $0x1  }
0x277: {  	[tilespmem:$0x1FB40] =	vst v62;
	v62 =	vld [tilespmem:$0x1FC20];
	v56 =	vshll.u32 v8, $0xA;
	v51 =	vmov s20  }
0x278: {  	s21 =	simm.s32 $0x2;
	[tilespmem:$0x1FB30] =	vst v58;
	v54 =	vor.u32 v63, v56;
	v55 =	vshll.u32 v51, $0x5;
	v53 =	vld.idx.msk [tilespmem:v57+s9+$0x0], $0xffff  }
.LBB2_39:
0x279: {  	v56 =	vor.u32 v50, v56;
	v63 =	vadd.s32 v9, v55  }
0x27a: {  	v58 =	vor.u32 v20, v63;
	_ =	sdelay $0x2  }
0x27b: {  	[tilespmem:v54+s11+$0x0] =	vst.idx.msk $0xffff, v52  }
0x27c: {  	[tilespmem:v56+s11+$0x0] =	vst.idx.msk $0xffff, v53  }
0x27d: {  	v57 =	vadd.s32 v5, v55;
	v53 =	vld.idx.msk [tilespmem:v58+s9+$0x0], $0xffff  }
0x27e: {  	p0 =	sne.s32 s21, $0x31;
	v57 =	vor.u32 v20, v57;
	v58 =	vld [tilespmem:$0x1FCF0]  }
.Ltmp18:
0x27f: {  	_ = 	snop;
	(pc) =	sbr.rel @p0 .LBB2_39-.Ltmp18, $3  }
0x280: {  	_ =	sdelay $0x1  }
0x281: {  	v56 =	vshll.u32 v51, $0xA;
	v51 =	vmov s21  }
0x282: {  	s21 =	sadd.s32 $0x1, s21;
	v52 =	vld.idx.msk [tilespmem:v57+s9+$0x0], $0xffff;
	v55 =	vshll.u32 v51, $0x5;
	v54 =	vor.u32 v58, v56  }
0x283: {  	v57 =	vadd.s32 v5, v55;
	v56 =	vor.u32 v50, v56  }
0x284: {  	v57 =	vor.u32 v20, v57;
	_ =	sdelay $0x2  }
0x285: {  	[tilespmem:v54+s11+$0x0] =	vst.idx.msk $0xffff, v52  }
0x286: {  	v63 =	vadd.s32 v9, v55;
	[tilespmem:v56+s11+$0x0] =	vst.idx.msk $0xffff, v53  }
0x287: {  	v55 =	vor.u32 v20, v63;
	v52 =	vld.idx.msk [tilespmem:v57+s9+$0x0], $0xffff  }
0x288: {  	v57 =	vld [tilespmem:$0x1FB30];
	_ =	sdelay $0x1  }
0x289: {  	v51 =	vshll.u32 v51, $0xA  }
0x28a: {  	v53 =	vor.u32 v58, v51;
	v58 =	vld [tilespmem:$0x1FB40]  }
0x28b: {  	v51 =	vor.u32 v50, v51;
	v54 =	vld.idx.msk [tilespmem:v55+s9+$0x0], $0xffff  }
0x28c: {  	v55 =	vor.u32 v24, v57;
	_ =	sdelay $0x2  }
0x28d: {  	[tilespmem:v53+s11+$0x0] =	vst.idx.msk $0xffff, v52  }
0x28e: {  	v63 =	vor.u32 v24, v58;
	v58 =	vld [tilespmem:$0x1FD50];
	[tilespmem:v51+s11+$0x0] =	vst.idx.msk $0xffff, v54  }
0x28f: {  	v52 =	vld.idx.msk [tilespmem:v55+s9+$0x0], $0xffff  }
0x290: {  	v55 =	vshll.u32 v8, $0xA;
	v8 =	vld [tilespmem:$0x1FD80];
	_ =	sdelay $0x2  }
0x291: {  	v51 =	vmov s20  }
0x292: {  	s20 =	simm.s32 $0x2;
	v54 =	vshll.u32 v51, $0x5;
	v50 =	vld.idx.msk [tilespmem:v63+s9+$0x0], $0xffff;
	v53 =	vor.u32 v58, v55  }
.LBB2_41:
0x293: {  	p0 =	sne.s32 s20, $0x31;
	v56 =	vadd.s32 v5, v54;
	v55 =	vor.u32 v8, v55  }
0x294: {  	v54 =	vadd.s32 v9, v54;
	v56 =	vor.u32 v24, v56  }
0x295: {  	v57 =	vor.u32 v24, v54  }
.Ltmp19:
0x296: {  	(pc) =	sbr.rel @p0 .LBB2_41-.Ltmp19, $4  }
0x297: {  	[tilespmem:v53+s11+$0x0] =	vst.idx.msk $0xffff, v52  }
0x298: {  	[tilespmem:v55+s11+$0x0] =	vst.idx.msk $0xffff, v50  }
0x299: {  	v55 =	vshll.u32 v51, $0xA;
	v51 =	vmov s20;
	v52 =	vld.idx.msk [tilespmem:v56+s9+$0x0], $0xffff  }
0x29a: {  	s20 =	sadd.s32 $0x1, s20;
	v54 =	vshll.u32 v51, $0x5;
	v53 =	vor.u32 v58, v55;
	v50 =	vld.idx.msk [tilespmem:v57+s9+$0x0], $0xffff  }
0x29b: {  	v56 =	vadd.s32 v5, v54;
	v55 =	vor.u32 v8, v55  }
0x29c: {  	v57 =	vadd.s32 v9, v54;
	v56 =	vor.u32 v24, v56  }
0x29d: {  	v54 =	vor.u32 v24, v57;
	_ =	sdelay $0x1  }
0x29e: {  	s20 =	simm.s32 $0x0;
	[tilespmem:v53+s11+$0x0] =	vst.idx.msk $0xffff, v52  }
0x29f: {  	v51 =	vshll.u32 v51, $0xA;
	[tilespmem:v55+s11+$0x0] =	vst.idx.msk $0xffff, v50;
	v50 =	vmov s20  }
0x2a0: {  	v53 =	vor.u32 v58, v51;
	v52 =	vld.idx.msk [tilespmem:v56+s9+$0x0], $0xffff;
	v55 =	vshll.u32 v50, $0x5  }
0x2a1: {  	v51 =	vor.u32 v8, v51;
	v54 =	vld.idx.msk [tilespmem:v54+s9+$0x0], $0xffff;
	v63 =	vadd.s32 v5, v55  }
0x2a2: {  	v56 =	vor.u32 v29, v63;
	_ =	sdelay $0x2  }
0x2a3: {  	[tilespmem:v53+s11+$0x0] =	vst.idx.msk $0xffff, v52  }
0x2a4: {  	v8 =	vld [tilespmem:$0x1FFB0];
	v55 =	vadd.s32 v9, v55;
	[tilespmem:v51+s11+$0x0] =	vst.idx.msk $0xffff, v54  }
0x2a5: {  	v57 =	vor.u32 v29, v55;
	v52 =	vld.idx.msk [tilespmem:v56+s9+$0x0], $0xffff  }
0x2a6: {  	[tilespmem:$0x1FB20] =	vst v50;
	v56 =	vshll.u32 v50, $0xA;
	v50 =	vld [tilespmem:$0x1FD90];
	_ =	sdelay $0x1  }
0x2a7: {  	s20 =	simm.s32 $0x1  }
0x2a8: {  	v51 =	vmov s20  }
0x2a9: {  	s21 =	simm.s32 $0x2;
	v55 =	vshll.u32 v51, $0x5;
	v53 =	vld.idx.msk [tilespmem:v57+s9+$0x0], $0xffff;
	v54 =	vor.u32 v8, v56  }
.LBB2_43:
0x2aa: {  	p0 =	sne.s32 s21, $0x31;
	v57 =	vadd.s32 v5, v55;
	v56 =	vor.u32 v50, v56  }
0x2ab: {  	v55 =	vadd.s32 v9, v55;
	v57 =	vor.u32 v29, v57  }
0x2ac: {  	v58 =	vor.u32 v29, v55  }
.Ltmp20:
0x2ad: {  	(pc) =	sbr.rel @p0 .LBB2_43-.Ltmp20, $4  }
0x2ae: {  	[tilespmem:v54+s11+$0x0] =	vst.idx.msk $0xffff, v52  }
0x2af: {  	[tilespmem:v56+s11+$0x0] =	vst.idx.msk $0xffff, v53  }
0x2b0: {  	v56 =	vshll.u32 v51, $0xA;
	v51 =	vmov s21;
	v52 =	vld.idx.msk [tilespmem:v57+s9+$0x0], $0xffff  }
0x2b1: {  	s21 =	sadd.s32 $0x1, s21;
	v55 =	vshll.u32 v51, $0x5;
	v54 =	vor.u32 v8, v56;
	v53 =	vld.idx.msk [tilespmem:v58+s9+$0x0], $0xffff  }
0x2b2: {  	v56 =	vor.u32 v50, v56;
	_ =	sdelay $0x3  }
0x2b3: {  	v58 =	vld [tilespmem:$0x1FDA0];
	[tilespmem:v54+s11+$0x0] =	vst.idx.msk $0xffff, v52  }
0x2b4: {  	[tilespmem:v56+s11+$0x0] =	vst.idx.msk $0xffff, v53;
	v56 =	vld [tilespmem:$0x1FC60];
	_ =	sdelay $0x2  }
0x2b5: {  	v63 =	vadd.s32 v9, v55  }
0x2b6: {  	v57 =	vadd.s32 v5, v55;
	v55 =	vor.u32 v29, v63;
	v63 =	vld [tilespmem:$0x1FC50]  }
0x2b7: {  	v52 =	vshll.u32 v51, $0xA;
	v51 =	vsel vm0, v58, v56;
	v58 =	vld [tilespmem:$0x1FC70]  }
0x2b8: {  	v10 =	vld [tilespmem:$0x1FB20];
	v57 =	vor.u32 v29, v57;
	_ =	sdelay $0x3  }
0x2b9: {  	v53 =	vsel vm0, v63, v58  }
0x2ba: {  	v54 =	vld.idx.msk [tilespmem:v57+s9+$0x0], $0xffff;
	v57 =	vshll.u32 v10, $0x5;
	v56 =	vor.u32 v8, v52;
	v51 =	vcombine.low v53, v51  }
0x2bb: {  	v52 =	vor.u32 v50, v52;
	v63 =	vadd.s32 v5, v57;
	v53 =	vld.idx.msk [tilespmem:v55+s9+$0x0], $0xffff  }
0x2bc: {  	v57 =	vadd.s32 v9, v57;
	v55 =	vor.u32 v51, v63  }
0x2bd: {  	v57 =	vor.u32 v51, v57;
	_ =	sdelay $0x1  }
0x2be: {  	[tilespmem:v56+s11+$0x0] =	vst.idx.msk $0xffff, v54  }
0x2bf: {  	[tilespmem:v52+s11+$0x0] =	vst.idx.msk $0xffff, v53  }
0x2c0: {  	v56 =	vshll.u32 v10, $0xA;
	v52 =	vmov s20;
	v53 =	vld.idx.msk [tilespmem:v55+s9+$0x0], $0xffff  }
0x2c1: {  	v54 =	vor.u32 v62, v56;
	s20 =	simm.s32 $0x2;
	v55 =	vshll.u32 v52, $0x5;
	v50 =	vld.idx.msk [tilespmem:v57+s9+$0x0], $0xffff  }
.LBB2_45:
0x2c2: {  	p0 =	sne.s32 s20, $0x31;
	v57 =	vadd.s32 v5, v55;
	v56 =	vor.u32 v60, v56  }
0x2c3: {  	v55 =	vadd.s32 v9, v55;
	v57 =	vor.u32 v51, v57  }
0x2c4: {  	v58 =	vor.u32 v51, v55  }
.Ltmp21:
0x2c5: {  	(pc) =	sbr.rel @p0 .LBB2_45-.Ltmp21, $4  }
0x2c6: {  	[tilespmem:v54+s11+$0x0] =	vst.idx.msk $0xffff, v53  }
0x2c7: {  	v54 =	vmov s20;
	[tilespmem:v56+s11+$0x0] =	vst.idx.msk $0xffff, v50  }
0x2c8: {  	v56 =	vshll.u32 v52, $0xA;
	v52 =	vmov v54;
	v53 =	vld.idx.msk [tilespmem:v57+s9+$0x0], $0xffff  }
0x2c9: {  	s20 =	sadd.s32 $0x1, s20;
	v55 =	vshll.u32 v52, $0x5;
	v54 =	vor.u32 v62, v56;
	v50 =	vld.idx.msk [tilespmem:v58+s9+$0x0], $0xffff  }
0x2ca: {  	_ = 	snop  }
0x2cb: {  	v56 =	vor.u32 v60, v56;
	_ =	sdelay $0x1  }
0x2cc: {  	v57 =	vadd.s32 v5, v55;
	v63 =	vld [tilespmem:$0x1FCC0]  }
0x2cd: {  	v58 =	vadd.s32 v9, v55;
	v57 =	vor.u32 v51, v57;
	[tilespmem:v54+s11+$0x0] =	vst.idx.msk $0xffff, v53;
	v54 =	vld [tilespmem:$0x1FDB0]  }
0x2ce: {  	v55 =	vor.u32 v51, v58;
	v58 =	vld [tilespmem:$0x1FCD0]  }
0x2cf: {  	[tilespmem:v56+s11+$0x0] =	vst.idx.msk $0xffff, v50;
	v56 =	vld [tilespmem:$0x1FCB0];
	_ =	sdelay $0x1  }
0x2d0: {  	v52 =	vshll.u32 v52, $0xA  }
0x2d1: {  	v53 =	vld.idx.msk [tilespmem:v57+s9+$0x0], $0xffff;
	v50 =	vsel vm0, v54, v63;
	v54 =	vor.u32 v62, v52  }
0x2d2: {  	s20 =	simm.s32 $0x0;
	v63 =	vld.idx.msk [tilespmem:v55+s9+$0x0], $0xffff;
	v52 =	vor.u32 v60, v52  }
0x2d3: {  	v10 =	vmov s20;
	v51 =	vsel vm0, v56, v58  }
0x2d4: {  	v56 =	vshll.u32 v10, $0x5;
	v51 =	vcombine.low v51, v50  }
0x2d5: {  	v62 =	vadd.s32 v5, v56  }
0x2d6: {  	v56 =	vadd.s32 v9, v56;
	v55 =	vor.u32 v51, v62;
	[tilespmem:v54+s11+$0x0] =	vst.idx.msk $0xffff, v53  }
0x2d7: {  	v58 =	vor.u32 v51, v56;
	[tilespmem:v52+s11+$0x0] =	vst.idx.msk $0xffff, v63;
	v63 =	vld [tilespmem:$0x1FDC0]  }
0x2d8: {  	[tilespmem:$0x1FB10] =	vst v10;
	v57 =	vshll.u32 v10, $0xA;
	v10 =	vld [tilespmem:$0x1FDD0];
	_ =	sdelay $0x1  }
0x2d9: {  	s31 =	simm.s32 $0x1  }
0x2da: {  	v50 =	vmov s31;
	[tilespmem:$0x1FAF0] =	vst v62;
	v53 =	vld.idx.msk [tilespmem:v55+s9+$0x0], $0xffff  }
0x2db: {  	s20 =	simm.s32 $0x2;
	[tilespmem:$0x1FB00] =	vst v56;
	v56 =	vshll.u32 v50, $0x5;
	v52 =	vmov v50;
	v54 =	vld.idx.msk [tilespmem:v58+s9+$0x0], $0xffff;
	v55 =	vor.u32 v63, v57  }
.LBB2_47:
0x2dc: {  	v57 =	vor.u32 v10, v57;
	v62 =	vadd.s32 v9, v56  }
0x2dd: {  	v60 =	vor.u32 v51, v62;
	_ =	sdelay $0x2  }
0x2de: {  	[tilespmem:v55+s11+$0x0] =	vst.idx.msk $0xffff, v53  }
0x2df: {  	[tilespmem:v57+s11+$0x0] =	vst.idx.msk $0xffff, v54  }
0x2e0: {  	v58 =	vadd.s32 v5, v56;
	v54 =	vld.idx.msk [tilespmem:v60+s9+$0x0], $0xffff  }
0x2e1: {  	p0 =	sne.s32 s20, $0x31;
	v58 =	vor.u32 v51, v58;
	v60 =	vld [tilespmem:$0x1FDC0]  }
.Ltmp22:
0x2e2: {  	_ = 	snop;
	(pc) =	sbr.rel @p0 .LBB2_47-.Ltmp22, $4  }
0x2e3: {  	_ = 	snop  }
0x2e4: {  	v63 =	vmov s20  }
0x2e5: {  	v57 =	vshll.u32 v52, $0xA;
	v52 =	vmov v63  }
0x2e6: {  	s20 =	sadd.s32 $0x1, s20;
	v53 =	vld.idx.msk [tilespmem:v58+s9+$0x0], $0xffff;
	v56 =	vshll.u32 v52, $0x5;
	v55 =	vor.u32 v60, v57  }
0x2e7: {  	v57 =	vor.u32 v10, v57;
	_ =	sdelay $0x3  }
0x2e8: {  	v62 =	vld [tilespmem:$0x1FDE0];
	[tilespmem:v55+s11+$0x0] =	vst.idx.msk $0xffff, v53  }
0x2e9: {  	[tilespmem:v57+s11+$0x0] =	vst.idx.msk $0xffff, v54;
	v57 =	vld [tilespmem:$0x1FD20];
	_ =	sdelay $0x2  }
0x2ea: {  	v63 =	vadd.s32 v9, v56  }
0x2eb: {  	v58 =	vadd.s32 v5, v56;
	v56 =	vor.u32 v51, v63;
	v63 =	vld [tilespmem:$0x1FD10]  }
0x2ec: {  	v58 =	vor.u32 v51, v58;
	v51 =	vsel vm0, v62, v57;
	v57 =	vld [tilespmem:$0x1FD30];
	_ =	sdelay $0x1  }
0x2ed: {  	v52 =	vshll.u32 v52, $0xA  }
0x2ee: {  	v55 =	vor.u32 v60, v52;
	v52 =	vor.u32 v10, v52;
	v10 =	vld [tilespmem:$0x1FAF0];
	_ =	sdelay $0x1  }
0x2ef: {  	v53 =	vsel vm0, v63, v57  }
0x2f0: {  	v51 =	vcombine.low v53, v51;
	_ =	sdelay $0x1  }
0x2f1: {  	v62 =	vor.u32 v51, v10;
	v10 =	vld [tilespmem:$0x1FB00];
	_ =	sdelay $0x3  }
0x2f2: {  	v54 =	vld.idx.msk [tilespmem:v58+s9+$0x0], $0xffff  }
0x2f3: {  	v63 =	vor.u32 v51, v10;
	v10 =	vld [tilespmem:$0x1FB10]  }
0x2f4: {  	v60 =	vld.idx.msk [tilespmem:v56+s9+$0x0], $0xffff;
	_ =	sdelay $0x3  }
0x2f5: {  	[tilespmem:v55+s11+$0x0] =	vst.idx.msk $0xffff, v54;
	v56 =	vshll.u32 v10, $0xA;
	v10 =	vld [tilespmem:$0x1FDF0]  }
0x2f6: {  	[tilespmem:v52+s11+$0x0] =	vst.idx.msk $0xffff, v60;
	v60 =	vld [tilespmem:$0x1FE00];
	_ =	sdelay $0x2  }
0x2f7: {  	v52 =	vld.idx.msk [tilespmem:v62+s9+$0x0], $0xffff  }
0x2f8: {  	s20 =	simm.s32 $0x2;
	v55 =	vshll.u32 v50, $0x5;
	v53 =	vld.idx.msk [tilespmem:v63+s9+$0x0], $0xffff;
	v54 =	vor.u32 v10, v56  }
.LBB2_49:
0x2f9: {  	p0 =	sne.s32 s20, $0x31;
	v57 =	vadd.s32 v5, v55;
	v56 =	vor.u32 v60, v56  }
0x2fa: {  	v55 =	vadd.s32 v9, v55;
	v57 =	vor.u32 v51, v57  }
0x2fb: {  	v58 =	vor.u32 v51, v55  }
.Ltmp23:
0x2fc: {  	(pc) =	sbr.rel @p0 .LBB2_49-.Ltmp23, $4  }
0x2fd: {  	[tilespmem:v54+s11+$0x0] =	vst.idx.msk $0xffff, v52  }
0x2fe: {  	v54 =	vmov s20;
	[tilespmem:v56+s11+$0x0] =	vst.idx.msk $0xffff, v53  }
0x2ff: {  	v56 =	vshll.u32 v50, $0xA;
	v50 =	vmov v54;
	v52 =	vld.idx.msk [tilespmem:v57+s9+$0x0], $0xffff  }
0x300: {  	s20 =	sadd.s32 $0x1, s20;
	v55 =	vshll.u32 v50, $0x5;
	v54 =	vor.u32 v10, v56;
	v53 =	vld.idx.msk [tilespmem:v58+s9+$0x0], $0xffff  }
0x301: {  	v56 =	vor.u32 v60, v56;
	_ =	sdelay $0x3  }
0x302: {  	v58 =	vld [tilespmem:$0x1FD70];
	[tilespmem:v54+s11+$0x0] =	vst.idx.msk $0xffff, v52  }
0x303: {  	v57 =	vadd.s32 v5, v55;
	v63 =	vshll.u32 v50, $0xA;
	[tilespmem:v56+s11+$0x0] =	vst.idx.msk $0xffff, v53;
	v56 =	vld [tilespmem:$0x1FD60]  }
0x304: {  	v62 =	vadd.s32 v9, v55;
	v57 =	vor.u32 v51, v57;
	v54 =	vor.u32 v10, v63;
	v10 =	vld [tilespmem:$0x1FE10]  }
0x305: {  	v55 =	vor.u32 v51, v62;
	_ =	sdelay $0x1  }
0x306: {  	s20 =	simm.s32 $0x0  }
0x307: {  	v50 =	vmov s20;
	v51 =	vsel vm0, v56, v58  }
0x308: {  	v62 =	vshll.u32 v50, $0x5;
	v53 =	vld.idx.msk [tilespmem:v57+s9+$0x0], $0xffff;
	v51 =	vcombine.low v51, v10  }
0x309: {  	v52 =	vor.u32 v60, v63;
	v55 =	vld.idx.msk [tilespmem:v55+s9+$0x0], $0xffff;
	v10 =	vadd.s32 v5, v62  }
0x30a: {  	[tilespmem:$0x1FAD0] =	vst v10;
	v63 =	vor.u32 v51, v10;
	v10 =	vadd.s32 v9, v62  }
0x30b: {  	[tilespmem:$0x1FAE0] =	vst v10;
	v58 =	vor.u32 v51, v10;
	v10 =	vld [tilespmem:$0x1FE20]  }
0x30c: {  	v62 =	vld [tilespmem:$0x1FE30]  }
0x30d: {  	[tilespmem:v54+s11+$0x0] =	vst.idx.msk $0xffff, v53  }
0x30e: {  	s20 =	simm.s32 $0x1;
	[tilespmem:v52+s11+$0x0] =	vst.idx.msk $0xffff, v55  }
0x30f: {  	v57 =	vshll.u32 v50, $0xA;
	v52 =	vmov s20;
	v53 =	vld.idx.msk [tilespmem:v63+s9+$0x0], $0xffff  }
0x310: {  	s21 =	simm.s32 $0x2;
	v56 =	vshll.u32 v52, $0x5;
	v54 =	vld.idx.msk [tilespmem:v58+s9+$0x0], $0xffff;
	v55 =	vor.u32 v10, v57  }
.LBB2_51:
0x311: {  	p0 =	sne.s32 s21, $0x31;
	v58 =	vadd.s32 v5, v56;
	v57 =	vor.u32 v62, v57  }
0x312: {  	v56 =	vadd.s32 v9, v56;
	v58 =	vor.u32 v51, v58  }
0x313: {  	v60 =	vor.u32 v51, v56  }
.Ltmp24:
0x314: {  	(pc) =	sbr.rel @p0 .LBB2_51-.Ltmp24, $4  }
0x315: {  	[tilespmem:v55+s11+$0x0] =	vst.idx.msk $0xffff, v53  }
0x316: {  	[tilespmem:v57+s11+$0x0] =	vst.idx.msk $0xffff, v54  }
0x317: {  	v57 =	vshll.u32 v52, $0xA;
	v52 =	vmov s21;
	v53 =	vld.idx.msk [tilespmem:v58+s9+$0x0], $0xffff  }
0x318: {  	s21 =	sadd.s32 $0x1, s21;
	v56 =	vshll.u32 v52, $0x5;
	v55 =	vor.u32 v10, v57;
	v54 =	vld.idx.msk [tilespmem:v60+s9+$0x0], $0xffff  }
0x319: {  	v57 =	vor.u32 v62, v57;
	_ =	sdelay $0x3  }
0x31a: {  	v52 =	vshll.u32 v52, $0xA;
	v60 =	vld [tilespmem:$0x1FC80];
	[tilespmem:v55+s11+$0x0] =	vst.idx.msk $0xffff, v53  }
0x31b: {  	[tilespmem:v57+s11+$0x0] =	vst.idx.msk $0xffff, v54;
	v54 =	vor.u32 v10, v52;
	v10 =	vld [tilespmem:$0x1FE40];
	_ =	sdelay $0x1  }
0x31c: {  	v58 =	vadd.s32 v5, v56  }
0x31d: {  	v63 =	vadd.s32 v9, v56;
	v58 =	vor.u32 v51, v58  }
0x31e: {  	v56 =	vor.u32 v51, v63  }
0x31f: {  	v51 =	vcombine.low v60, v10;
	v10 =	vld [tilespmem:$0x1FAD0];
	_ =	sdelay $0x2  }
0x320: {  	v53 =	vld.idx.msk [tilespmem:v58+s9+$0x0], $0xffff  }
0x321: {  	v52 =	vor.u32 v62, v52;
	v55 =	vld.idx.msk [tilespmem:v56+s9+$0x0], $0xffff  }
0x322: {  	v62 =	vor.u32 v51, v10;
	v10 =	vld [tilespmem:$0x1FAE0];
	_ =	sdelay $0x2  }
0x323: {  	[tilespmem:v54+s11+$0x0] =	vst.idx.msk $0xffff, v53  }
0x324: {  	v60 =	vld [tilespmem:$0x1FC30];
	[tilespmem:v52+s11+$0x0] =	vst.idx.msk $0xffff, v55  }
0x325: {  	v63 =	vor.u32 v51, v10;
	v53 =	vld.idx.msk [tilespmem:v62+s9+$0x0], $0xffff  }
0x326: {  	v62 =	vld [tilespmem:$0x1FC40];
	_ =	sdelay $0x2  }
0x327: {  	v56 =	vshll.u32 v50, $0xA;
	v52 =	vmov s20  }
0x328: {  	s20 =	simm.s32 $0x2;
	v55 =	vshll.u32 v52, $0x5;
	v54 =	vor.u32 v60, v56;
	v50 =	vld.idx.msk [tilespmem:v63+s9+$0x0], $0xffff  }
.LBB2_53:
0x329: {  	p0 =	sne.s32 s20, $0x31;
	v57 =	vadd.s32 v5, v55;
	v56 =	vor.u32 v62, v56  }
0x32a: {  	v55 =	vadd.s32 v9, v55;
	v57 =	vor.u32 v51, v57  }
0x32b: {  	v58 =	vor.u32 v51, v55  }
.Ltmp25:
0x32c: {  	(pc) =	sbr.rel @p0 .LBB2_53-.Ltmp25, $4  }
0x32d: {  	[tilespmem:v54+s11+$0x0] =	vst.idx.msk $0xffff, v53  }
0x32e: {  	[tilespmem:v56+s11+$0x0] =	vst.idx.msk $0xffff, v50  }
0x32f: {  	v56 =	vshll.u32 v52, $0xA;
	v52 =	vmov s20;
	v53 =	vld.idx.msk [tilespmem:v57+s9+$0x0], $0xffff  }
0x330: {  	s20 =	sadd.s32 $0x1, s20;
	v55 =	vshll.u32 v52, $0x5;
	v54 =	vor.u32 v60, v56;
	v50 =	vld.idx.msk [tilespmem:v58+s9+$0x0], $0xffff  }
0x331: {  	_ =	sdelay $0x1  }
0x332: {  	v57 =	vadd.s32 v5, v55  }
0x333: {  	v56 =	vor.u32 v62, v56;
	v58 =	vadd.s32 v9, v55;
	v52 =	vshll.u32 v52, $0xA;
	v10 =	vld [tilespmem:$0x1FE50]  }
0x334: {  	v57 =	vor.u32 v51, v57;
	[tilespmem:v54+s11+$0x0] =	vst.idx.msk $0xffff, v53;
	v54 =	vor.u32 v60, v52;
	v60 =	vld [tilespmem:$0x1FCE0]  }
0x335: {  	v55 =	vor.u32 v51, v58;
	_ =	sdelay $0x1  }
0x336: {  	s20 =	simm.s32 $0x0  }
0x337: {  	[tilespmem:v56+s11+$0x0] =	vst.idx.msk $0xffff, v50;
	v50 =	vmov s20  }
0x338: {  	v53 =	vld.idx.msk [tilespmem:v57+s9+$0x0], $0xffff;
	v56 =	vshll.u32 v50, $0x5;
	v51 =	vcombine.low v60, v10  }
0x339: {  	v52 =	vor.u32 v62, v52;
	v55 =	vld.idx.msk [tilespmem:v55+s9+$0x0], $0xffff;
	v10 =	vadd.s32 v5, v56  }
0x33a: {  	[tilespmem:$0x1FAB0] =	vst v10;
	v63 =	vor.u32 v51, v10;
	v10 =	vadd.s32 v9, v56  }
0x33b: {  	[tilespmem:$0x1FAC0] =	vst v10;
	v58 =	vor.u32 v51, v10;
	v10 =	vld [tilespmem:$0x1FE60]  }
0x33c: {  	v62 =	vld [tilespmem:$0x1FE70]  }
0x33d: {  	[tilespmem:v54+s11+$0x0] =	vst.idx.msk $0xffff, v53  }
0x33e: {  	s20 =	simm.s32 $0x1;
	[tilespmem:v52+s11+$0x0] =	vst.idx.msk $0xffff, v55  }
0x33f: {  	v57 =	vshll.u32 v50, $0xA;
	v52 =	vmov s20;
	v53 =	vld.idx.msk [tilespmem:v63+s9+$0x0], $0xffff  }
0x340: {  	s21 =	simm.s32 $0x2;
	v56 =	vshll.u32 v52, $0x5;
	v54 =	vld.idx.msk [tilespmem:v58+s9+$0x0], $0xffff;
	v55 =	vor.u32 v10, v57  }
.LBB2_55:
0x341: {  	p0 =	sne.s32 s21, $0x31;
	v58 =	vadd.s32 v5, v56;
	v57 =	vor.u32 v62, v57  }
0x342: {  	v56 =	vadd.s32 v9, v56;
	v58 =	vor.u32 v51, v58  }
0x343: {  	v60 =	vor.u32 v51, v56  }
.Ltmp26:
0x344: {  	(pc) =	sbr.rel @p0 .LBB2_55-.Ltmp26, $4  }
0x345: {  	[tilespmem:v55+s11+$0x0] =	vst.idx.msk $0xffff, v53  }
0x346: {  	[tilespmem:v57+s11+$0x0] =	vst.idx.msk $0xffff, v54  }
0x347: {  	v57 =	vshll.u32 v52, $0xA;
	v52 =	vmov s21;
	v53 =	vld.idx.msk [tilespmem:v58+s9+$0x0], $0xffff  }
0x348: {  	s21 =	sadd.s32 $0x1, s21;
	v56 =	vshll.u32 v52, $0x5;
	v55 =	vor.u32 v10, v57;
	v54 =	vld.idx.msk [tilespmem:v60+s9+$0x0], $0xffff  }
0x349: {  	v57 =	vor.u32 v62, v57;
	_ =	sdelay $0x3  }
0x34a: {  	v52 =	vshll.u32 v52, $0xA;
	v60 =	vld [tilespmem:$0x1FD40];
	[tilespmem:v55+s11+$0x0] =	vst.idx.msk $0xffff, v53  }
0x34b: {  	[tilespmem:v57+s11+$0x0] =	vst.idx.msk $0xffff, v54;
	v54 =	vor.u32 v10, v52;
	v10 =	vld [tilespmem:$0x1FE80];
	_ =	sdelay $0x3  }
0x34c: {  	v58 =	vadd.s32 v5, v56;
	v63 =	vadd.s32 v9, v56  }
0x34d: {  	v58 =	vor.u32 v51, v58;
	v56 =	vor.u32 v51, v63;
	v51 =	vcombine.low v60, v10;
	v10 =	vld [tilespmem:$0x1FAB0];
	_ =	sdelay $0x4  }
0x34e: {  	v52 =	vor.u32 v62, v52;
	v62 =	vor.u32 v51, v10;
	v10 =	vld [tilespmem:$0x1FAC0];
	_ =	sdelay $0x1  }
0x34f: {  	v53 =	vld.idx.msk [tilespmem:v58+s9+$0x0], $0xffff  }
0x350: {  	v55 =	vld.idx.msk [tilespmem:v56+s9+$0x0], $0xffff;
	_ =	sdelay $0x1  }
0x351: {  	v63 =	vor.u32 v51, v10;
	v10 =	vld [tilespmem:$0x1FE90]  }
0x352: {  	v60 =	vld [tilespmem:$0x1FEA0]  }
0x353: {  	[tilespmem:v54+s11+$0x0] =	vst.idx.msk $0xffff, v53  }
0x354: {  	[tilespmem:v52+s11+$0x0] =	vst.idx.msk $0xffff, v55  }
0x355: {  	v56 =	vshll.u32 v50, $0xA;
	v52 =	vmov s20;
	v53 =	vld.idx.msk [tilespmem:v62+s9+$0x0], $0xffff  }
0x356: {  	s20 =	simm.s32 $0x2;
	v55 =	vshll.u32 v52, $0x5;
	v62 =	vlaneseq.u32;
	v50 =	vld.idx.msk [tilespmem:v63+s9+$0x0], $0xffff;
	v54 =	vor.u32 v10, v56  }
.LBB2_57:
0x357: {  	p0 =	sne.s32 s20, $0x31;
	v57 =	vadd.s32 v5, v55;
	v56 =	vor.u32 v60, v56  }
0x358: {  	v55 =	vadd.s32 v9, v55;
	v57 =	vor.u32 v51, v57  }
0x359: {  	v58 =	vor.u32 v51, v55  }
.Ltmp27:
0x35a: {  	(pc) =	sbr.rel @p0 .LBB2_57-.Ltmp27, $4  }
0x35b: {  	[tilespmem:v54+s11+$0x0] =	vst.idx.msk $0xffff, v53  }
0x35c: {  	[tilespmem:v56+s11+$0x0] =	vst.idx.msk $0xffff, v50  }
0x35d: {  	v56 =	vshll.u32 v52, $0xA;
	v52 =	vmov s20;
	v53 =	vld.idx.msk [tilespmem:v57+s9+$0x0], $0xffff  }
0x35e: {  	s20 =	sadd.s32 $0x1, s20;
	v55 =	vshll.u32 v52, $0x5;
	v54 =	vor.u32 v10, v56;
	v50 =	vld.idx.msk [tilespmem:v58+s9+$0x0], $0xffff  }
0x35f: {  	_ =	sdelay $0x2  }
0x360: {  	v52 =	vshll.u32 v52, $0xA;
	v58 =	vld [tilespmem:$0x1FD60]  }
0x361: {  	v56 =	vor.u32 v60, v56;
	[tilespmem:v54+s11+$0x0] =	vst.idx.msk $0xffff, v53;
	v54 =	vor.u32 v10, v52;
	v10 =	vld [tilespmem:$0x1FEB0];
	_ =	sdelay $0x2  }
0x362: {  	v57 =	vadd.s32 v5, v55  }
0x363: {  	v63 =	vadd.s32 v9, v55;
	v57 =	vor.u32 v51, v57  }
0x364: {  	v51 =	vor.u32 v51, v63;
	[tilespmem:v56+s11+$0x0] =	vst.idx.msk $0xffff, v50;
	v50 =	vsel vm1, v10, v58;
	v10 =	vld [tilespmem:$0x1FFC0];
	_ =	sdelay $0x1  }
0x365: {  	s20 =	simm.s32 $0x0  }
0x366: {  	v63 =	vmov s20  }
0x367: {  	v55 =	vshll.u32 v63, $0x5;
	v53 =	vld.idx.msk [tilespmem:v57+s9+$0x0], $0xffff  }
0x368: {  	v52 =	vor.u32 v60, v52;
	v60 =	vadd.s32 v5, v55;
	v56 =	vld.idx.msk [tilespmem:v51+s9+$0x0], $0xffff;
	v58 =	vsel vm2, v10, v50  }
0x369: {  	[tilespmem:$0x1FA80] =	vst v60;
	v60 =	vor.u32 v58, v60;
	_ =	sdelay $0x2  }
0x36a: {  	[tilespmem:v54+s11+$0x0] =	vst.idx.msk $0xffff, v53  }
0x36b: {  	[tilespmem:v52+s11+$0x0] =	vst.idx.msk $0xffff, v56  }
0x36c: {  	v55 =	vadd.s32 v9, v55;
	v53 =	vld.idx.msk [tilespmem:v60+s9+$0x0], $0xffff  }
0x36d: {  	[tilespmem:$0x1FA90] =	vst v55;
	v55 =	vor.u32 v58, v55;
	v60 =	vld [tilespmem:$0x1FEC0]  }
0x36e: {  	v51 =	vld [tilespmem:$0x1FED0];
	_ =	sdelay $0x1  }
0x36f: {  	s20 =	simm.s32 $0x1  }
0x370: {  	v57 =	vshll.u32 v63, $0xA;
	v52 =	vmov s20  }
0x371: {  	s21 =	simm.s32 $0x2;
	v56 =	vshll.u32 v52, $0x5;
	[tilespmem:$0x1FAA0] =	vst v58;
	v54 =	vld.idx.msk [tilespmem:v55+s9+$0x0], $0xffff;
	v55 =	vor.u32 v60, v57  }
.LBB2_59:
0x372: {  	v58 =	vadd.s32 v5, v56;
	v60 =	vsel vm2, v10, v50;
	v57 =	vor.u32 v51, v57  }
0x373: {  	v58 =	vor.u32 v60, v58;
	_ =	sdelay $0x2  }
0x374: {  	[tilespmem:v55+s11+$0x0] =	vst.idx.msk $0xffff, v53  }
0x375: {  	[tilespmem:v57+s11+$0x0] =	vst.idx.msk $0xffff, v54  }
0x376: {  	v56 =	vadd.s32 v9, v56;
	v53 =	vld.idx.msk [tilespmem:v58+s9+$0x0], $0xffff  }
0x377: {  	p0 =	sne.s32 s21, $0x31;
	v60 =	vor.u32 v60, v56;
	v58 =	vld [tilespmem:$0x1FEC0]  }
.Ltmp28:
0x378: {  	_ = 	snop;
	(pc) =	sbr.rel @p0 .LBB2_59-.Ltmp28, $3  }
0x379: {  	_ =	sdelay $0x1  }
0x37a: {  	v57 =	vshll.u32 v52, $0xA;
	v52 =	vmov s21  }
0x37b: {  	s21 =	sadd.s32 $0x1, s21;
	v56 =	vshll.u32 v52, $0x5;
	v54 =	vld.idx.msk [tilespmem:v60+s9+$0x0], $0xffff;
	v55 =	vor.u32 v58, v57  }
0x37c: {  	v16 =	vld [tilespmem:$0x1FAA0];
	_ =	sdelay $0x3  }
0x37d: {  	v50 =	vadd.s32 v5, v56;
	v57 =	vor.u32 v51, v57  }
0x37e: {  	v60 =	vadd.s32 v9, v56;
	v50 =	vor.u32 v16, v50  }
0x37f: {  	v56 =	vor.u32 v16, v60  }
0x380: {  	v60 =	vshll.u32 v52, $0xA;
	v52 =	vld [tilespmem:$0x1FC60]  }
0x381: {  	[tilespmem:v55+s11+$0x0] =	vst.idx.msk $0xffff, v53;
	v16 =	vld [tilespmem:$0x1FF10]  }
0x382: {  	[tilespmem:v57+s11+$0x0] =	vst.idx.msk $0xffff, v54  }
0x383: {  	v55 =	vor.u32 v58, v60;
	v54 =	vld.idx.msk [tilespmem:v50+s9+$0x0], $0xffff  }
0x384: {  	v53 =	vor.u32 v51, v60;
	v57 =	vld.idx.msk [tilespmem:v56+s9+$0x0], $0xffff;
	_ =	sdelay $0x1  }
0x385: {  	v52 =	vsel vm1, v16, v52;
	v16 =	vld [tilespmem:$0x1FF20]  }
0x386: {  	v56 =	vld [tilespmem:$0x1FA80]  }
0x387: {  	v58 =	vld [tilespmem:$0x1FA90];
	[tilespmem:v55+s11+$0x0] =	vst.idx.msk $0xffff, v54  }
0x388: {  	[tilespmem:v53+s11+$0x0] =	vst.idx.msk $0xffff, v57;
	v57 =	vshll.u32 v63, $0xA;
	v63 =	vld [tilespmem:$0x1FEE0];
	_ =	sdelay $0x1  }
0x389: {  	v50 =	vsel vm2, v16, v52  }
0x38a: {  	v56 =	vor.u32 v50, v56  }
0x38b: {  	v60 =	vor.u32 v50, v58  }
0x38c: {  	v55 =	vor.u32 v63, v57;
	v63 =	vld [tilespmem:$0x1FEF0];
	_ =	sdelay $0x2  }
0x38d: {  	v51 =	vmov s20;
	v53 =	vld.idx.msk [tilespmem:v56+s9+$0x0], $0xffff  }
0x38e: {  	s20 =	simm.s32 $0x2;
	v56 =	vshll.u32 v51, $0x5;
	v54 =	vld.idx.msk [tilespmem:v60+s9+$0x0], $0xffff  }
.LBB2_61:
0x38f: {  	v58 =	vadd.s32 v5, v56;
	v60 =	vsel vm2, v16, v52;
	v57 =	vor.u32 v63, v57  }
0x390: {  	v58 =	vor.u32 v60, v58;
	_ =	sdelay $0x2  }
0x391: {  	[tilespmem:v55+s11+$0x0] =	vst.idx.msk $0xffff, v53  }
0x392: {  	[tilespmem:v57+s11+$0x0] =	vst.idx.msk $0xffff, v54  }
0x393: {  	v56 =	vadd.s32 v9, v56;
	v53 =	vld.idx.msk [tilespmem:v58+s9+$0x0], $0xffff  }
0x394: {  	p0 =	sne.s32 s20, $0x31;
	v60 =	vor.u32 v60, v56;
	v58 =	vld [tilespmem:$0x1FEE0]  }
.Ltmp29:
0x395: {  	_ = 	snop;
	(pc) =	sbr.rel @p0 .LBB2_61-.Ltmp29, $3  }
0x396: {  	_ =	sdelay $0x1  }
0x397: {  	v57 =	vshll.u32 v51, $0xA;
	v51 =	vmov s20  }
0x398: {  	s20 =	sadd.s32 $0x1, s20;
	v56 =	vshll.u32 v51, $0x5;
	v54 =	vld.idx.msk [tilespmem:v60+s9+$0x0], $0xffff;
	v55 =	vor.u32 v58, v57  }
0x399: {  	v57 =	vor.u32 v63, v57;
	v60 =	vadd.s32 v9, v56  }
0x39a: {  	v52 =	vadd.s32 v5, v56;
	v56 =	vor.u32 v50, v60;
	_ =	sdelay $0x2  }
0x39b: {  	[tilespmem:v55+s11+$0x0] =	vst.idx.msk $0xffff, v53;
	v51 =	vshll.u32 v51, $0xA;
	v16 =	vld [tilespmem:$0x1FF30]  }
0x39c: {  	v53 =	vor.u32 v58, v51;
	v58 =	vld [tilespmem:$0x1FCC0];
	[tilespmem:v57+s11+$0x0] =	vst.idx.msk $0xffff, v54  }
0x39d: {  	v52 =	vor.u32 v50, v52;
	v55 =	vld.idx.msk [tilespmem:v56+s9+$0x0], $0xffff  }
0x39e: {  	v56 =	vor.u32 v63, v51;
	v51 =	vld [tilespmem:$0x1FF40];
	_ =	sdelay $0x1  }
0x39f: {  	s20 =	simm.s32 $0x0  }
0x3a0: {  	v60 =	vmov s20  }
0x3a1: {  	v54 =	vshll.u32 v60, $0x5;
	v52 =	vld.idx.msk [tilespmem:v52+s9+$0x0], $0xffff;
	v50 =	vsel vm1, v16, v58  }
0x3a2: {  	v16 =	vadd.s32 v5, v54;
	v58 =	vsel vm2, v51, v50  }
0x3a3: {  	v63 =	vor.u32 v58, v16;
	_ =	sdelay $0x2  }
0x3a4: {  	[tilespmem:v53+s11+$0x0] =	vst.idx.msk $0xffff, v52  }
0x3a5: {  	[tilespmem:v56+s11+$0x0] =	vst.idx.msk $0xffff, v55  }
0x3a6: {  	[tilespmem:$0x1FA40] =	vst v16;
	v16 =	vadd.s32 v9, v54;
	v53 =	vld.idx.msk [tilespmem:v63+s9+$0x0], $0xffff  }
0x3a7: {  	v54 =	vor.u32 v58, v16;
	v63 =	vld [tilespmem:$0x1FFD0]  }
0x3a8: {  	[tilespmem:$0x1FA50] =	vst v16;
	v16 =	vld [tilespmem:$0x1FF00];
	_ =	sdelay $0x1  }
0x3a9: {  	s20 =	simm.s32 $0x1  }
0x3aa: {  	[tilespmem:$0x1FA70] =	vst v60;
	v57 =	vshll.u32 v60, $0xA;
	v52 =	vmov s20  }
0x3ab: {  	s21 =	simm.s32 $0x2;
	[tilespmem:$0x1FA60] =	vst v58;
	v56 =	vshll.u32 v52, $0x5;
	v54 =	vld.idx.msk [tilespmem:v54+s9+$0x0], $0xffff;
	v55 =	vor.u32 v63, v57  }
.LBB2_63:
0x3ac: {  	p0 =	sne.s32 s21, $0x31;
	v58 =	vadd.s32 v5, v56;
	v60 =	vsel vm2, v51, v50;
	v57 =	vor.u32 v16, v57  }
0x3ad: {  	v56 =	vadd.s32 v9, v56;
	v58 =	vor.u32 v60, v58  }
0x3ae: {  	v60 =	vor.u32 v60, v56  }
.Ltmp30:
0x3af: {  	(pc) =	sbr.rel @p0 .LBB2_63-.Ltmp30, $4  }
0x3b0: {  	[tilespmem:v55+s11+$0x0] =	vst.idx.msk $0xffff, v53  }
0x3b1: {  	[tilespmem:v57+s11+$0x0] =	vst.idx.msk $0xffff, v54  }
0x3b2: {  	v57 =	vshll.u32 v52, $0xA;
	v52 =	vmov s21;
	v53 =	vld.idx.msk [tilespmem:v58+s9+$0x0], $0xffff  }
0x3b3: {  	s21 =	sadd.s32 $0x1, s21;
	v56 =	vshll.u32 v52, $0x5;
	v55 =	vor.u32 v63, v57;
	v54 =	vld.idx.msk [tilespmem:v60+s9+$0x0], $0xffff  }
0x3b4: {  	v51 =	vld [tilespmem:$0x1FA60];
	_ =	sdelay $0x1  }
0x3b5: {  	v57 =	vor.u32 v16, v57;
	_ =	sdelay $0x1  }
0x3b6: {  	v60 =	vadd.s32 v9, v56;
	v58 =	vld [tilespmem:$0x1FD20]  }
0x3b7: {  	v50 =	vadd.s32 v5, v56;
	v56 =	vor.u32 v51, v60;
	v60 =	vld [tilespmem:$0x1FF50]  }
0x3b8: {  	v52 =	vshll.u32 v52, $0xA;
	[tilespmem:v55+s11+$0x0] =	vst.idx.msk $0xffff, v53;
	v50 =	vor.u32 v51, v50  }
0x3b9: {  	[tilespmem:v57+s11+$0x0] =	vst.idx.msk $0xffff, v54;
	v54 =	vor.u32 v63, v52;
	v52 =	vor.u32 v16, v52;
	v16 =	vld [tilespmem:$0x1FA40];
	_ =	sdelay $0x2  }
0x3ba: {  	v51 =	vsel vm1, v60, v58  }
0x3bb: {  	v53 =	vld.idx.msk [tilespmem:v50+s9+$0x0], $0xffff;
	v50 =	vsel vm2, v23, v51  }
0x3bc: {  	v63 =	vor.u32 v50, v16;
	v16 =	vld [tilespmem:$0x1FA50];
	_ =	sdelay $0x4  }
0x3bd: {  	v58 =	vor.u32 v50, v16;
	v16 =	vld [tilespmem:$0x1FA70];
	_ =	sdelay $0x2  }
0x3be: {  	v55 =	vld.idx.msk [tilespmem:v56+s9+$0x0], $0xffff;
	_ =	sdelay $0x1  }
0x3bf: {  	v57 =	vshll.u32 v16, $0xA;
	v16 =	vld [tilespmem:$0x1FFE0]  }
0x3c0: {  	[tilespmem:$0x1FA30] =	vst v50;
	v50 =	vld [tilespmem:$0x1FFF0]  }
0x3c1: {  	[tilespmem:v54+s11+$0x0] =	vst.idx.msk $0xffff, v53  }
0x3c2: {  	[tilespmem:v52+s11+$0x0] =	vst.idx.msk $0xffff, v55  }
0x3c3: {  	v52 =	vmov s20;
	v53 =	vld.idx.msk [tilespmem:v63+s9+$0x0], $0xffff  }
0x3c4: {  	s21 =	simm.s32 $0x2;
	v56 =	vshll.u32 v52, $0x5;
	v54 =	vld.idx.msk [tilespmem:v58+s9+$0x0], $0xffff;
	v55 =	vor.u32 v16, v57  }
.LBB2_65:
0x3c5: {  	p0 =	sne.s32 s21, $0x31;
	v58 =	vadd.s32 v5, v56;
	v60 =	vsel vm2, v23, v51;
	v57 =	vor.u32 v50, v57  }
0x3c6: {  	v56 =	vadd.s32 v9, v56;
	v58 =	vor.u32 v60, v58  }
0x3c7: {  	v60 =	vor.u32 v60, v56  }
.Ltmp31:
0x3c8: {  	s20 =	simm.s32 $0xCE40;
	(pc) =	sbr.rel @p0 .LBB2_65-.Ltmp31, $4  }
0x3c9: {  	[tilespmem:v55+s20+$0x0] =	vst.idx.msk $0xffff, v53  }
0x3ca: {  	[tilespmem:v57+s20+$0x0] =	vst.idx.msk $0xffff, v54  }
0x3cb: {  	v57 =	vshll.u32 v52, $0xA;
	v52 =	vmov s21;
	v53 =	vld.idx.msk [tilespmem:v58+s9+$0x0], $0xffff  }
0x3cc: {  	s21 =	sadd.s32 $0x1, s21;
	v56 =	vshll.u32 v52, $0x5;
	v55 =	vor.u32 v16, v57;
	v54 =	vld.idx.msk [tilespmem:v60+s9+$0x0], $0xffff  }
0x3cd: {  	v58 =	vld [tilespmem:$0x1FA30];
	_ =	sdelay $0x3  }
0x3ce: {  	v51 =	vadd.s32 v5, v56;
	v57 =	vor.u32 v50, v57  }
0x3cf: {  	v60 =	vadd.s32 v9, v56;
	v51 =	vor.u32 v58, v51  }
0x3d0: {  	v56 =	vor.u32 v58, v60;
	_ =	sdelay $0x1  }
0x3d1: {  	[tilespmem:v55+s20+$0x0] =	vst.idx.msk $0xffff, v53  }
0x3d2: {  	v52 =	vshll.u32 v52, $0xA;
	[tilespmem:v57+s20+$0x0] =	vst.idx.msk $0xffff, v54  }
0x3d3: {  	v63 =	vor.u32 v16, v52;
	v51 =	vld.idx.msk [tilespmem:v51+s9+$0x0], $0xffff  }
0x3d4: {  	v52 =	vor.u32 v50, v52;
	v54 =	vld.idx.msk [tilespmem:v56+s9+$0x0], $0xffff;
	_ =	sdelay $0x3  }
0x3d5: {  	[tilespmem:v63+s20+$0x0] =	vst.idx.msk $0xffff, v51  }
0x3d6: {  	s21 =	sadd.s32 $0x0, s19;
	s29 =	simm.s32 $0xCF40;
	s30 =	simm.s32 $0xD040;
	[tilespmem:v52+s20+$0x0] =	vst.idx.msk $0xffff, v54  }
0x3d7: {  	[hbm4b:s21+s12] =	stream.strided.scatter [tilespmem:s20], [sflag:$0x2], $0x100, s13, s12, $0x38;
	[tilespmem:$0x19640] =	vst v63  }
0x3d8: {  	s22 =	sadd.s32 $0x4000, s21;
	s31 =	sadd.s32 $0x8000, s21;
	s23 =	sadd.s32 $0xC000, s21  }
0x3d9: {  	[hbm4b:s22+s12] =	stream.strided.scatter [tilespmem:s29], [sflag:$0x2], $0x100, s13, s12, $0x38;
	[tilespmem:$0x19640] =	vst v63  }
0x3da: {  	s20 =	simm.s32 $0x10000;
	s21 =	simm.s32 $0xD240;
	s22 =	simm.s32 $0xD140  }
0x3db: {  	[hbm4b:s31+s12] =	stream.strided.scatter [tilespmem:s30], [sflag:$0x2], $0x100, s13, s12, $0x38;
	[tilespmem:$0x19640] =	vst v63  }
.LBB2_67:
0x3dc: {  	[hbm4b:s23+s12] =	stream.strided.scatter [tilespmem:s22], [sflag:$0x2], $0x100, s13, s12, $0x38;
	[tilespmem:$0x19640] =	vst v63  }
0x3dd: {  	s23 =	sadd.s32 s20, s19;
	p0 =	sne.s32 s20, $0x310000;
	s20 =	sadd.s32 $0x10000, s20  }
0x3de: {  	[hbm4b:s23+s12] =	stream.strided.scatter [tilespmem:s21], [sflag:$0x2], $0x100, s13, s12, $0x38;
	[tilespmem:$0x19640] =	vst v63  }
.Ltmp32:
0x3df: {  	s22 =	sadd.s32 $0x100, s21;
	s24 =	sadd.s32 $0x4000, s23;
	(pc) =	sbr.rel @p0 .LBB2_67-.Ltmp32, $4  }
0x3e0: {  	[hbm4b:s24+s12] =	stream.strided.scatter [tilespmem:s22], [sflag:$0x2], $0x100, s13, s12, $0x38;
	[tilespmem:$0x19640] =	vst v63  }
0x3e1: {  	s22 =	sadd.s32 $0x200, s21;
	s24 =	sadd.s32 $0x8000, s23  }
0x3e2: {  	[hbm4b:s24+s12] =	stream.strided.scatter [tilespmem:s22], [sflag:$0x2], $0x100, s13, s12, $0x38;
	[tilespmem:$0x19640] =	vst v63  }
0x3e3: {  	s23 =	sadd.s32 $0xC000, s23;
	s22 =	sadd.s32 $0x300, s21;
	s21 =	sadd.s32 $0x400, s21  }
0x3e4: {  	s18 =	sadd.s32 $0x1, s18  }
0x3e5: {  	p0 =	sne.s32 s18, $0x10  }
.Ltmp33:
0x3e6: {  	_ = 	snop;
	(pc) =	sbr.rel @p0 .LBB2_2-.Ltmp33, $3  }
0x3e7: {  	_ =	sdelay $0x1  }
0x3e8: {  	[hbm4b:s23+s12] =	stream.strided.scatter [tilespmem:s22], [sflag:$0x2], $0x100, s13, s12, $0x38;
	[tilespmem:$0x19640] =	vst v63  }
0x3e9: {  	s17 =	sadd.s32 $0x20, s17;
	s16 =	sadd.s32 $0x1, s16;
	v58 =	vmov v17  }
0x3ea: {  	s15 =	sadd.s32 $0x1, s15  }
0x3eb: {  	p0 =	sne.s32 s15, s6  }
.Ltmp34:
0x3ec: {  	_ = 	snop;
	(pc) =	sbr.rel @p0 .LBB2_1-.Ltmp34, $4  }
0x3ed: {  	_ = 	snop  }
0x3ee: {  	_ =	swait.ge [sflag:s14], $0xC800  }
0x3ef: {  	[sflag:s14] =	ssyncset.done $0x0  }
0x3f0: {  	[sflag:s14] =	ssyncadd.s32 $0xFFFF3800  }
0x3f1: {  	_ =	sfence.sel $0x180000  }
0x3f2: {  	[bflag:$0x0] =	sbarrier.arrive $0xFFFF  }
0x3f3: {  	p0 =	sne.s32 s3, $0x0;
	_ =	strace $0x90000047  }
0x3f4: {  	s0 =	sadd.s32 @!p0 $0x100000, s0;
	[bflag:$0x2] =	sbarrier.arrive $0xFFFF  }
0x3f5: {  	[sflag:s0] =	ssyncadd.tile.s32 @!p0 $0x1;
	_ =	shalt  }
.Lfunc_end2:
_tile_overlayer_lowered:
.L_overlay_start_2:
0x3f6: {  	(tag) =	ssettag $0x2  }
0x3f7: {  	s0 =	rddreg [dreg:$0x0];
	s2 =	stileid.u32  }
0x3f8: {  	s1 =	rddreg [dreg:$0x1];
	p0 =	sne.s32 s2, $0x0  }
0x3f9: {  	s3 =	rddreg [dreg:$0x2];
	[bflag:$0x3] =	sbarrier.arrive $0xFFFF;
	s2 =	simm.s32 @!p0 $0x1C03  }
0x3fa: {  	[timem:s3], [sflag:s2] =	dma.local @!p0 [hbm:s0], s1  }
0x3fb: {  	s0 =	simm.s32 @!p0 $0x3  }
0x3fc: {  	_ =	swait.ge @!p0 [sflag:s0], s1  }
0x3fd: {  	s1 =	ssub.s32 @!p0 $0x0, s1;
	[sflag:s0] =	ssyncset.done @!p0 $0x0  }
0x3fe: {  	[sflag:s0] =	ssyncadd.s32 @!p0 s1  }
0x3ff: {  	[bflag:$0x3] =	sbarrier.arrive $0xFFFF  }
0x400: {  	_ =	shalt  }

</sc_bundles>
